<compile_context>
chip_gen: v7x
topology: tpu7x:2x2x1
jax: 0.10.2.dev20260603
libtpu: 0.0.44.dev20260713+nightly
codegen_flags: <defaults>
</compile_context>

<pallas_src>
import functools

import jax
import jax.numpy as jnp
from jax import lax
from jax.experimental import pallas as pl
from jax.experimental.pallas import tpu as pltpu
from jax.experimental.pallas import tpu_sc as plsc

N = 10000
F = 128
E = 320000
NCLASS = 40

NC = 2
NS = 16
NW = NC * NS

CHUNK = 128
CPW = 80
NHALF = 2
HALF = CPW // NHALF
NBUF = 2
EPW = CPW * CHUNK
EPAD = NW * EPW
ZROWS = 10112
RPS = ZROWS // NS

BLK = 1000

_P = lax.Precision.HIGHEST


def _sc_agg(h, src_w, dst_w, zeros_rows):
    mesh = plsc.VectorSubcoreMesh(core_axis_name="c", subcore_axis_name="s")

    @functools.partial(
        pl.kernel,
        out_type=jax.ShapeDtypeStruct((NC, ZROWS, F), jnp.float32),
        mesh=mesh,
        scratch_types=[
            pltpu.VMEM((HALF, CHUNK), jnp.int32),
            pltpu.VMEM((HALF, CHUNK), jnp.int32),
            pltpu.VMEM((NBUF, CHUNK, F), jnp.float32),
            pltpu.VMEM_SHARED((ZROWS, F), jnp.float32),
        ] + [pltpu.SemaphoreType.DMA] * (2 * NBUF),
    )
    def k(h_hbm, src_hbm, dst_hbm, z_hbm, out_hbm, sidx, didx, bufs, acc,
          *sems):
        sg = sems[:NBUF]
        ss = sems[NBUF:]
        c = lax.axis_index("c")
        s = lax.axis_index("s")
        w = c * NS + s
        pltpu.sync_copy(z_hbm, acc.at[pl.ds(s * RPS, RPS)])
        plsc.subcore_barrier()

        @pl.loop(0, NHALF)
        def _(half):
            pltpu.sync_copy(src_hbm.at[w].at[half], sidx)
            pltpu.sync_copy(dst_hbm.at[w].at[half], didx)

            @pl.loop(0, HALF, step=2 * NBUF)
            def _(g):
                def gath(i, b):
                    return pltpu.async_copy(h_hbm.at[sidx.at[g + i]],
                                            bufs.at[b], sg[b])

                def scat(i, b):
                    return pltpu.async_copy(
                        bufs.at[b], acc.at[didx.at[g + i]], ss[b], add=True)

                d0, d1 = gath(0, 0), gath(1, 1)
                d0.wait()
                s0 = scat(0, 0)
                d1.wait()
                s1 = scat(1, 1)
                s0.wait()
                d2 = gath(2, 0)
                s1.wait()
                d3 = gath(3, 1)
                d2.wait()
                s2 = scat(2, 0)
                d3.wait()
                s3 = scat(3, 1)
                s2.wait()
                s3.wait()

        plsc.subcore_barrier()
        pltpu.sync_copy(acc.at[pl.ds(s * RPS, RPS)],
                        out_hbm.at[c].at[pl.ds(s * RPS, RPS)])

    return k(h, src_w, dst_w, zeros_rows)


def _tc_mlp(x, parts, w1, b1, w2, b2):

    def body(x_ref, p_ref, w1_ref, b1_ref, w2_ref, b2_ref, o_ref):
        h = x_ref[...] + p_ref[0] + p_ref[1]
        a = jnp.dot(h, w1_ref[...], precision=_P,
                    preferred_element_type=jnp.float32) + b1_ref[...]
        a = jnp.maximum(a, 0.0)
        o = jnp.dot(a, w2_ref[...], precision=_P,
                    preferred_element_type=jnp.float32) + b2_ref[...]
        o_ref[...] = jnp.maximum(o, 0.0)

    return pl.pallas_call(
        body,
        grid=(N // BLK,),
        in_specs=[
            pl.BlockSpec((BLK, F), lambda i: (i, 0)),
            pl.BlockSpec((NC, BLK, F), lambda i: (0, i, 0)),
            pl.BlockSpec((F, F), lambda i: (0, 0)),
            pl.BlockSpec((1, F), lambda i: (0, 0)),
            pl.BlockSpec((F, F), lambda i: (0, 0)),
            pl.BlockSpec((1, F), lambda i: (0, 0)),
        ],
        out_specs=pl.BlockSpec((BLK, F), lambda i: (i, 0)),
        out_shape=jax.ShapeDtypeStruct((N, F), jnp.float32),
    )(x, parts, w1, b1.reshape(1, F), w2, b2.reshape(1, F))


def _tc_head(h1, h2, h3, lw1, lb1, lw2p, lb2p):

    def body(h1_ref, h2_ref, h3_ref, w1_ref, b1_ref, w2_ref, b2_ref, o_ref):
        t = (jnp.dot(h1_ref[...], w1_ref[0], precision=_P,
                     preferred_element_type=jnp.float32)
             + jnp.dot(h2_ref[...], w1_ref[1], precision=_P,
                       preferred_element_type=jnp.float32)
             + jnp.dot(h3_ref[...], w1_ref[2], precision=_P,
                       preferred_element_type=jnp.float32)) + b1_ref[...]
        t = jnp.maximum(t, 0.0)
        o = jnp.dot(t, w2_ref[...], precision=_P,
                    preferred_element_type=jnp.float32) + b2_ref[...]
        m = jnp.max(o, axis=1, keepdims=True)
        lse = jnp.log(jnp.sum(jnp.exp(o - m), axis=1, keepdims=True)) + m
        o_ref[...] = o - lse

    return pl.pallas_call(
        body,
        grid=(N // BLK,),
        in_specs=[
            pl.BlockSpec((BLK, F), lambda i: (i, 0)),
            pl.BlockSpec((BLK, F), lambda i: (i, 0)),
            pl.BlockSpec((BLK, F), lambda i: (i, 0)),
            pl.BlockSpec((3, F, 3 * F), lambda i: (0, 0, 0)),
            pl.BlockSpec((1, 3 * F), lambda i: (0, 0)),
            pl.BlockSpec((3 * F, F), lambda i: (0, 0)),
            pl.BlockSpec((1, F), lambda i: (0, 0)),
        ],
        out_specs=pl.BlockSpec((BLK, F), lambda i: (i, 0)),
        out_shape=jax.ShapeDtypeStruct((N, F), jnp.float32),
    )(h1, h2, h3, lw1, lb1.reshape(1, 3 * F), lw2p, lb2p.reshape(1, F))


def kernel(x, edge_index, gc1_w1, gc1_b1, gc1_w2, gc1_b2, gc2_w1, gc2_b1,
           gc2_w2, gc2_b2, gc3_w1, gc3_b1, gc3_w2, gc3_b2, lin1_w, lin1_b,
           lin2_w, lin2_b):
    src = edge_index[0]
    dst = edge_index[1]
    pad = EPAD - E
    src_w = jnp.concatenate(
        [src, jnp.zeros((pad,), src.dtype)]).reshape(NW, NHALF, HALF, CHUNK)
    dst_w = jnp.concatenate(
        [dst, jnp.full((pad,), N, dst.dtype)]).reshape(NW, NHALF, HALF, CHUNK)
    zeros_rows = jnp.zeros((RPS, F), jnp.float32)

    p1 = _sc_agg(x, src_w, dst_w, zeros_rows)
    h1 = _tc_mlp(x, p1, gc1_w1, gc1_b1, gc1_w2, gc1_b2)
    p2 = _sc_agg(h1, src_w, dst_w, zeros_rows)
    h2 = _tc_mlp(h1, p2, gc2_w1, gc2_b1, gc2_w2, gc2_b2)
    p3 = _sc_agg(h2, src_w, dst_w, zeros_rows)
    h3 = _tc_mlp(h2, p3, gc3_w1, gc3_b1, gc3_w2, gc3_b2)

    lw1 = lin1_w.reshape(3, F, 3 * F)
    lw2p = jnp.pad(lin2_w, ((0, 0), (0, F - NCLASS)))
    lb2p = jnp.concatenate(
        [lin2_b, jnp.full((F - NCLASS,), -1e30, jnp.float32)])
    out = _tc_head(h1, h2, h3, lw1, lin1_b, lw2p, lb2p)
    return out[:, :NCLASS]

# --- scband reference (transcript-rebuilt; emitter-appended) ---
"""Pipeline reference for scband-gin-30923764531499 (READ-ONLY COPY).

The authoritative reference and input builder live on the scoring server;
editing this copy changes nothing except your own understanding.
"""

import jax, jax.numpy as jnp
import numpy as np

N = 10000
E = 320000
NFEAT = 128
NHID = 128
NCLASS = 40


def _dense_init(key, fan_in, fan_out):
    return jax.random.normal(key, (fan_in, fan_out), dtype=jnp.float32) * (1.0 / np.sqrt(fan_in))


def setup_inputs(seed: int = 0):
    key = jax.random.key(seed)
    ks = jax.random.split(key, 16)
    inp = {}
    inp["x"] = jax.random.normal(ks[0], (N, NFEAT), dtype=jnp.float32)
    inp["edge_index"] = jax.random.randint(ks[1], (2, E), 0, N)
    dims = [(NFEAT, NHID), (NHID, NHID), (NHID, NHID), (NHID, NHID), (NHID, NHID), (NHID, NHID)]
    names = ["gc1_w1", "gc1_w2", "gc2_w1", "gc2_w2", "gc3_w1", "gc3_w2"]
    for i, (nm, (fi, fo)) in enumerate(zip(names, dims)):
        inp[nm] = _dense_init(ks[2 + i], fi, fo)
        inp[nm.replace("w", "b")] = jnp.zeros((fo,), dtype=jnp.float32)
    inp["lin1_w"] = _dense_init(ks[10], NHID * 3, NHID * 3)
    inp["lin1_b"] = jnp.zeros((NHID * 3,), dtype=jnp.float32)
    inp["lin2_w"] = _dense_init(ks[11], NHID * 3, NCLASS)
    inp["lin2_b"] = jnp.zeros((NCLASS,), dtype=jnp.float32)
    return inp


def _gin_conv(x, src, dst, w1, b1, w2, b2):
    # GINConv with eps=0: nn((1+eps)*x + sum_{j in N(i)} x_j)
    msg = jnp.take(x, src, axis=0)
    agg = jax.ops.segment_sum(msg, dst, num_segments=x.shape[0])
    h = x + agg
    h = jax.nn.relu(h @ w1 + b1)
    h = jax.nn.relu(h @ w2 + b2)
    return h


def reference(x, edge_index, gc1_w1, gc1_b1, gc1_w2, gc1_b2, gc2_w1, gc2_b1, gc2_w2, gc2_b2, gc3_w1, gc3_b1, gc3_w2, gc3_b2, lin1_w, lin1_b, lin2_w, lin2_b):
    src = edge_index[0]
    dst = edge_index[1]
    h1 = _gin_conv(x, src, dst, gc1_w1, gc1_b1, gc1_w2, gc1_b2)
    h2 = _gin_conv(h1, src, dst, gc2_w1, gc2_b1, gc2_w2, gc2_b2)
    h3 = _gin_conv(h2, src, dst, gc3_w1, gc3_b1, gc3_w2, gc3_b2)
    h = jnp.concatenate([h1, h2, h3], axis=1)
    h = jax.nn.relu(h @ lin1_w + lin1_b)
    # dropout is identity in eval mode
    h = h @ lin2_w + lin2_b
    return jax.nn.log_softmax(h, axis=1)

if __name__ == "__main__":
    import jax
    _d = setup_inputs()
    print(jax.jit(kernel)(*tuple(_d.values())))

</pallas_src>

<mosaic_0001>
#map = affine_map<(d0, d1) -> (0, 0)>
#map1 = affine_map<(d0, d1) -> (0, 0, 0, 0)>
#map2 = affine_map<(d0, d1) -> (0, 0, 0)>
module attributes {stable_mosaic.version = 14 : i64} {
  func.func @k(%arg0: i32, %arg1: i32, %arg2: memref<10000x128xf32, #tpu.memory_space<hbm>>, %arg3: memref<32x2x40x128xi32, #tpu.memory_space<hbm>>, %arg4: memref<32x2x40x128xi32, #tpu.memory_space<hbm>>, %arg5: memref<632x128xf32, #tpu.memory_space<hbm>>, %arg6: memref<2x10112x128xf32, #tpu.memory_space<hbm>>, %arg7: memref<40x128xi32, #tpu.memory_space<vmem>>, %arg8: memref<40x128xi32, #tpu.memory_space<vmem>>, %arg9: memref<2x128x128xf32, #tpu.memory_space<vmem>>, %arg10: memref<10112x128xf32, #tpu.memory_space<vmem_shared>>, %arg11: memref<!tpu.dma_semaphore, #tpu.memory_space<semaphore_mem>>, %arg12: memref<!tpu.dma_semaphore, #tpu.memory_space<semaphore_mem>>, %arg13: memref<!tpu.dma_semaphore, #tpu.memory_space<semaphore_mem>>, %arg14: memref<!tpu.dma_semaphore, #tpu.memory_space<semaphore_mem>>) attributes {dimension_semantics = [#tpu.dimension_semantics<core_parallel>, #tpu.dimension_semantics<subcore_parallel>], iteration_bounds = array<i64: 2, 16>, scalar_prefetch = 0 : i64, scratch_operands = 8 : i64, tpu.core_type = #tpu.core_type<sc_vector_subcore>, window_params = [{transform_indices = #map}, {transform_indices = #map1}, {transform_indices = #map1}, {transform_indices = #map}, {transform_indices = #map2}]} {
    %mul3A = arith.constant 16 : i32
    %mul3A_0 = arith.muli %arg0, %mul3A : i32
    %add3A = arith.addi %mul3A_0, %arg1 : i32
    %mul3A_1 = arith.constant 632 : i32
    %mul3A_2 = arith.muli %arg1, %mul3A_1 : i32
    "tpu.region"() ({
      %run_scoped3A = tpu.sem_alloc : memref<!tpu.dma_semaphore, #tpu.memory_space<semaphore_mem>>
      %dma_start3A = arith.constant 0 : i32
      %dma_start3A_12 = tpu.memref_slice %arg10[%mul3A_2, %dma_start3A] : memref<10112x128xf32, #tpu.memory_space<vmem_shared>> -> memref<632x128xf32, #tpu.memory_space<vmem_shared>>
      tpu.enqueue_dma source(%arg5 : memref<632x128xf32, #tpu.memory_space<hbm>>) target(%dma_start3A_12 : memref<632x128xf32, #tpu.memory_space<vmem_shared>>) target_semaphore(%run_scoped3A : memref<!tpu.dma_semaphore, #tpu.memory_space<semaphore_mem>>)
      %dma_wait3A = arith.constant 0 : i32
      %dma_wait3A_13 = tpu.memref_slice %arg10[%mul3A_2, %dma_wait3A] : memref<10112x128xf32, #tpu.memory_space<vmem_shared>> -> memref<632x128xf32, #tpu.memory_space<vmem_shared>>
      tpu.wait_dma2 semaphore(%run_scoped3A : memref<!tpu.dma_semaphore, #tpu.memory_space<semaphore_mem>>) src(%arg5 : memref<632x128xf32, #tpu.memory_space<hbm>>) dst(%dma_wait3A_13 : memref<632x128xf32, #tpu.memory_space<vmem_shared>>)
      tpu.yield
    }) : () -> ()
    %barrier3A = arith.constant 0 : index
    tpu.barrier barrier_id(%barrier3A)
    %scan3A = arith.constant 0 : i32
    %scan3A_3 = arith.constant 2 : i32
    %scan3A_4 = arith.addi %scan3A, %scan3A_3 : i32
    %scan3A_5 = arith.constant 1 : i32
    scf.for %scan3A_12 = %scan3A to %scan3A_4 step %scan3A_5  : i32 {
      %mul3A_13 = arith.constant 1 : i32
      %mul3A_14 = arith.muli %scan3A_12, %mul3A_13 : i32
      %add3A_15 = arith.constant 0 : i32
      %add3A_16 = arith.addi %add3A_15, %mul3A_14 : i32
      "tpu.region"() ({
        %run_scoped3A = tpu.sem_alloc : memref<!tpu.dma_semaphore, #tpu.memory_space<semaphore_mem>>
        %dma_start3A = arith.constant 0 : i32
        %dma_start3A_22 = arith.constant 0 : i32
        %dma_start3A_23 = arith.constant 0 : i32
        %dma_start3A_24 = tpu.memref_slice %arg3[%add3A, %dma_start3A, %dma_start3A_22, %dma_start3A_23] : memref<32x2x40x128xi32, #tpu.memory_space<hbm>> -> memref<1x2x40x128xi32, #tpu.memory_space<hbm>>
        %dma_start3A_25 = tpu.memref_squeeze %dma_start3A_24 : memref<1x2x40x128xi32, #tpu.memory_space<hbm>> -> memref<2x40x128xi32, #tpu.memory_space<hbm>>
        %dma_start3A_26 = arith.constant 0 : i32
        %dma_start3A_27 = arith.constant 0 : i32
        %dma_start3A_28 = tpu.memref_slice %dma_start3A_25[%add3A_16, %dma_start3A_26, %dma_start3A_27] : memref<2x40x128xi32, #tpu.memory_space<hbm>> -> memref<1x40x128xi32, #tpu.memory_space<hbm>>
        %dma_start3A_29 = tpu.memref_squeeze %dma_start3A_28 : memref<1x40x128xi32, #tpu.memory_space<hbm>> -> memref<40x128xi32, #tpu.memory_space<hbm>>
        %dma_start3A_30 = arith.constant 0 : i32
        %dma_start3A_31 = arith.constant 0 : i32
        %dma_start3A_32 = arith.constant 0 : i32
        %dma_start3A_33 = tpu.memref_slice %arg3[%add3A, %dma_start3A_30, %dma_start3A_31, %dma_start3A_32] : memref<32x2x40x128xi32, #tpu.memory_space<hbm>> -> memref<1x2x40x128xi32, #tpu.memory_space<hbm>>
        %dma_start3A_34 = tpu.memref_squeeze %dma_start3A_33 : memref<1x2x40x128xi32, #tpu.memory_space<hbm>> -> memref<2x40x128xi32, #tpu.memory_space<hbm>>
        %dma_start3A_35 = arith.constant 0 : i32
        %dma_start3A_36 = arith.constant 0 : i32
        %dma_start3A_37 = tpu.memref_slice %dma_start3A_34[%add3A_16, %dma_start3A_35, %dma_start3A_36] : memref<2x40x128xi32, #tpu.memory_space<hbm>> -> memref<1x40x128xi32, #tpu.memory_space<hbm>>
        %dma_start3A_38 = tpu.memref_squeeze %dma_start3A_37 : memref<1x40x128xi32, #tpu.memory_space<hbm>> -> memref<40x128xi32, #tpu.memory_space<hbm>>
        tpu.enqueue_dma source(%dma_start3A_38 : memref<40x128xi32, #tpu.memory_space<hbm>>) target(%arg7 : memref<40x128xi32, #tpu.memory_space<vmem>>) target_semaphore(%run_scoped3A : memref<!tpu.dma_semaphore, #tpu.memory_space<semaphore_mem>>)
        %dma_wait3A = arith.constant 0 : i32
        %dma_wait3A_39 = arith.constant 0 : i32
        %dma_wait3A_40 = arith.constant 0 : i32
        %dma_wait3A_41 = tpu.memref_slice %arg3[%add3A, %dma_wait3A, %dma_wait3A_39, %dma_wait3A_40] : memref<32x2x40x128xi32, #tpu.memory_space<hbm>> -> memref<1x2x40x128xi32, #tpu.memory_space<hbm>>
        %dma_wait3A_42 = tpu.memref_squeeze %dma_wait3A_41 : memref<1x2x40x128xi32, #tpu.memory_space<hbm>> -> memref<2x40x128xi32, #tpu.memory_space<hbm>>
        %dma_wait3A_43 = arith.constant 0 : i32
        %dma_wait3A_44 = arith.constant 0 : i32
        %dma_wait3A_45 = tpu.memref_slice %dma_wait3A_42[%add3A_16, %dma_wait3A_43, %dma_wait3A_44] : memref<2x40x128xi32, #tpu.memory_space<hbm>> -> memref<1x40x128xi32, #tpu.memory_space<hbm>>
        %dma_wait3A_46 = tpu.memref_squeeze %dma_wait3A_45 : memref<1x40x128xi32, #tpu.memory_space<hbm>> -> memref<40x128xi32, #tpu.memory_space<hbm>>
        %dma_wait3A_47 = arith.constant 0 : i32
        %dma_wait3A_48 = arith.constant 0 : i32
        %dma_wait3A_49 = arith.constant 0 : i32
        %dma_wait3A_50 = tpu.memref_slice %arg3[%add3A, %dma_wait3A_47, %dma_wait3A_48, %dma_wait3A_49] : memref<32x2x40x128xi32, #tpu.memory_space<hbm>> -> memref<1x2x40x128xi32, #tpu.memory_space<hbm>>
        %dma_wait3A_51 = tpu.memref_squeeze %dma_wait3A_50 : memref<1x2x40x128xi32, #tpu.memory_space<hbm>> -> memref<2x40x128xi32, #tpu.memory_space<hbm>>
        %dma_wait3A_52 = arith.constant 0 : i32
        %dma_wait3A_53 = arith.constant 0 : i32
        %dma_wait3A_54 = tpu.memref_slice %dma_wait3A_51[%add3A_16, %dma_wait3A_52, %dma_wait3A_53] : memref<2x40x128xi32, #tpu.memory_space<hbm>> -> memref<1x40x128xi32, #tpu.memory_space<hbm>>
        %dma_wait3A_55 = tpu.memref_squeeze %dma_wait3A_54 : memref<1x40x128xi32, #tpu.memory_space<hbm>> -> memref<40x128xi32, #tpu.memory_space<hbm>>
        tpu.wait_dma2 semaphore(%run_scoped3A : memref<!tpu.dma_semaphore, #tpu.memory_space<semaphore_mem>>) src(%dma_wait3A_55 : memref<40x128xi32, #tpu.memory_space<hbm>>) dst(%arg7 : memref<40x128xi32, #tpu.memory_space<vmem>>)
        tpu.yield
      }) : () -> ()
      "tpu.region"() ({
        %run_scoped3A = tpu.sem_alloc : memref<!tpu.dma_semaphore, #tpu.memory_space<semaphore_mem>>
        %dma_start3A = arith.constant 0 : i32
        %dma_start3A_22 = arith.constant 0 : i32
        %dma_start3A_23 = arith.constant 0 : i32
        %dma_start3A_24 = tpu.memref_slice %arg4[%add3A, %dma_start3A, %dma_start3A_22, %dma_start3A_23] : memref<32x2x40x128xi32, #tpu.memory_space<hbm>> -> memref<1x2x40x128xi32, #tpu.memory_space<hbm>>
        %dma_start3A_25 = tpu.memref_squeeze %dma_start3A_24 : memref<1x2x40x128xi32, #tpu.memory_space<hbm>> -> memref<2x40x128xi32, #tpu.memory_space<hbm>>
        %dma_start3A_26 = arith.constant 0 : i32
        %dma_start3A_27 = arith.constant 0 : i32
        %dma_start3A_28 = tpu.memref_slice %dma_start3A_25[%add3A_16, %dma_start3A_26, %dma_start3A_27] : memref<2x40x128xi32, #tpu.memory_space<hbm>> -> memref<1x40x128xi32, #tpu.memory_space<hbm>>
        %dma_start3A_29 = tpu.memref_squeeze %dma_start3A_28 : memref<1x40x128xi32, #tpu.memory_space<hbm>> -> memref<40x128xi32, #tpu.memory_space<hbm>>
        %dma_start3A_30 = arith.constant 0 : i32
        %dma_start3A_31 = arith.constant 0 : i32
        %dma_start3A_32 = arith.constant 0 : i32
        %dma_start3A_33 = tpu.memref_slice %arg4[%add3A, %dma_start3A_30, %dma_start3A_31, %dma_start3A_32] : memref<32x2x40x128xi32, #tpu.memory_space<hbm>> -> memref<1x2x40x128xi32, #tpu.memory_space<hbm>>
        %dma_start3A_34 = tpu.memref_squeeze %dma_start3A_33 : memref<1x2x40x128xi32, #tpu.memory_space<hbm>> -> memref<2x40x128xi32, #tpu.memory_space<hbm>>
        %dma_start3A_35 = arith.constant 0 : i32
        %dma_start3A_36 = arith.constant 0 : i32
        %dma_start3A_37 = tpu.memref_slice %dma_start3A_34[%add3A_16, %dma_start3A_35, %dma_start3A_36] : memref<2x40x128xi32, #tpu.memory_space<hbm>> -> memref<1x40x128xi32, #tpu.memory_space<hbm>>
        %dma_start3A_38 = tpu.memref_squeeze %dma_start3A_37 : memref<1x40x128xi32, #tpu.memory_space<hbm>> -> memref<40x128xi32, #tpu.memory_space<hbm>>
        tpu.enqueue_dma source(%dma_start3A_38 : memref<40x128xi32, #tpu.memory_space<hbm>>) target(%arg8 : memref<40x128xi32, #tpu.memory_space<vmem>>) target_semaphore(%run_scoped3A : memref<!tpu.dma_semaphore, #tpu.memory_space<semaphore_mem>>)
        %dma_wait3A = arith.constant 0 : i32
        %dma_wait3A_39 = arith.constant 0 : i32
        %dma_wait3A_40 = arith.constant 0 : i32
        %dma_wait3A_41 = tpu.memref_slice %arg4[%add3A, %dma_wait3A, %dma_wait3A_39, %dma_wait3A_40] : memref<32x2x40x128xi32, #tpu.memory_space<hbm>> -> memref<1x2x40x128xi32, #tpu.memory_space<hbm>>
        %dma_wait3A_42 = tpu.memref_squeeze %dma_wait3A_41 : memref<1x2x40x128xi32, #tpu.memory_space<hbm>> -> memref<2x40x128xi32, #tpu.memory_space<hbm>>
        %dma_wait3A_43 = arith.constant 0 : i32
        %dma_wait3A_44 = arith.constant 0 : i32
        %dma_wait3A_45 = tpu.memref_slice %dma_wait3A_42[%add3A_16, %dma_wait3A_43, %dma_wait3A_44] : memref<2x40x128xi32, #tpu.memory_space<hbm>> -> memref<1x40x128xi32, #tpu.memory_space<hbm>>
        %dma_wait3A_46 = tpu.memref_squeeze %dma_wait3A_45 : memref<1x40x128xi32, #tpu.memory_space<hbm>> -> memref<40x128xi32, #tpu.memory_space<hbm>>
        %dma_wait3A_47 = arith.constant 0 : i32
        %dma_wait3A_48 = arith.constant 0 : i32
        %dma_wait3A_49 = arith.constant 0 : i32
        %dma_wait3A_50 = tpu.memref_slice %arg4[%add3A, %dma_wait3A_47, %dma_wait3A_48, %dma_wait3A_49] : memref<32x2x40x128xi32, #tpu.memory_space<hbm>> -> memref<1x2x40x128xi32, #tpu.memory_space<hbm>>
        %dma_wait3A_51 = tpu.memref_squeeze %dma_wait3A_50 : memref<1x2x40x128xi32, #tpu.memory_space<hbm>> -> memref<2x40x128xi32, #tpu.memory_space<hbm>>
        %dma_wait3A_52 = arith.constant 0 : i32
        %dma_wait3A_53 = arith.constant 0 : i32
        %dma_wait3A_54 = tpu.memref_slice %dma_wait3A_51[%add3A_16, %dma_wait3A_52, %dma_wait3A_53] : memref<2x40x128xi32, #tpu.memory_space<hbm>> -> memref<1x40x128xi32, #tpu.memory_space<hbm>>
        %dma_wait3A_55 = tpu.memref_squeeze %dma_wait3A_54 : memref<1x40x128xi32, #tpu.memory_space<hbm>> -> memref<40x128xi32, #tpu.memory_space<hbm>>
        tpu.wait_dma2 semaphore(%run_scoped3A : memref<!tpu.dma_semaphore, #tpu.memory_space<semaphore_mem>>) src(%dma_wait3A_55 : memref<40x128xi32, #tpu.memory_space<hbm>>) dst(%arg8 : memref<40x128xi32, #tpu.memory_space<vmem>>)
        tpu.yield
      }) : () -> ()
      %scan3A_17 = arith.constant 0 : i32
      %scan3A_18 = arith.constant 10 : i32
      %scan3A_19 = arith.addi %scan3A_17, %scan3A_18 : i32
      %scan3A_20 = arith.constant 1 : i32
      scf.for %scan3A_22 = %scan3A_17 to %scan3A_19 step %scan3A_20  : i32 {
        %mul3A_23 = arith.constant 4 : i32
        %mul3A_24 = arith.muli %scan3A_22, %mul3A_23 : i32
        %add3A_25 = arith.constant 0 : i32
        %add3A_26 = arith.addi %add3A_25, %mul3A_24 : i32
        %add3A_27 = arith.constant 0 : i32
        %add3A_28 = arith.addi %add3A_26, %add3A_27 : i32
        %dma_start3A = arith.constant 0 : i32
        %dma_start3A_29 = arith.constant 0 : i32
        %dma_start3A_30 = arith.constant 0 : i32
        %dma_start3A_31 = tpu.memref_slice %arg9[%dma_start3A, %dma_start3A_29, %dma_start3A_30] : memref<2x128x128xf32, #tpu.memory_space<vmem>> -> memref<1x128x128xf32, #tpu.memory_space<vmem>>
        %dma_start3A_32 = tpu.memref_squeeze %dma_start3A_31 : memref<1x128x128xf32, #tpu.memory_space<vmem>> -> memref<128x128xf32, #tpu.memory_space<vmem>>
        %dma_start3A_33 = arith.constant 0 : i32
        %dma_start3A_34 = tpu.memref_slice %arg7[%add3A_28, %dma_start3A_33] : memref<40x128xi32, #tpu.memory_space<vmem>> -> memref<1x128xi32, #tpu.memory_space<vmem>>
        %dma_start3A_35 = tpu.memref_squeeze %dma_start3A_34 : memref<1x128xi32, #tpu.memory_space<vmem>> -> memref<128xi32, #tpu.memory_space<vmem>>
        %dma_start3A_36 = arith.constant 0 : i32
        %dma_start3A_37 = arith.constant 0 : i32
        %dma_start3A_38 = tpu.memref_slice %arg2[%dma_start3A_36, %dma_start3A_37] : memref<10000x128xf32, #tpu.memory_space<hbm>> -> memref<10000x128xf32, #tpu.memory_space<hbm>>
        tpu.enqueue_indirect_dma source(%dma_start3A_38 : memref<10000x128xf32, #tpu.memory_space<hbm>>) target(%dma_start3A_32 : memref<128x128xf32, #tpu.memory_space<vmem>>) offsets(%dma_start3A_35 : memref<128xi32, #tpu.memory_space<vmem>>) semaphore(%arg11 : memref<!tpu.dma_semaphore, #tpu.memory_space<semaphore_mem>>)
        %add3A_39 = arith.constant 1 : i32
        %add3A_40 = arith.addi %add3A_26, %add3A_39 : i32
        %dma_start3A_41 = arith.constant 1 : i32
        %dma_start3A_42 = arith.constant 0 : i32
        %dma_start3A_43 = arith.constant 0 : i32
        %dma_start3A_44 = tpu.memref_slice %arg9[%dma_start3A_41, %dma_start3A_42, %dma_start3A_43] : memref<2x128x128xf32, #tpu.memory_space<vmem>> -> memref<1x128x128xf32, #tpu.memory_space<vmem>>
        %dma_start3A_45 = tpu.memref_squeeze %dma_start3A_44 : memref<1x128x128xf32, #tpu.memory_space<vmem>> -> memref<128x128xf32, #tpu.memory_space<vmem>>
        %dma_start3A_46 = arith.constant 0 : i32
        %dma_start3A_47 = tpu.memref_slice %arg7[%add3A_40, %dma_start3A_46] : memref<40x128xi32, #tpu.memory_space<vmem>> -> memref<1x128xi32, #tpu.memory_space<vmem>>
        %dma_start3A_48 = tpu.memref_squeeze %dma_start3A_47 : memref<1x128xi32, #tpu.memory_space<vmem>> -> memref<128xi32, #tpu.memory_space<vmem>>
        %dma_start3A_49 = arith.constant 0 : i32
        %dma_start3A_50 = arith.constant 0 : i32
        %dma_start3A_51 = tpu.memref_slice %arg2[%dma_start3A_49, %dma_start3A_50] : memref<10000x128xf32, #tpu.memory_space<hbm>> -> memref<10000x128xf32, #tpu.memory_space<hbm>>
        tpu.enqueue_indirect_dma source(%dma_start3A_51 : memref<10000x128xf32, #tpu.memory_space<hbm>>) target(%dma_start3A_45 : memref<128x128xf32, #tpu.memory_space<vmem>>) offsets(%dma_start3A_48 : memref<128xi32, #tpu.memory_space<vmem>>) semaphore(%arg12 : memref<!tpu.dma_semaphore, #tpu.memory_space<semaphore_mem>>)
        %dma_wait3A = arith.constant 0 : i32
        %dma_wait3A_52 = arith.constant 0 : i32
        %dma_wait3A_53 = arith.constant 0 : i32
        %dma_wait3A_54 = tpu.memref_slice %arg9[%dma_wait3A, %dma_wait3A_52, %dma_wait3A_53] : memref<2x128x128xf32, #tpu.memory_space<vmem>> -> memref<1x128x128xf32, #tpu.memory_space<vmem>>
        %dma_wait3A_55 = tpu.memref_squeeze %dma_wait3A_54 : memref<1x128x128xf32, #tpu.memory_space<vmem>> -> memref<128x128xf32, #tpu.memory_space<vmem>>
        %dma_wait3A_56 = arith.constant 0 : i32
        %dma_wait3A_57 = tpu.memref_slice %arg7[%add3A_28, %dma_wait3A_56] : memref<40x128xi32, #tpu.memory_space<vmem>> -> memref<1x128xi32, #tpu.memory_space<vmem>>
        %dma_wait3A_58 = tpu.memref_squeeze %dma_wait3A_57 : memref<1x128xi32, #tpu.memory_space<vmem>> -> memref<128xi32, #tpu.memory_space<vmem>>
        %dma_wait3A_59 = arith.constant 0 : i32
        %dma_wait3A_60 = arith.constant 0 : i32
        %dma_wait3A_61 = tpu.memref_slice %arg2[%dma_wait3A_59, %dma_wait3A_60] : memref<10000x128xf32, #tpu.memory_space<hbm>> -> memref<10000x128xf32, #tpu.memory_space<hbm>>
        tpu.wait_indirect_dma semaphore(%arg11 : memref<!tpu.dma_semaphore, #tpu.memory_space<semaphore_mem>>) src(%dma_wait3A_61 : memref<10000x128xf32, #tpu.memory_space<hbm>>) dst(%dma_wait3A_55 : memref<128x128xf32, #tpu.memory_space<vmem>>)
        %add3A_62 = arith.constant 0 : i32
        %add3A_63 = arith.addi %add3A_26, %add3A_62 : i32
        %dma_start3A_64 = arith.constant 0 : i32
        %dma_start3A_65 = arith.constant 0 : i32
        %dma_start3A_66 = arith.constant 0 : i32
        %dma_start3A_67 = tpu.memref_slice %arg9[%dma_start3A_64, %dma_start3A_65, %dma_start3A_66] : memref<2x128x128xf32, #tpu.memory_space<vmem>> -> memref<1x128x128xf32, #tpu.memory_space<vmem>>
        %dma_start3A_68 = tpu.memref_squeeze %dma_start3A_67 : memref<1x128x128xf32, #tpu.memory_space<vmem>> -> memref<128x128xf32, #tpu.memory_space<vmem>>
        %dma_start3A_69 = arith.constant 0 : i32
        %dma_start3A_70 = tpu.memref_slice %arg8[%add3A_63, %dma_start3A_69] : memref<40x128xi32, #tpu.memory_space<vmem>> -> memref<1x128xi32, #tpu.memory_space<vmem>>
        %dma_start3A_71 = tpu.memref_squeeze %dma_start3A_70 : memref<1x128xi32, #tpu.memory_space<vmem>> -> memref<128xi32, #tpu.memory_space<vmem>>
        %dma_start3A_72 = arith.constant 0 : i32
        %dma_start3A_73 = arith.constant 0 : i32
        %dma_start3A_74 = tpu.memref_slice %arg10[%dma_start3A_72, %dma_start3A_73] : memref<10112x128xf32, #tpu.memory_space<vmem_shared>> -> memref<10112x128xf32, #tpu.memory_space<vmem_shared>>
        tpu.enqueue_indirect_dma source(%dma_start3A_68 : memref<128x128xf32, #tpu.memory_space<vmem>>) target(%dma_start3A_74 : memref<10112x128xf32, #tpu.memory_space<vmem_shared>>) offsets(%dma_start3A_71 : memref<128xi32, #tpu.memory_space<vmem>>) semaphore(%arg13 : memref<!tpu.dma_semaphore, #tpu.memory_space<semaphore_mem>>) {add = true}
        %dma_wait3A_75 = arith.constant 1 : i32
        %dma_wait3A_76 = arith.constant 0 : i32
        %dma_wait3A_77 = arith.constant 0 : i32
        %dma_wait3A_78 = tpu.memref_slice %arg9[%dma_wait3A_75, %dma_wait3A_76, %dma_wait3A_77] : memref<2x128x128xf32, #tpu.memory_space<vmem>> -> memref<1x128x128xf32, #tpu.memory_space<vmem>>
        %dma_wait3A_79 = tpu.memref_squeeze %dma_wait3A_78 : memref<1x128x128xf32, #tpu.memory_space<vmem>> -> memref<128x128xf32, #tpu.memory_space<vmem>>
        %dma_wait3A_80 = arith.constant 0 : i32
        %dma_wait3A_81 = tpu.memref_slice %arg7[%add3A_40, %dma_wait3A_80] : memref<40x128xi32, #tpu.memory_space<vmem>> -> memref<1x128xi32, #tpu.memory_space<vmem>>
        %dma_wait3A_82 = tpu.memref_squeeze %dma_wait3A_81 : memref<1x128xi32, #tpu.memory_space<vmem>> -> memref<128xi32, #tpu.memory_space<vmem>>
        %dma_wait3A_83 = arith.constant 0 : i32
        %dma_wait3A_84 = arith.constant 0 : i32
        %dma_wait3A_85 = tpu.memref_slice %arg2[%dma_wait3A_83, %dma_wait3A_84] : memref<10000x128xf32, #tpu.memory_space<hbm>> -> memref<10000x128xf32, #tpu.memory_space<hbm>>
        tpu.wait_indirect_dma semaphore(%arg12 : memref<!tpu.dma_semaphore, #tpu.memory_space<semaphore_mem>>) src(%dma_wait3A_85 : memref<10000x128xf32, #tpu.memory_space<hbm>>) dst(%dma_wait3A_79 : memref<128x128xf32, #tpu.memory_space<vmem>>)
        %add3A_86 = arith.constant 1 : i32
        %add3A_87 = arith.addi %add3A_26, %add3A_86 : i32
        %dma_start3A_88 = arith.constant 1 : i32
        %dma_start3A_89 = arith.constant 0 : i32
        %dma_start3A_90 = arith.constant 0 : i32
        %dma_start3A_91 = tpu.memref_slice %arg9[%dma_start3A_88, %dma_start3A_89, %dma_start3A_90] : memref<2x128x128xf32, #tpu.memory_space<vmem>> -> memref<1x128x128xf32, #tpu.memory_space<vmem>>
        %dma_start3A_92 = tpu.memref_squeeze %dma_start3A_91 : memref<1x128x128xf32, #tpu.memory_space<vmem>> -> memref<128x128xf32, #tpu.memory_space<vmem>>
        %dma_start3A_93 = arith.constant 0 : i32
        %dma_start3A_94 = tpu.memref_slice %arg8[%add3A_87, %dma_start3A_93] : memref<40x128xi32, #tpu.memory_space<vmem>> -> memref<1x128xi32, #tpu.memory_space<vmem>>
        %dma_start3A_95 = tpu.memref_squeeze %dma_start3A_94 : memref<1x128xi32, #tpu.memory_space<vmem>> -> memref<128xi32, #tpu.memory_space<vmem>>
        %dma_start3A_96 = arith.constant 0 : i32
        %dma_start3A_97 = arith.constant 0 : i32
        %dma_start3A_98 = tpu.memref_slice %arg10[%dma_start3A_96, %dma_start3A_97] : memref<10112x128xf32, #tpu.memory_space<vmem_shared>> -> memref<10112x128xf32, #tpu.memory_space<vmem_shared>>
        tpu.enqueue_indirect_dma source(%dma_start3A_92 : memref<128x128xf32, #tpu.memory_space<vmem>>) target(%dma_start3A_98 : memref<10112x128xf32, #tpu.memory_space<vmem_shared>>) offsets(%dma_start3A_95 : memref<128xi32, #tpu.memory_space<vmem>>) semaphore(%arg14 : memref<!tpu.dma_semaphore, #tpu.memory_space<semaphore_mem>>) {add = true}
        %dma_wait3A_99 = arith.constant 0 : i32
        %dma_wait3A_100 = arith.constant 0 : i32
        %dma_wait3A_101 = arith.constant 0 : i32
        %dma_wait3A_102 = tpu.memref_slice %arg9[%dma_wait3A_99, %dma_wait3A_100, %dma_wait3A_101] : memref<2x128x128xf32, #tpu.memory_space<vmem>> -> memref<1x128x128xf32, #tpu.memory_space<vmem>>
        %dma_wait3A_103 = tpu.memref_squeeze %dma_wait3A_102 : memref<1x128x128xf32, #tpu.memory_space<vmem>> -> memref<128x128xf32, #tpu.memory_space<vmem>>
        %dma_wait3A_104 = arith.constant 0 : i32
        %dma_wait3A_105 = tpu.memref_slice %arg8[%add3A_63, %dma_wait3A_104] : memref<40x128xi32, #tpu.memory_space<vmem>> -> memref<1x128xi32, #tpu.memory_space<vmem>>
        %dma_wait3A_106 = tpu.memref_squeeze %dma_wait3A_105 : memref<1x128xi32, #tpu.memory_space<vmem>> -> memref<128xi32, #tpu.memory_space<vmem>>
        %dma_wait3A_107 = arith.constant 0 : i32
        %dma_wait3A_108 = arith.constant 0 : i32
        %dma_wait3A_109 = tpu.memref_slice %arg10[%dma_wait3A_107, %dma_wait3A_108] : memref<10112x128xf32, #tpu.memory_space<vmem_shared>> -> memref<10112x128xf32, #tpu.memory_space<vmem_shared>>
        tpu.wait_indirect_dma semaphore(%arg13 : memref<!tpu.dma_semaphore, #tpu.memory_space<semaphore_mem>>) src(%dma_wait3A_103 : memref<128x128xf32, #tpu.memory_space<vmem>>) dst(%dma_wait3A_109 : memref<10112x128xf32, #tpu.memory_space<vmem_shared>>)
        %add3A_110 = arith.constant 2 : i32
        %add3A_111 = arith.addi %add3A_26, %add3A_110 : i32
        %dma_start3A_112 = arith.constant 0 : i32
        %dma_start3A_113 = arith.constant 0 : i32
        %dma_start3A_114 = arith.constant 0 : i32
        %dma_start3A_115 = tpu.memref_slice %arg9[%dma_start3A_112, %dma_start3A_113, %dma_start3A_114] : memref<2x128x128xf32, #tpu.memory_space<vmem>> -> memref<1x128x128xf32, #tpu.memory_space<vmem>>
        %dma_start3A_116 = tpu.memref_squeeze %dma_start3A_115 : memref<1x128x128xf32, #tpu.memory_space<vmem>> -> memref<128x128xf32, #tpu.memory_space<vmem>>
        %dma_start3A_117 = arith.constant 0 : i32
        %dma_start3A_118 = tpu.memref_slice %arg7[%add3A_111, %dma_start3A_117] : memref<40x128xi32, #tpu.memory_space<vmem>> -> memref<1x128xi32, #tpu.memory_space<vmem>>
        %dma_start3A_119 = tpu.memref_squeeze %dma_start3A_118 : memref<1x128xi32, #tpu.memory_space<vmem>> -> memref<128xi32, #tpu.memory_space<vmem>>
        %dma_start3A_120 = arith.constant 0 : i32
        %dma_start3A_121 = arith.constant 0 : i32
        %dma_start3A_122 = tpu.memref_slice %arg2[%dma_start3A_120, %dma_start3A_121] : memref<10000x128xf32, #tpu.memory_space<hbm>> -> memref<10000x128xf32, #tpu.memory_space<hbm>>
        tpu.enqueue_indirect_dma source(%dma_start3A_122 : memref<10000x128xf32, #tpu.memory_space<hbm>>) target(%dma_start3A_116 : memref<128x128xf32, #tpu.memory_space<vmem>>) offsets(%dma_start3A_119 : memref<128xi32, #tpu.memory_space<vmem>>) semaphore(%arg11 : memref<!tpu.dma_semaphore, #tpu.memory_space<semaphore_mem>>)
        %dma_wait3A_123 = arith.constant 1 : i32
        %dma_wait3A_124 = arith.constant 0 : i32
        %dma_wait3A_125 = arith.constant 0 : i32
        %dma_wait3A_126 = tpu.memref_slice %arg9[%dma_wait3A_123, %dma_wait3A_124, %dma_wait3A_125] : memref<2x128x128xf32, #tpu.memory_space<vmem>> -> memref<1x128x128xf32, #tpu.memory_space<vmem>>
        %dma_wait3A_127 = tpu.memref_squeeze %dma_wait3A_126 : memref<1x128x128xf32, #tpu.memory_space<vmem>> -> memref<128x128xf32, #tpu.memory_space<vmem>>
        %dma_wait3A_128 = arith.constant 0 : i32
        %dma_wait3A_129 = tpu.memref_slice %arg8[%add3A_87, %dma_wait3A_128] : memref<40x128xi32, #tpu.memory_space<vmem>> -> memref<1x128xi32, #tpu.memory_space<vmem>>
        %dma_wait3A_130 = tpu.memref_squeeze %dma_wait3A_129 : memref<1x128xi32, #tpu.memory_space<vmem>> -> memref<128xi32, #tpu.memory_space<vmem>>
        %dma_wait3A_131 = arith.constant 0 : i32
        %dma_wait3A_132 = arith.constant 0 : i32
        %dma_wait3A_133 = tpu.memref_slice %arg10[%dma_wait3A_131, %dma_wait3A_132] : memref<10112x128xf32, #tpu.memory_space<vmem_shared>> -> memref<10112x128xf32, #tpu.memory_space<vmem_shared>>
        tpu.wait_indirect_dma semaphore(%arg14 : memref<!tpu.dma_semaphore, #tpu.memory_space<semaphore_mem>>) src(%dma_wait3A_127 : memref<128x128xf32, #tpu.memory_space<vmem>>) dst(%dma_wait3A_133 : memref<10112x128xf32, #tpu.memory_space<vmem_shared>>)
        %add3A_134 = arith.constant 3 : i32
        %add3A_135 = arith.addi %add3A_26, %add3A_134 : i32
        %dma_start3A_136 = arith.constant 1 : i32
        %dma_start3A_137 = arith.constant 0 : i32
        %dma_start3A_138 = arith.constant 0 : i32
        %dma_start3A_139 = tpu.memref_slice %arg9[%dma_start3A_136, %dma_start3A_137, %dma_start3A_138] : memref<2x128x128xf32, #tpu.memory_space<vmem>> -> memref<1x128x128xf32, #tpu.memory_space<vmem>>
        %dma_start3A_140 = tpu.memref_squeeze %dma_start3A_139 : memref<1x128x128xf32, #tpu.memory_space<vmem>> -> memref<128x128xf32, #tpu.memory_space<vmem>>
        %dma_start3A_141 = arith.constant 0 : i32
        %dma_start3A_142 = tpu.memref_slice %arg7[%add3A_135, %dma_start3A_141] : memref<40x128xi32, #tpu.memory_space<vmem>> -> memref<1x128xi32, #tpu.memory_space<vmem>>
        %dma_start3A_143 = tpu.memref_squeeze %dma_start3A_142 : memref<1x128xi32, #tpu.memory_space<vmem>> -> memref<128xi32, #tpu.memory_space<vmem>>
        %dma_start3A_144 = arith.constant 0 : i32
        %dma_start3A_145 = arith.constant 0 : i32
        %dma_start3A_146 = tpu.memref_slice %arg2[%dma_start3A_144, %dma_start3A_145] : memref<10000x128xf32, #tpu.memory_space<hbm>> -> memref<10000x128xf32, #tpu.memory_space<hbm>>
        tpu.enqueue_indirect_dma source(%dma_start3A_146 : memref<10000x128xf32, #tpu.memory_space<hbm>>) target(%dma_start3A_140 : memref<128x128xf32, #tpu.memory_space<vmem>>) offsets(%dma_start3A_143 : memref<128xi32, #tpu.memory_space<vmem>>) semaphore(%arg12 : memref<!tpu.dma_semaphore, #tpu.memory_space<semaphore_mem>>)
        %dma_wait3A_147 = arith.constant 0 : i32
        %dma_wait3A_148 = arith.constant 0 : i32
        %dma_wait3A_149 = arith.constant 0 : i32
        %dma_wait3A_150 = tpu.memref_slice %arg9[%dma_wait3A_147, %dma_wait3A_148, %dma_wait3A_149] : memref<2x128x128xf32, #tpu.memory_space<vmem>> -> memref<1x128x128xf32, #tpu.memory_space<vmem>>
        %dma_wait3A_151 = tpu.memref_squeeze %dma_wait3A_150 : memref<1x128x128xf32, #tpu.memory_space<vmem>> -> memref<128x128xf32, #tpu.memory_space<vmem>>
        %dma_wait3A_152 = arith.constant 0 : i32
        %dma_wait3A_153 = tpu.memref_slice %arg7[%add3A_111, %dma_wait3A_152] : memref<40x128xi32, #tpu.memory_space<vmem>> -> memref<1x128xi32, #tpu.memory_space<vmem>>
        %dma_wait3A_154 = tpu.memref_squeeze %dma_wait3A_153 : memref<1x128xi32, #tpu.memory_space<vmem>> -> memref<128xi32, #tpu.memory_space<vmem>>
        %dma_wait3A_155 = arith.constant 0 : i32
        %dma_wait3A_156 = arith.constant 0 : i32
        %dma_wait3A_157 = tpu.memref_slice %arg2[%dma_wait3A_155, %dma_wait3A_156] : memref<10000x128xf32, #tpu.memory_space<hbm>> -> memref<10000x128xf32, #tpu.memory_space<hbm>>
        tpu.wait_indirect_dma semaphore(%arg11 : memref<!tpu.dma_semaphore, #tpu.memory_space<semaphore_mem>>) src(%dma_wait3A_157 : memref<10000x128xf32, #tpu.memory_space<hbm>>) dst(%dma_wait3A_151 : memref<128x128xf32, #tpu.memory_space<vmem>>)
        %add3A_158 = arith.constant 2 : i32
        %add3A_159 = arith.addi %add3A_26, %add3A_158 : i32
        %dma_start3A_160 = arith.constant 0 : i32
        %dma_start3A_161 = arith.constant 0 : i32
        %dma_start3A_162 = arith.constant 0 : i32
        %dma_start3A_163 = tpu.memref_slice %arg9[%dma_start3A_160, %dma_start3A_161, %dma_start3A_162] : memref<2x128x128xf32, #tpu.memory_space<vmem>> -> memref<1x128x128xf32, #tpu.memory_space<vmem>>
        %dma_start3A_164 = tpu.memref_squeeze %dma_start3A_163 : memref<1x128x128xf32, #tpu.memory_space<vmem>> -> memref<128x128xf32, #tpu.memory_space<vmem>>
        %dma_start3A_165 = arith.constant 0 : i32
        %dma_start3A_166 = tpu.memref_slice %arg8[%add3A_159, %dma_start3A_165] : memref<40x128xi32, #tpu.memory_space<vmem>> -> memref<1x128xi32, #tpu.memory_space<vmem>>
        %dma_start3A_167 = tpu.memref_squeeze %dma_start3A_166 : memref<1x128xi32, #tpu.memory_space<vmem>> -> memref<128xi32, #tpu.memory_space<vmem>>
        %dma_start3A_168 = arith.constant 0 : i32
        %dma_start3A_169 = arith.constant 0 : i32
        %dma_start3A_170 = tpu.memref_slice %arg10[%dma_start3A_168, %dma_start3A_169] : memref<10112x128xf32, #tpu.memory_space<vmem_shared>> -> memref<10112x128xf32, #tpu.memory_space<vmem_shared>>
        tpu.enqueue_indirect_dma source(%dma_start3A_164 : memref<128x128xf32, #tpu.memory_space<vmem>>) target(%dma_start3A_170 : memref<10112x128xf32, #tpu.memory_space<vmem_shared>>) offsets(%dma_start3A_167 : memref<128xi32, #tpu.memory_space<vmem>>) semaphore(%arg13 : memref<!tpu.dma_semaphore, #tpu.memory_space<semaphore_mem>>) {add = true}
        %dma_wait3A_171 = arith.constant 1 : i32
        %dma_wait3A_172 = arith.constant 0 : i32
        %dma_wait3A_173 = arith.constant 0 : i32
        %dma_wait3A_174 = tpu.memref_slice %arg9[%dma_wait3A_171, %dma_wait3A_172, %dma_wait3A_173] : memref<2x128x128xf32, #tpu.memory_space<vmem>> -> memref<1x128x128xf32, #tpu.memory_space<vmem>>
        %dma_wait3A_175 = tpu.memref_squeeze %dma_wait3A_174 : memref<1x128x128xf32, #tpu.memory_space<vmem>> -> memref<128x128xf32, #tpu.memory_space<vmem>>
        %dma_wait3A_176 = arith.constant 0 : i32
        %dma_wait3A_177 = tpu.memref_slice %arg7[%add3A_135, %dma_wait3A_176] : memref<40x128xi32, #tpu.memory_space<vmem>> -> memref<1x128xi32, #tpu.memory_space<vmem>>
        %dma_wait3A_178 = tpu.memref_squeeze %dma_wait3A_177 : memref<1x128xi32, #tpu.memory_space<vmem>> -> memref<128xi32, #tpu.memory_space<vmem>>
        %dma_wait3A_179 = arith.constant 0 : i32
        %dma_wait3A_180 = arith.constant 0 : i32
        %dma_wait3A_181 = tpu.memref_slice %arg2[%dma_wait3A_179, %dma_wait3A_180] : memref<10000x128xf32, #tpu.memory_space<hbm>> -> memref<10000x128xf32, #tpu.memory_space<hbm>>
        tpu.wait_indirect_dma semaphore(%arg12 : memref<!tpu.dma_semaphore, #tpu.memory_space<semaphore_mem>>) src(%dma_wait3A_181 : memref<10000x128xf32, #tpu.memory_space<hbm>>) dst(%dma_wait3A_175 : memref<128x128xf32, #tpu.memory_space<vmem>>)
        %add3A_182 = arith.constant 3 : i32
        %add3A_183 = arith.addi %add3A_26, %add3A_182 : i32
        %dma_start3A_184 = arith.constant 1 : i32
        %dma_start3A_185 = arith.constant 0 : i32
        %dma_start3A_186 = arith.constant 0 : i32
        %dma_start3A_187 = tpu.memref_slice %arg9[%dma_start3A_184, %dma_start3A_185, %dma_start3A_186] : memref<2x128x128xf32, #tpu.memory_space<vmem>> -> memref<1x128x128xf32, #tpu.memory_space<vmem>>
        %dma_start3A_188 = tpu.memref_squeeze %dma_start3A_187 : memref<1x128x128xf32, #tpu.memory_space<vmem>> -> memref<128x128xf32, #tpu.memory_space<vmem>>
        %dma_start3A_189 = arith.constant 0 : i32
        %dma_start3A_190 = tpu.memref_slice %arg8[%add3A_183, %dma_start3A_189] : memref<40x128xi32, #tpu.memory_space<vmem>> -> memref<1x128xi32, #tpu.memory_space<vmem>>
        %dma_start3A_191 = tpu.memref_squeeze %dma_start3A_190 : memref<1x128xi32, #tpu.memory_space<vmem>> -> memref<128xi32, #tpu.memory_space<vmem>>
        %dma_start3A_192 = arith.constant 0 : i32
        %dma_start3A_193 = arith.constant 0 : i32
        %dma_start3A_194 = tpu.memref_slice %arg10[%dma_start3A_192, %dma_start3A_193] : memref<10112x128xf32, #tpu.memory_space<vmem_shared>> -> memref<10112x128xf32, #tpu.memory_space<vmem_shared>>
        tpu.enqueue_indirect_dma source(%dma_start3A_188 : memref<128x128xf32, #tpu.memory_space<vmem>>) target(%dma_start3A_194 : memref<10112x128xf32, #tpu.memory_space<vmem_shared>>) offsets(%dma_start3A_191 : memref<128xi32, #tpu.memory_space<vmem>>) semaphore(%arg14 : memref<!tpu.dma_semaphore, #tpu.memory_space<semaphore_mem>>) {add = true}
        %dma_wait3A_195 = arith.constant 0 : i32
        %dma_wait3A_196 = arith.constant 0 : i32
        %dma_wait3A_197 = arith.constant 0 : i32
        %dma_wait3A_198 = tpu.memref_slice %arg9[%dma_wait3A_195, %dma_wait3A_196, %dma_wait3A_197] : memref<2x128x128xf32, #tpu.memory_space<vmem>> -> memref<1x128x128xf32, #tpu.memory_space<vmem>>
        %dma_wait3A_199 = tpu.memref_squeeze %dma_wait3A_198 : memref<1x128x128xf32, #tpu.memory_space<vmem>> -> memref<128x128xf32, #tpu.memory_space<vmem>>
        %dma_wait3A_200 = arith.constant 0 : i32
        %dma_wait3A_201 = tpu.memref_slice %arg8[%add3A_159, %dma_wait3A_200] : memref<40x128xi32, #tpu.memory_space<vmem>> -> memref<1x128xi32, #tpu.memory_space<vmem>>
        %dma_wait3A_202 = tpu.memref_squeeze %dma_wait3A_201 : memref<1x128xi32, #tpu.memory_space<vmem>> -> memref<128xi32, #tpu.memory_space<vmem>>
        %dma_wait3A_203 = arith.constant 0 : i32
        %dma_wait3A_204 = arith.constant 0 : i32
        %dma_wait3A_205 = tpu.memref_slice %arg10[%dma_wait3A_203, %dma_wait3A_204] : memref<10112x128xf32, #tpu.memory_space<vmem_shared>> -> memref<10112x128xf32, #tpu.memory_space<vmem_shared>>
        tpu.wait_indirect_dma semaphore(%arg13 : memref<!tpu.dma_semaphore, #tpu.memory_space<semaphore_mem>>) src(%dma_wait3A_199 : memref<128x128xf32, #tpu.memory_space<vmem>>) dst(%dma_wait3A_205 : memref<10112x128xf32, #tpu.memory_space<vmem_shared>>)
        %dma_wait3A_206 = arith.constant 1 : i32
        %dma_wait3A_207 = arith.constant 0 : i32
        %dma_wait3A_208 = arith.constant 0 : i32
        %dma_wait3A_209 = tpu.memref_slice %arg9[%dma_wait3A_206, %dma_wait3A_207, %dma_wait3A_208] : memref<2x128x128xf32, #tpu.memory_space<vmem>> -> memref<1x128x128xf32, #tpu.memory_space<vmem>>
        %dma_wait3A_210 = tpu.memref_squeeze %dma_wait3A_209 : memref<1x128x128xf32, #tpu.memory_space<vmem>> -> memref<128x128xf32, #tpu.memory_space<vmem>>
        %dma_wait3A_211 = arith.constant 0 : i32
        %dma_wait3A_212 = tpu.memref_slice %arg8[%add3A_183, %dma_wait3A_211] : memref<40x128xi32, #tpu.memory_space<vmem>> -> memref<1x128xi32, #tpu.memory_space<vmem>>
        %dma_wait3A_213 = tpu.memref_squeeze %dma_wait3A_212 : memref<1x128xi32, #tpu.memory_space<vmem>> -> memref<128xi32, #tpu.memory_space<vmem>>
        %dma_wait3A_214 = arith.constant 0 : i32
        %dma_wait3A_215 = arith.constant 0 : i32
        %dma_wait3A_216 = tpu.memref_slice %arg10[%dma_wait3A_214, %dma_wait3A_215] : memref<10112x128xf32, #tpu.memory_space<vmem_shared>> -> memref<10112x128xf32, #tpu.memory_space<vmem_shared>>
        tpu.wait_indirect_dma semaphore(%arg14 : memref<!tpu.dma_semaphore, #tpu.memory_space<semaphore_mem>>) src(%dma_wait3A_210 : memref<128x128xf32, #tpu.memory_space<vmem>>) dst(%dma_wait3A_216 : memref<10112x128xf32, #tpu.memory_space<vmem_shared>>)
      }
      %scan3A_21 = arith.constant 10 : i32
    }
    %scan3A_6 = arith.constant 2 : i32
    %barrier3A_7 = arith.constant 0 : index
    tpu.barrier barrier_id(%barrier3A_7)
    %mul3A_8 = arith.constant 632 : i32
    %mul3A_9 = arith.muli %arg1, %mul3A_8 : i32
    %mul3A_10 = arith.constant 632 : i32
    %mul3A_11 = arith.muli %arg1, %mul3A_10 : i32
    "tpu.region"() ({
      %run_scoped3A = tpu.sem_alloc : memref<!tpu.dma_semaphore, #tpu.memory_space<semaphore_mem>>
      %dma_start3A = arith.constant 0 : i32
      %dma_start3A_12 = arith.constant 0 : i32
      %dma_start3A_13 = tpu.memref_slice %arg6[%arg0, %dma_start3A, %dma_start3A_12] : memref<2x10112x128xf32, #tpu.memory_space<hbm>> -> memref<1x10112x128xf32, #tpu.memory_space<hbm>>
      %dma_start3A_14 = tpu.memref_squeeze %dma_start3A_13 : memref<1x10112x128xf32, #tpu.memory_space<hbm>> -> memref<10112x128xf32, #tpu.memory_space<hbm>>
      %dma_start3A_15 = arith.constant 0 : i32
      %dma_start3A_16 = tpu.memref_slice %dma_start3A_14[%mul3A_11, %dma_start3A_15] : memref<10112x128xf32, #tpu.memory_space<hbm>> -> memref<632x128xf32, #tpu.memory_space<hbm>>
      %dma_start3A_17 = arith.constant 0 : i32
      %dma_start3A_18 = tpu.memref_slice %arg10[%mul3A_9, %dma_start3A_17] : memref<10112x128xf32, #tpu.memory_space<vmem_shared>> -> memref<632x128xf32, #tpu.memory_space<vmem_shared>>
      tpu.enqueue_dma source(%dma_start3A_18 : memref<632x128xf32, #tpu.memory_space<vmem_shared>>) target(%dma_start3A_16 : memref<632x128xf32, #tpu.memory_space<hbm>>) target_semaphore(%run_scoped3A : memref<!tpu.dma_semaphore, #tpu.memory_space<semaphore_mem>>)
      %dma_wait3A = arith.constant 0 : i32
      %dma_wait3A_19 = arith.constant 0 : i32
      %dma_wait3A_20 = tpu.memref_slice %arg6[%arg0, %dma_wait3A, %dma_wait3A_19] : memref<2x10112x128xf32, #tpu.memory_space<hbm>> -> memref<1x10112x128xf32, #tpu.memory_space<hbm>>
      %dma_wait3A_21 = tpu.memref_squeeze %dma_wait3A_20 : memref<1x10112x128xf32, #tpu.memory_space<hbm>> -> memref<10112x128xf32, #tpu.memory_space<hbm>>
      %dma_wait3A_22 = arith.constant 0 : i32
      %dma_wait3A_23 = tpu.memref_slice %dma_wait3A_21[%mul3A_11, %dma_wait3A_22] : memref<10112x128xf32, #tpu.memory_space<hbm>> -> memref<632x128xf32, #tpu.memory_space<hbm>>
      %dma_wait3A_24 = arith.constant 0 : i32
      %dma_wait3A_25 = tpu.memref_slice %arg10[%mul3A_9, %dma_wait3A_24] : memref<10112x128xf32, #tpu.memory_space<vmem_shared>> -> memref<632x128xf32, #tpu.memory_space<vmem_shared>>
      tpu.wait_dma2 semaphore(%run_scoped3A : memref<!tpu.dma_semaphore, #tpu.memory_space<semaphore_mem>>) src(%dma_wait3A_25 : memref<632x128xf32, #tpu.memory_space<vmem_shared>>) dst(%dma_wait3A_23 : memref<632x128xf32, #tpu.memory_space<hbm>>)
      tpu.yield
    }) : () -> ()
    return
  }
}

#map = affine_map<(d0, d1) -> (0, 0)>
#map1 = affine_map<(d0, d1) -> (0, 0, 0, 0)>
#map2 = affine_map<(d0, d1) -> (0, 0, 0)>
module attributes {stable_mosaic.version = 14 : i64} {
  func.func @k(%arg0: i32, %arg1: i32, %arg2: memref<10000x128xf32, #tpu.memory_space<hbm>>, %arg3: memref<32x2x40x128xi32, #tpu.memory_space<hbm>>, %arg4: memref<32x2x40x128xi32, #tpu.memory_space<hbm>>, %arg5: memref<632x128xf32, #tpu.memory_space<hbm>>, %arg6: memref<2x10112x128xf32, #tpu.memory_space<hbm>>, %arg7: memref<40x128xi32, #tpu.memory_space<vmem>>, %arg8: memref<40x128xi32, #tpu.memory_space<vmem>>, %arg9: memref<2x128x128xf32, #tpu.memory_space<vmem>>, %arg10: memref<10112x128xf32, #tpu.memory_space<vmem_shared>>, %arg11: memref<!tpu.dma_semaphore, #tpu.memory_space<semaphore_mem>>, %arg12: memref<!tpu.dma_semaphore, #tpu.memory_space<semaphore_mem>>, %arg13: memref<!tpu.dma_semaphore, #tpu.memory_space<semaphore_mem>>, %arg14: memref<!tpu.dma_semaphore, #tpu.memory_space<semaphore_mem>>) attributes {dimension_semantics = [#tpu.dimension_semantics<core_parallel>, #tpu.dimension_semantics<subcore_parallel>], iteration_bounds = array<i64: 2, 16>, scalar_prefetch = 0 : i64, scratch_operands = 8 : i64, tpu.core_type = #tpu.core_type<sc_vector_subcore>, window_params = [{transform_indices = #map}, {transform_indices = #map1}, {transform_indices = #map1}, {transform_indices = #map}, {transform_indices = #map2}]} {
    %mul3A = arith.constant 16 : i32
    %mul3A_0 = arith.muli %arg0, %mul3A : i32
    %add3A = arith.addi %mul3A_0, %arg1 : i32
    %mul3A_1 = arith.constant 632 : i32
    %mul3A_2 = arith.muli %arg1, %mul3A_1 : i32
    "tpu.region"() ({
      %run_scoped3A = tpu.sem_alloc : memref<!tpu.dma_semaphore, #tpu.memory_space<semaphore_mem>>
      %dma_start3A = arith.constant 0 : i32
      %dma_start3A_12 = tpu.memref_slice %arg10[%mul3A_2, %dma_start3A] : memref<10112x128xf32, #tpu.memory_space<vmem_shared>> -> memref<632x128xf32, #tpu.memory_space<vmem_shared>>
      tpu.enqueue_dma source(%arg5 : memref<632x128xf32, #tpu.memory_space<hbm>>) target(%dma_start3A_12 : memref<632x128xf32, #tpu.memory_space<vmem_shared>>) target_semaphore(%run_scoped3A : memref<!tpu.dma_semaphore, #tpu.memory_space<semaphore_mem>>)
      %dma_wait3A = arith.constant 0 : i32
      %dma_wait3A_13 = tpu.memref_slice %arg10[%mul3A_2, %dma_wait3A] : memref<10112x128xf32, #tpu.memory_space<vmem_shared>> -> memref<632x128xf32, #tpu.memory_space<vmem_shared>>
      tpu.wait_dma2 semaphore(%run_scoped3A : memref<!tpu.dma_semaphore, #tpu.memory_space<semaphore_mem>>) src(%arg5 : memref<632x128xf32, #tpu.memory_space<hbm>>) dst(%dma_wait3A_13 : memref<632x128xf32, #tpu.memory_space<vmem_shared>>)
      tpu.yield
    }) : () -> ()
    %barrier3A = arith.constant 0 : index
    tpu.barrier barrier_id(%barrier3A)
    %scan3A = arith.constant 0 : i32
    %scan3A_3 = arith.constant 2 : i32
    %scan3A_4 = arith.addi %scan3A, %scan3A_3 : i32
    %scan3A_5 = arith.constant 1 : i32
    scf.for %scan3A_12 = %scan3A to %scan3A_4 step %scan3A_5  : i32 {
      %mul3A_13 = arith.constant 1 : i32
      %mul3A_14 = arith.muli %scan3A_12, %mul3A_13 : i32
      %add3A_15 = arith.constant 0 : i32
      %add3A_16 = arith.addi %add3A_15, %mul3A_14 : i32
      "tpu.region"() ({
        %run_scoped3A = tpu.sem_alloc : memref<!tpu.dma_semaphore, #tpu.memory_space<semaphore_mem>>
        %dma_start3A = arith.constant 0 : i32
        %dma_start3A_22 = arith.constant 0 : i32
        %dma_start3A_23 = arith.constant 0 : i32
        %dma_start3A_24 = tpu.memref_slice %arg3[%add3A, %dma_start3A, %dma_start3A_22, %dma_start3A_23] : memref<32x2x40x128xi32, #tpu.memory_space<hbm>> -> memref<1x2x40x128xi32, #tpu.memory_space<hbm>>
        %dma_start3A_25 = tpu.memref_squeeze %dma_start3A_24 : memref<1x2x40x128xi32, #tpu.memory_space<hbm>> -> memref<2x40x128xi32, #tpu.memory_space<hbm>>
        %dma_start3A_26 = arith.constant 0 : i32
        %dma_start3A_27 = arith.constant 0 : i32
        %dma_start3A_28 = tpu.memref_slice %dma_start3A_25[%add3A_16, %dma_start3A_26, %dma_start3A_27] : memref<2x40x128xi32, #tpu.memory_space<hbm>> -> memref<1x40x128xi32, #tpu.memory_space<hbm>>
        %dma_start3A_29 = tpu.memref_squeeze %dma_start3A_28 : memref<1x40x128xi32, #tpu.memory_space<hbm>> -> memref<40x128xi32, #tpu.memory_space<hbm>>
        %dma_start3A_30 = arith.constant 0 : i32
        %dma_start3A_31 = arith.constant 0 : i32
        %dma_start3A_32 = arith.constant 0 : i32
        %dma_start3A_33 = tpu.memref_slice %arg3[%add3A, %dma_start3A_30, %dma_start3A_31, %dma_start3A_32] : memref<32x2x40x128xi32, #tpu.memory_space<hbm>> -> memref<1x2x40x128xi32, #tpu.memory_space<hbm>>
        %dma_start3A_34 = tpu.memref_squeeze %dma_start3A_33 : memref<1x2x40x128xi32, #tpu.memory_space<hbm>> -> memref<2x40x128xi32, #tpu.memory_space<hbm>>
        %dma_start3A_35 = arith.constant 0 : i32
        %dma_start3A_36 = arith.constant 0 : i32
        %dma_start3A_37 = tpu.memref_slice %dma_start3A_34[%add3A_16, %dma_start3A_35, %dma_start3A_36] : memref<2x40x128xi32, #tpu.memory_space<hbm>> -> memref<1x40x128xi32, #tpu.memory_space<hbm>>
        %dma_start3A_38 = tpu.memref_squeeze %dma_start3A_37 : memref<1x40x128xi32, #tpu.memory_space<hbm>> -> memref<40x128xi32, #tpu.memory_space<hbm>>
        tpu.enqueue_dma source(%dma_start3A_38 : memref<40x128xi32, #tpu.memory_space<hbm>>) target(%arg7 : memref<40x128xi32, #tpu.memory_space<vmem>>) target_semaphore(%run_scoped3A : memref<!tpu.dma_semaphore, #tpu.memory_space<semaphore_mem>>)
        %dma_wait3A = arith.constant 0 : i32
        %dma_wait3A_39 = arith.constant 0 : i32
        %dma_wait3A_40 = arith.constant 0 : i32
        %dma_wait3A_41 = tpu.memref_slice %arg3[%add3A, %dma_wait3A, %dma_wait3A_39, %dma_wait3A_40] : memref<32x2x40x128xi32, #tpu.memory_space<hbm>> -> memref<1x2x40x128xi32, #tpu.memory_space<hbm>>
        %dma_wait3A_42 = tpu.memref_squeeze %dma_wait3A_41 : memref<1x2x40x128xi32, #tpu.memory_space<hbm>> -> memref<2x40x128xi32, #tpu.memory_space<hbm>>
        %dma_wait3A_43 = arith.constant 0 : i32
        %dma_wait3A_44 = arith.constant 0 : i32
        %dma_wait3A_45 = tpu.memref_slice %dma_wait3A_42[%add3A_16, %dma_wait3A_43, %dma_wait3A_44] : memref<2x40x128xi32, #tpu.memory_space<hbm>> -> memref<1x40x128xi32, #tpu.memory_space<hbm>>
        %dma_wait3A_46 = tpu.memref_squeeze %dma_wait3A_45 : memref<1x40x128xi32, #tpu.memory_space<hbm>> -> memref<40x128xi32, #tpu.memory_space<hbm>>
        %dma_wait3A_47 = arith.constant 0 : i32
        %dma_wait3A_48 = arith.constant 0 : i32
        %dma_wait3A_49 = arith.constant 0 : i32
        %dma_wait3A_50 = tpu.memref_slice %arg3[%add3A, %dma_wait3A_47, %dma_wait3A_48, %dma_wait3A_49] : memref<32x2x40x128xi32, #tpu.memory_space<hbm>> -> memref<1x2x40x128xi32, #tpu.memory_space<hbm>>
        %dma_wait3A_51 = tpu.memref_squeeze %dma_wait3A_50 : memref<1x2x40x128xi32, #tpu.memory_space<hbm>> -> memref<2x40x128xi32, #tpu.memory_space<hbm>>
        %dma_wait3A_52 = arith.constant 0 : i32
        %dma_wait3A_53 = arith.constant 0 : i32
        %dma_wait3A_54 = tpu.memref_slice %dma_wait3A_51[%add3A_16, %dma_wait3A_52, %dma_wait3A_53] : memref<2x40x128xi32, #tpu.memory_space<hbm>> -> memref<1x40x128xi32, #tpu.memory_space<hbm>>
        %dma_wait3A_55 = tpu.memref_squeeze %dma_wait3A_54 : memref<1x40x128xi32, #tpu.memory_space<hbm>> -> memref<40x128xi32, #tpu.memory_space<hbm>>
        tpu.wait_dma2 semaphore(%run_scoped3A : memref<!tpu.dma_semaphore, #tpu.memory_space<semaphore_mem>>) src(%dma_wait3A_55 : memref<40x128xi32, #tpu.memory_space<hbm>>) dst(%arg7 : memref<40x128xi32, #tpu.memory_space<vmem>>)
        tpu.yield
      }) : () -> ()
      "tpu.region"() ({
        %run_scoped3A = tpu.sem_alloc : memref<!tpu.dma_semaphore, #tpu.memory_space<semaphore_mem>>
        %dma_start3A = arith.constant 0 : i32
        %dma_start3A_22 = arith.constant 0 : i32
        %dma_start3A_23 = arith.constant 0 : i32
        %dma_start3A_24 = tpu.memref_slice %arg4[%add3A, %dma_start3A, %dma_start3A_22, %dma_start3A_23] : memref<32x2x40x128xi32, #tpu.memory_space<hbm>> -> memref<1x2x40x128xi32, #tpu.memory_space<hbm>>
        %dma_start3A_25 = tpu.memref_squeeze %dma_start3A_24 : memref<1x2x40x128xi32, #tpu.memory_space<hbm>> -> memref<2x40x128xi32, #tpu.memory_space<hbm>>
        %dma_start3A_26 = arith.constant 0 : i32
        %dma_start3A_27 = arith.constant 0 : i32
        %dma_start3A_28 = tpu.memref_slice %dma_start3A_25[%add3A_16, %dma_start3A_26, %dma_start3A_27] : memref<2x40x128xi32, #tpu.memory_space<hbm>> -> memref<1x40x128xi32, #tpu.memory_space<hbm>>
        %dma_start3A_29 = tpu.memref_squeeze %dma_start3A_28 : memref<1x40x128xi32, #tpu.memory_space<hbm>> -> memref<40x128xi32, #tpu.memory_space<hbm>>
        %dma_start3A_30 = arith.constant 0 : i32
        %dma_start3A_31 = arith.constant 0 : i32
        %dma_start3A_32 = arith.constant 0 : i32
        %dma_start3A_33 = tpu.memref_slice %arg4[%add3A, %dma_start3A_30, %dma_start3A_31, %dma_start3A_32] : memref<32x2x40x128xi32, #tpu.memory_space<hbm>> -> memref<1x2x40x128xi32, #tpu.memory_space<hbm>>
        %dma_start3A_34 = tpu.memref_squeeze %dma_start3A_33 : memref<1x2x40x128xi32, #tpu.memory_space<hbm>> -> memref<2x40x128xi32, #tpu.memory_space<hbm>>
        %dma_start3A_35 = arith.constant 0 : i32
        %dma_start3A_36 = arith.constant 0 : i32
        %dma_start3A_37 = tpu.memref_slice %dma_start3A_34[%add3A_16, %dma_start3A_35, %dma_start3A_36] : memref<2x40x128xi32, #tpu.memory_space<hbm>> -> memref<1x40x128xi32, #tpu.memory_space<hbm>>
        %dma_start3A_38 = tpu.memref_squeeze %dma_start3A_37 : memref<1x40x128xi32, #tpu.memory_space<hbm>> -> memref<40x128xi32, #tpu.memory_space<hbm>>
        tpu.enqueue_dma source(%dma_start3A_38 : memref<40x128xi32, #tpu.memory_space<hbm>>) target(%arg8 : memref<40x128xi32, #tpu.memory_space<vmem>>) target_semaphore(%run_scoped3A : memref<!tpu.dma_semaphore, #tpu.memory_space<semaphore_mem>>)
        %dma_wait3A = arith.constant 0 : i32
        %dma_wait3A_39 = arith.constant 0 : i32
        %dma_wait3A_40 = arith.constant 0 : i32
        %dma_wait3A_41 = tpu.memref_slice %arg4[%add3A, %dma_wait3A, %dma_wait3A_39, %dma_wait3A_40] : memref<32x2x40x128xi32, #tpu.memory_space<hbm>> -> memref<1x2x40x128xi32, #tpu.memory_space<hbm>>
        %dma_wait3A_42 = tpu.memref_squeeze %dma_wait3A_41 : memref<1x2x40x128xi32, #tpu.memory_space<hbm>> -> memref<2x40x128xi32, #tpu.memory_space<hbm>>
        %dma_wait3A_43 = arith.constant 0 : i32
        %dma_wait3A_44 = arith.constant 0 : i32
        %dma_wait3A_45 = tpu.memref_slice %dma_wait3A_42[%add3A_16, %dma_wait3A_43, %dma_wait3A_44] : memref<2x40x128xi32, #tpu.memory_space<hbm>> -> memref<1x40x128xi32, #tpu.memory_space<hbm>>
        %dma_wait3A_46 = tpu.memref_squeeze %dma_wait3A_45 : memref<1x40x128xi32, #tpu.memory_space<hbm>> -> memref<40x128xi32, #tpu.memory_space<hbm>>
        %dma_wait3A_47 = arith.constant 0 : i32
        %dma_wait3A_48 = arith.constant 0 : i32
        %dma_wait3A_49 = arith.constant 0 : i32
        %dma_wait3A_50 = tpu.memref_slice %arg4[%add3A, %dma_wait3A_47, %dma_wait3A_48, %dma_wait3A_49] : memref<32x2x40x128xi32, #tpu.memory_space<hbm>> -> memref<1x2x40x128xi32, #tpu.memory_space<hbm>>
        %dma_wait3A_51 = tpu.memref_squeeze %dma_wait3A_50 : memref<1x2x40x128xi32, #tpu.memory_space<hbm>> -> memref<2x40x128xi32, #tpu.memory_space<hbm>>
        %dma_wait3A_52 = arith.constant 0 : i32
        %dma_wait3A_53 = arith.constant 0 : i32
        %dma_wait3A_54 = tpu.memref_slice %dma_wait3A_51[%add3A_16, %dma_wait3A_52, %dma_wait3A_53] : memref<2x40x128xi32, #tpu.memory_space<hbm>> -> memref<1x40x128xi32, #tpu.memory_space<hbm>>
        %dma_wait3A_55 = tpu.memref_squeeze %dma_wait3A_54 : memref<1x40x128xi32, #tpu.memory_space<hbm>> -> memref<40x128xi32, #tpu.memory_space<hbm>>
        tpu.wait_dma2 semaphore(%run_scoped3A : memref<!tpu.dma_semaphore, #tpu.memory_space<semaphore_mem>>) src(%dma_wait3A_55 : memref<40x128xi32, #tpu.memory_space<hbm>>) dst(%arg8 : memref<40x128xi32, #tpu.memory_space<vmem>>)
        tpu.yield
      }) : () -> ()
      %scan3A_17 = arith.constant 0 : i32
      %scan3A_18 = arith.constant 10 : i32
      %scan3A_19 = arith.addi %scan3A_17, %scan3A_18 : i32
      %scan3A_20 = arith.constant 1 : i32
      scf.for %scan3A_22 = %scan3A_17 to %scan3A_19 step %scan3A_20  : i32 {
        %mul3A_23 = arith.constant 4 : i32
        %mul3A_24 = arith.muli %scan3A_22, %mul3A_23 : i32
        %add3A_25 = arith.constant 0 : i32
        %add3A_26 = arith.addi %add3A_25, %mul3A_24 : i32
        %add3A_27 = arith.constant 0 : i32
        %add3A_28 = arith.addi %add3A_26, %add3A_27 : i32
        %dma_start3A = arith.constant 0 : i32
        %dma_start3A_29 = arith.constant 0 : i32
        %dma_start3A_30 = arith.constant 0 : i32
        %dma_start3A_31 = tpu.memref_slice %arg9[%dma_start3A, %dma_start3A_29, %dma_start3A_30] : memref<2x128x128xf32, #tpu.memory_space<vmem>> -> memref<1x128x128xf32, #tpu.memory_space<vmem>>
        %dma_start3A_32 = tpu.memref_squeeze %dma_start3A_31 : memref<1x128x128xf32, #tpu.memory_space<vmem>> -> memref<128x128xf32, #tpu.memory_space<vmem>>
        %dma_start3A_33 = arith.constant 0 : i32
        %dma_start3A_34 = tpu.memref_slice %arg7[%add3A_28, %dma_start3A_33] : memref<40x128xi32, #tpu.memory_space<vmem>> -> memref<1x128xi32, #tpu.memory_space<vmem>>
        %dma_start3A_35 = tpu.memref_squeeze %dma_start3A_34 : memref<1x128xi32, #tpu.memory_space<vmem>> -> memref<128xi32, #tpu.memory_space<vmem>>
        %dma_start3A_36 = arith.constant 0 : i32
        %dma_start3A_37 = arith.constant 0 : i32
        %dma_start3A_38 = tpu.memref_slice %arg2[%dma_start3A_36, %dma_start3A_37] : memref<10000x128xf32, #tpu.memory_space<hbm>> -> memref<10000x128xf32, #tpu.memory_space<hbm>>
        tpu.enqueue_indirect_dma source(%dma_start3A_38 : memref<10000x128xf32, #tpu.memory_space<hbm>>) target(%dma_start3A_32 : memref<128x128xf32, #tpu.memory_space<vmem>>) offsets(%dma_start3A_35 : memref<128xi32, #tpu.memory_space<vmem>>) semaphore(%arg11 : memref<!tpu.dma_semaphore, #tpu.memory_space<semaphore_mem>>)
        %add3A_39 = arith.constant 1 : i32
        %add3A_40 = arith.addi %add3A_26, %add3A_39 : i32
        %dma_start3A_41 = arith.constant 1 : i32
        %dma_start3A_42 = arith.constant 0 : i32
        %dma_start3A_43 = arith.constant 0 : i32
        %dma_start3A_44 = tpu.memref_slice %arg9[%dma_start3A_41, %dma_start3A_42, %dma_start3A_43] : memref<2x128x128xf32, #tpu.memory_space<vmem>> -> memref<1x128x128xf32, #tpu.memory_space<vmem>>
        %dma_start3A_45 = tpu.memref_squeeze %dma_start3A_44 : memref<1x128x128xf32, #tpu.memory_space<vmem>> -> memref<128x128xf32, #tpu.memory_space<vmem>>
        %dma_start3A_46 = arith.constant 0 : i32
        %dma_start3A_47 = tpu.memref_slice %arg7[%add3A_40, %dma_start3A_46] : memref<40x128xi32, #tpu.memory_space<vmem>> -> memref<1x128xi32, #tpu.memory_space<vmem>>
        %dma_start3A_48 = tpu.memref_squeeze %dma_start3A_47 : memref<1x128xi32, #tpu.memory_space<vmem>> -> memref<128xi32, #tpu.memory_space<vmem>>
        %dma_start3A_49 = arith.constant 0 : i32
        %dma_start3A_50 = arith.constant 0 : i32
        %dma_start3A_51 = tpu.memref_slice %arg2[%dma_start3A_49, %dma_start3A_50] : memref<10000x128xf32, #tpu.memory_space<hbm>> -> memref<10000x128xf32, #tpu.memory_space<hbm>>
        tpu.enqueue_indirect_dma source(%dma_start3A_51 : memref<10000x128xf32, #tpu.memory_space<hbm>>) target(%dma_start3A_45 : memref<128x128xf32, #tpu.memory_space<vmem>>) offsets(%dma_start3A_48 : memref<128xi32, #tpu.memory_space<vmem>>) semaphore(%arg12 : memref<!tpu.dma_semaphore, #tpu.memory_space<semaphore_mem>>)
        %dma_wait3A = arith.constant 0 : i32
        %dma_wait3A_52 = arith.constant 0 : i32
        %dma_wait3A_53 = arith.constant 0 : i32
        %dma_wait3A_54 = tpu.memref_slice %arg9[%dma_wait3A, %dma_wait3A_52, %dma_wait3A_53] : memref<2x128x128xf32, #tpu.memory_space<vmem>> -> memref<1x128x128xf32, #tpu.memory_space<vmem>>
        %dma_wait3A_55 = tpu.memref_squeeze %dma_wait3A_54 : memref<1x128x128xf32, #tpu.memory_space<vmem>> -> memref<128x128xf32, #tpu.memory_space<vmem>>
        %dma_wait3A_56 = arith.constant 0 : i32
        %dma_wait3A_57 = tpu.memref_slice %arg7[%add3A_28, %dma_wait3A_56] : memref<40x128xi32, #tpu.memory_space<vmem>> -> memref<1x128xi32, #tpu.memory_space<vmem>>
        %dma_wait3A_58 = tpu.memref_squeeze %dma_wait3A_57 : memref<1x128xi32, #tpu.memory_space<vmem>> -> memref<128xi32, #tpu.memory_space<vmem>>
        %dma_wait3A_59 = arith.constant 0 : i32
        %dma_wait3A_60 = arith.constant 0 : i32
        %dma_wait3A_61 = tpu.memref_slice %arg2[%dma_wait3A_59, %dma_wait3A_60] : memref<10000x128xf32, #tpu.memory_space<hbm>> -> memref<10000x128xf32, #tpu.memory_space<hbm>>
        tpu.wait_indirect_dma semaphore(%arg11 : memref<!tpu.dma_semaphore, #tpu.memory_space<semaphore_mem>>) src(%dma_wait3A_61 : memref<10000x128xf32, #tpu.memory_space<hbm>>) dst(%dma_wait3A_55 : memref<128x128xf32, #tpu.memory_space<vmem>>)
        %add3A_62 = arith.constant 0 : i32
        %add3A_63 = arith.addi %add3A_26, %add3A_62 : i32
        %dma_start3A_64 = arith.constant 0 : i32
        %dma_start3A_65 = arith.constant 0 : i32
        %dma_start3A_66 = arith.constant 0 : i32
        %dma_start3A_67 = tpu.memref_slice %arg9[%dma_start3A_64, %dma_start3A_65, %dma_start3A_66] : memref<2x128x128xf32, #tpu.memory_space<vmem>> -> memref<1x128x128xf32, #tpu.memory_space<vmem>>
        %dma_start3A_68 = tpu.memref_squeeze %dma_start3A_67 : memref<1x128x128xf32, #tpu.memory_space<vmem>> -> memref<128x128xf32, #tpu.memory_space<vmem>>
        %dma_start3A_69 = arith.constant 0 : i32
        %dma_start3A_70 = tpu.memref_slice %arg8[%add3A_63, %dma_start3A_69] : memref<40x128xi32, #tpu.memory_space<vmem>> -> memref<1x128xi32, #tpu.memory_space<vmem>>
        %dma_start3A_71 = tpu.memref_squeeze %dma_start3A_70 : memref<1x128xi32, #tpu.memory_space<vmem>> -> memref<128xi32, #tpu.memory_space<vmem>>
        %dma_start3A_72 = arith.constant 0 : i32
        %dma_start3A_73 = arith.constant 0 : i32
        %dma_start3A_74 = tpu.memref_slice %arg10[%dma_start3A_72, %dma_start3A_73] : memref<10112x128xf32, #tpu.memory_space<vmem_shared>> -> memref<10112x128xf32, #tpu.memory_space<vmem_shared>>
        tpu.enqueue_indirect_dma source(%dma_start3A_68 : memref<128x128xf32, #tpu.memory_space<vmem>>) target(%dma_start3A_74 : memref<10112x128xf32, #tpu.memory_space<vmem_shared>>) offsets(%dma_start3A_71 : memref<128xi32, #tpu.memory_space<vmem>>) semaphore(%arg13 : memref<!tpu.dma_semaphore, #tpu.memory_space<semaphore_mem>>) {add = true}
        %dma_wait3A_75 = arith.constant 1 : i32
        %dma_wait3A_76 = arith.constant 0 : i32
        %dma_wait3A_77 = arith.constant 0 : i32
        %dma_wait3A_78 = tpu.memref_slice %arg9[%dma_wait3A_75, %dma_wait3A_76, %dma_wait3A_77] : memref<2x128x128xf32, #tpu.memory_space<vmem>> -> memref<1x128x128xf32, #tpu.memory_space<vmem>>
        %dma_wait3A_79 = tpu.memref_squeeze %dma_wait3A_78 : memref<1x128x128xf32, #tpu.memory_space<vmem>> -> memref<128x128xf32, #tpu.memory_space<vmem>>
        %dma_wait3A_80 = arith.constant 0 : i32
        %dma_wait3A_81 = tpu.memref_slice %arg7[%add3A_40, %dma_wait3A_80] : memref<40x128xi32, #tpu.memory_space<vmem>> -> memref<1x128xi32, #tpu.memory_space<vmem>>
        %dma_wait3A_82 = tpu.memref_squeeze %dma_wait3A_81 : memref<1x128xi32, #tpu.memory_space<vmem>> -> memref<128xi32, #tpu.memory_space<vmem>>
        %dma_wait3A_83 = arith.constant 0 : i32
        %dma_wait3A_84 = arith.constant 0 : i32
        %dma_wait3A_85 = tpu.memref_slice %arg2[%dma_wait3A_83, %dma_wait3A_84] : memref<10000x128xf32, #tpu.memory_space<hbm>> -> memref<10000x128xf32, #tpu.memory_space<hbm>>
        tpu.wait_indirect_dma semaphore(%arg12 : memref<!tpu.dma_semaphore, #tpu.memory_space<semaphore_mem>>) src(%dma_wait3A_85 : memref<10000x128xf32, #tpu.memory_space<hbm>>) dst(%dma_wait3A_79 : memref<128x128xf32, #tpu.memory_space<vmem>>)
        %add3A_86 = arith.constant 1 : i32
        %add3A_87 = arith.addi %add3A_26, %add3A_86 : i32
        %dma_start3A_88 = arith.constant 1 : i32
        %dma_start3A_89 = arith.constant 0 : i32
        %dma_start3A_90 = arith.constant 0 : i32
        %dma_start3A_91 = tpu.memref_slice %arg9[%dma_start3A_88, %dma_start3A_89, %dma_start3A_90] : memref<2x128x128xf32, #tpu.memory_space<vmem>> -> memref<1x128x128xf32, #tpu.memory_space<vmem>>
        %dma_start3A_92 = tpu.memref_squeeze %dma_start3A_91 : memref<1x128x128xf32, #tpu.memory_space<vmem>> -> memref<128x128xf32, #tpu.memory_space<vmem>>
        %dma_start3A_93 = arith.constant 0 : i32
        %dma_start3A_94 = tpu.memref_slice %arg8[%add3A_87, %dma_start3A_93] : memref<40x128xi32, #tpu.memory_space<vmem>> -> memref<1x128xi32, #tpu.memory_space<vmem>>
        %dma_start3A_95 = tpu.memref_squeeze %dma_start3A_94 : memref<1x128xi32, #tpu.memory_space<vmem>> -> memref<128xi32, #tpu.memory_space<vmem>>
        %dma_start3A_96 = arith.constant 0 : i32
        %dma_start3A_97 = arith.constant 0 : i32
        %dma_start3A_98 = tpu.memref_slice %arg10[%dma_start3A_96, %dma_start3A_97] : memref<10112x128xf32, #tpu.memory_space<vmem_shared>> -> memref<10112x128xf32, #tpu.memory_space<vmem_shared>>
        tpu.enqueue_indirect_dma source(%dma_start3A_92 : memref<128x128xf32, #tpu.memory_space<vmem>>) target(%dma_start3A_98 : memref<10112x128xf32, #tpu.memory_space<vmem_shared>>) offsets(%dma_start3A_95 : memref<128xi32, #tpu.memory_space<vmem>>) semaphore(%arg14 : memref<!tpu.dma_semaphore, #tpu.memory_space<semaphore_mem>>) {add = true}
        %dma_wait3A_99 = arith.constant 0 : i32
        %dma_wait3A_100 = arith.constant 0 : i32
        %dma_wait3A_101 = arith.constant 0 : i32
        %dma_wait3A_102 = tpu.memref_slice %arg9[%dma_wait3A_99, %dma_wait3A_100, %dma_wait3A_101] : memref<2x128x128xf32, #tpu.memory_space<vmem>> -> memref<1x128x128xf32, #tpu.memory_space<vmem>>
        %dma_wait3A_103 = tpu.memref_squeeze %dma_wait3A_102 : memref<1x128x128xf32, #tpu.memory_space<vmem>> -> memref<128x128xf32, #tpu.memory_space<vmem>>
        %dma_wait3A_104 = arith.constant 0 : i32
        %dma_wait3A_105 = tpu.memref_slice %arg8[%add3A_63, %dma_wait3A_104] : memref<40x128xi32, #tpu.memory_space<vmem>> -> memref<1x128xi32, #tpu.memory_space<vmem>>
        %dma_wait3A_106 = tpu.memref_squeeze %dma_wait3A_105 : memref<1x128xi32, #tpu.memory_space<vmem>> -> memref<128xi32, #tpu.memory_space<vmem>>
        %dma_wait3A_107 = arith.constant 0 : i32
        %dma_wait3A_108 = arith.constant 0 : i32
        %dma_wait3A_109 = tpu.memref_slice %arg10[%dma_wait3A_107, %dma_wait3A_108] : memref<10112x128xf32, #tpu.memory_space<vmem_shared>> -> memref<10112x128xf32, #tpu.memory_space<vmem_shared>>
        tpu.wait_indirect_dma semaphore(%arg13 : memref<!tpu.dma_semaphore, #tpu.memory_space<semaphore_mem>>) src(%dma_wait3A_103 : memref<128x128xf32, #tpu.memory_space<vmem>>) dst(%dma_wait3A_109 : memref<10112x128xf32, #tpu.memory_space<vmem_shared>>)
        %add3A_110 = arith.constant 2 : i32
        %add3A_111 = arith.addi %add3A_26, %add3A_110 : i32
        %dma_start3A_112 = arith.constant 0 : i32
        %dma_start3A_113 = arith.constant 0 : i32
        %dma_start3A_114 = arith.constant 0 : i32
        %dma_start3A_115 = tpu.memref_slice %arg9[%dma_start3A_112, %dma_start3A_113, %dma_start3A_114] : memref<2x128x128xf32, #tpu.memory_space<vmem>> -> memref<1x128x128xf32, #tpu.memory_space<vmem>>
        %dma_start3A_116 = tpu.memref_squeeze %dma_start3A_115 : memref<1x128x128xf32, #tpu.memory_space<vmem>> -> memref<128x128xf32, #tpu.memory_space<vmem>>
        %dma_start3A_117 = arith.constant 0 : i32
        %dma_start3A_118 = tpu.memref_slice %arg7[%add3A_111, %dma_start3A_117] : memref<40x128xi32, #tpu.memory_space<vmem>> -> memref<1x128xi32, #tpu.memory_space<vmem>>
        %dma_start3A_119 = tpu.memref_squeeze %dma_start3A_118 : memref<1x128xi32, #tpu.memory_space<vmem>> -> memref<128xi32, #tpu.memory_space<vmem>>
        %dma_start3A_120 = arith.constant 0 : i32
        %dma_start3A_121 = arith.constant 0 : i32
        %dma_start3A_122 = tpu.memref_slice %arg2[%dma_start3A_120, %dma_start3A_121] : memref<10000x128xf32, #tpu.memory_space<hbm>> -> memref<10000x128xf32, #tpu.memory_space<hbm>>
        tpu.enqueue_indirect_dma source(%dma_start3A_122 : memref<10000x128xf32, #tpu.memory_space<hbm>>) target(%dma_start3A_116 : memref<128x128xf32, #tpu.memory_space<vmem>>) offsets(%dma_start3A_119 : memref<128xi32, #tpu.memory_space<vmem>>) semaphore(%arg11 : memref<!tpu.dma_semaphore, #tpu.memory_space<semaphore_mem>>)
        %dma_wait3A_123 = arith.constant 1 : i32
        %dma_wait3A_124 = arith.constant 0 : i32
        %dma_wait3A_125 = arith.constant 0 : i32
        %dma_wait3A_126 = tpu.memref_slice %arg9[%dma_wait3A_123, %dma_wait3A_124, %dma_wait3A_125] : memref<2x128x128xf32, #tpu.memory_space<vmem>> -> memref<1x128x128xf32, #tpu.memory_space<vmem>>
        %dma_wait3A_127 = tpu.memref_squeeze %dma_wait3A_126 : memref<1x128x128xf32, #tpu.memory_space<vmem>> -> memref<128x128xf32, #tpu.memory_space<vmem>>
        %dma_wait3A_128 = arith.constant 0 : i32
        %dma_wait3A_129 = tpu.memref_slice %arg8[%add3A_87, %dma_wait3A_128] : memref<40x128xi32, #tpu.memory_space<vmem>> -> memref<1x128xi32, #tpu.memory_space<vmem>>
        %dma_wait3A_130 = tpu.memref_squeeze %dma_wait3A_129 : memref<1x128xi32, #tpu.memory_space<vmem>> -> memref<128xi32, #tpu.memory_space<vmem>>
        %dma_wait3A_131 = arith.constant 0 : i32
        %dma_wait3A_132 = arith.constant 0 : i32
        %dma_wait3A_133 = tpu.memref_slice %arg10[%dma_wait3A_131, %dma_wait3A_132] : memref<10112x128xf32, #tpu.memory_space<vmem_shared>> -> memref<10112x128xf32, #tpu.memory_space<vmem_shared>>
        tpu.wait_indirect_dma semaphore(%arg14 : memref<!tpu.dma_semaphore, #tpu.memory_space<semaphore_mem>>) src(%dma_wait3A_127 : memref<128x128xf32, #tpu.memory_space<vmem>>) dst(%dma_wait3A_133 : memref<10112x128xf32, #tpu.memory_space<vmem_shared>>)
        %add3A_134 = arith.constant 3 : i32
        %add3A_135 = arith.addi %add3A_26, %add3A_134 : i32
        %dma_start3A_136 = arith.constant 1 : i32
        %dma_start3A_137 = arith.constant 0 : i32
        %dma_start3A_138 = arith.constant 0 : i32
        %dma_start3A_139 = tpu.memref_slice %arg9[%dma_start3A_136, %dma_start3A_137, %dma_start3A_138] : memref<2x128x128xf32, #tpu.memory_space<vmem>> -> memref<1x128x128xf32, #tpu.memory_space<vmem>>
        %dma_start3A_140 = tpu.memref_squeeze %dma_start3A_139 : memref<1x128x128xf32, #tpu.memory_space<vmem>> -> memref<128x128xf32, #tpu.memory_space<vmem>>
        %dma_start3A_141 = arith.constant 0 : i32
        %dma_start3A_142 = tpu.memref_slice %arg7[%add3A_135, %dma_start3A_141] : memref<40x128xi32, #tpu.memory_space<vmem>> -> memref<1x128xi32, #tpu.memory_space<vmem>>
        %dma_start3A_143 = tpu.memref_squeeze %dma_start3A_142 : memref<1x128xi32, #tpu.memory_space<vmem>> -> memref<128xi32, #tpu.memory_space<vmem>>
        %dma_start3A_144 = arith.constant 0 : i32
        %dma_start3A_145 = arith.constant 0 : i32
        %dma_start3A_146 = tpu.memref_slice %arg2[%dma_start3A_144, %dma_start3A_145] : memref<10000x128xf32, #tpu.memory_space<hbm>> -> memref<10000x128xf32, #tpu.memory_space<hbm>>
        tpu.enqueue_indirect_dma source(%dma_start3A_146 : memref<10000x128xf32, #tpu.memory_space<hbm>>) target(%dma_start3A_140 : memref<128x128xf32, #tpu.memory_space<vmem>>) offsets(%dma_start3A_143 : memref<128xi32, #tpu.memory_space<vmem>>) semaphore(%arg12 : memref<!tpu.dma_semaphore, #tpu.memory_space<semaphore_mem>>)
        %dma_wait3A_147 = arith.constant 0 : i32
        %dma_wait3A_148 = arith.constant 0 : i32
        %dma_wait3A_149 = arith.constant 0 : i32
        %dma_wait3A_150 = tpu.memref_slice %arg9[%dma_wait3A_147, %dma_wait3A_148, %dma_wait3A_149] : memref<2x128x128xf32, #tpu.memory_space<vmem>> -> memref<1x128x128xf32, #tpu.memory_space<vmem>>
        %dma_wait3A_151 = tpu.memref_squeeze %dma_wait3A_150 : memref<1x128x128xf32, #tpu.memory_space<vmem>> -> memref<128x128xf32, #tpu.memory_space<vmem>>
        %dma_wait3A_152 = arith.constant 0 : i32
        %dma_wait3A_153 = tpu.memref_slice %arg7[%add3A_111, %dma_wait3A_152] : memref<40x128xi32, #tpu.memory_space<vmem>> -> memref<1x128xi32, #tpu.memory_space<vmem>>
        %dma_wait3A_154 = tpu.memref_squeeze %dma_wait3A_153 : memref<1x128xi32, #tpu.memory_space<vmem>> -> memref<128xi32, #tpu.memory_space<vmem>>
        %dma_wait3A_155 = arith.constant 0 : i32
        %dma_wait3A_156 = arith.constant 0 : i32
        %dma_wait3A_157 = tpu.memref_slice %arg2[%dma_wait3A_155, %dma_wait3A_156] : memref<10000x128xf32, #tpu.memory_space<hbm>> -> memref<10000x128xf32, #tpu.memory_space<hbm>>
        tpu.wait_indirect_dma semaphore(%arg11 : memref<!tpu.dma_semaphore, #tpu.memory_space<semaphore_mem>>) src(%dma_wait3A_157 : memref<10000x128xf32, #tpu.memory_space<hbm>>) dst(%dma_wait3A_151 : memref<128x128xf32, #tpu.memory_space<vmem>>)
        %add3A_158 = arith.constant 2 : i32
        %add3A_159 = arith.addi %add3A_26, %add3A_158 : i32
        %dma_start3A_160 = arith.constant 0 : i32
        %dma_start3A_161 = arith.constant 0 : i32
        %dma_start3A_162 = arith.constant 0 : i32
        %dma_start3A_163 = tpu.memref_slice %arg9[%dma_start3A_160, %dma_start3A_161, %dma_start3A_162] : memref<2x128x128xf32, #tpu.memory_space<vmem>> -> memref<1x128x128xf32, #tpu.memory_space<vmem>>
        %dma_start3A_164 = tpu.memref_squeeze %dma_start3A_163 : memref<1x128x128xf32, #tpu.memory_space<vmem>> -> memref<128x128xf32, #tpu.memory_space<vmem>>
        %dma_start3A_165 = arith.constant 0 : i32
        %dma_start3A_166 = tpu.memref_slice %arg8[%add3A_159, %dma_start3A_165] : memref<40x128xi32, #tpu.memory_space<vmem>> -> memref<1x128xi32, #tpu.memory_space<vmem>>
        %dma_start3A_167 = tpu.memref_squeeze %dma_start3A_166 : memref<1x128xi32, #tpu.memory_space<vmem>> -> memref<128xi32, #tpu.memory_space<vmem>>
        %dma_start3A_168 = arith.constant 0 : i32
        %dma_start3A_169 = arith.constant 0 : i32
        %dma_start3A_170 = tpu.memref_slice %arg10[%dma_start3A_168, %dma_start3A_169] : memref<10112x128xf32, #tpu.memory_space<vmem_shared>> -> memref<10112x128xf32, #tpu.memory_space<vmem_shared>>
        tpu.enqueue_indirect_dma source(%dma_start3A_164 : memref<128x128xf32, #tpu.memory_space<vmem>>) target(%dma_start3A_170 : memref<10112x128xf32, #tpu.memory_space<vmem_shared>>) offsets(%dma_start3A_167 : memref<128xi32, #tpu.memory_space<vmem>>) semaphore(%arg13 : memref<!tpu.dma_semaphore, #tpu.memory_space<semaphore_mem>>) {add = true}
        %dma_wait3A_171 = arith.constant 1 : i32
        %dma_wait3A_172 = arith.constant 0 : i32
        %dma_wait3A_173 = arith.constant 0 : i32
        %dma_wait3A_174 = tpu.memref_slice %arg9[%dma_wait3A_171, %dma_wait3A_172, %dma_wait3A_173] : memref<2x128x128xf32, #tpu.memory_space<vmem>> -> memref<1x128x128xf32, #tpu.memory_space<vmem>>
        %dma_wait3A_175 = tpu.memref_squeeze %dma_wait3A_174 : memref<1x128x128xf32, #tpu.memory_space<vmem>> -> memref<128x128xf32, #tpu.memory_space<vmem>>
        %dma_wait3A_176 = arith.constant 0 : i32
        %dma_wait3A_177 = tpu.memref_slice %arg7[%add3A_135, %dma_wait3A_176] : memref<40x128xi32, #tpu.memory_space<vmem>> -> memref<1x128xi32, #tpu.memory_space<vmem>>
        %dma_wait3A_178 = tpu.memref_squeeze %dma_wait3A_177 : memref<1x128xi32, #tpu.memory_space<vmem>> -> memref<128xi32, #tpu.memory_space<vmem>>
        %dma_wait3A_179 = arith.constant 0 : i32
        %dma_wait3A_180 = arith.constant 0 : i32
        %dma_wait3A_181 = tpu.memref_slice %arg2[%dma_wait3A_179, %dma_wait3A_180] : memref<10000x128xf32, #tpu.memory_space<hbm>> -> memref<10000x128xf32, #tpu.memory_space<hbm>>
        tpu.wait_indirect_dma semaphore(%arg12 : memref<!tpu.dma_semaphore, #tpu.memory_space<semaphore_mem>>) src(%dma_wait3A_181 : memref<10000x128xf32, #tpu.memory_space<hbm>>) dst(%dma_wait3A_175 : memref<128x128xf32, #tpu.memory_space<vmem>>)
        %add3A_182 = arith.constant 3 : i32
        %add3A_183 = arith.addi %add3A_26, %add3A_182 : i32
        %dma_start3A_184 = arith.constant 1 : i32
        %dma_start3A_185 = arith.constant 0 : i32
        %dma_start3A_186 = arith.constant 0 : i32
        %dma_start3A_187 = tpu.memref_slice %arg9[%dma_start3A_184, %dma_start3A_185, %dma_start3A_186] : memref<2x128x128xf32, #tpu.memory_space<vmem>> -> memref<1x128x128xf32, #tpu.memory_space<vmem>>
        %dma_start3A_188 = tpu.memref_squeeze %dma_start3A_187 : memref<1x128x128xf32, #tpu.memory_space<vmem>> -> memref<128x128xf32, #tpu.memory_space<vmem>>
        %dma_start3A_189 = arith.constant 0 : i32
        %dma_start3A_190 = tpu.memref_slice %arg8[%add3A_183, %dma_start3A_189] : memref<40x128xi32, #tpu.memory_space<vmem>> -> memref<1x128xi32, #tpu.memory_space<vmem>>
        %dma_start3A_191 = tpu.memref_squeeze %dma_start3A_190 : memref<1x128xi32, #tpu.memory_space<vmem>> -> memref<128xi32, #tpu.memory_space<vmem>>
        %dma_start3A_192 = arith.constant 0 : i32
        %dma_start3A_193 = arith.constant 0 : i32
        %dma_start3A_194 = tpu.memref_slice %arg10[%dma_start3A_192, %dma_start3A_193] : memref<10112x128xf32, #tpu.memory_space<vmem_shared>> -> memref<10112x128xf32, #tpu.memory_space<vmem_shared>>
        tpu.enqueue_indirect_dma source(%dma_start3A_188 : memref<128x128xf32, #tpu.memory_space<vmem>>) target(%dma_start3A_194 : memref<10112x128xf32, #tpu.memory_space<vmem_shared>>) offsets(%dma_start3A_191 : memref<128xi32, #tpu.memory_space<vmem>>) semaphore(%arg14 : memref<!tpu.dma_semaphore, #tpu.memory_space<semaphore_mem>>) {add = true}
        %dma_wait3A_195 = arith.constant 0 : i32
        %dma_wait3A_196 = arith.constant 0 : i32
        %dma_wait3A_197 = arith.constant 0 : i32
        %dma_wait3A_198 = tpu.memref_slice %arg9[%dma_wait3A_195, %dma_wait3A_196, %dma_wait3A_197] : memref<2x128x128xf32, #tpu.memory_space<vmem>> -> memref<1x128x128xf32, #tpu.memory_space<vmem>>
        %dma_wait3A_199 = tpu.memref_squeeze %dma_wait3A_198 : memref<1x128x128xf32, #tpu.memory_space<vmem>> -> memref<128x128xf32, #tpu.memory_space<vmem>>
        %dma_wait3A_200 = arith.constant 0 : i32
        %dma_wait3A_201 = tpu.memref_slice %arg8[%add3A_159, %dma_wait3A_200] : memref<40x128xi32, #tpu.memory_space<vmem>> -> memref<1x128xi32, #tpu.memory_space<vmem>>
        %dma_wait3A_202 = tpu.memref_squeeze %dma_wait3A_201 : memref<1x128xi32, #tpu.memory_space<vmem>> -> memref<128xi32, #tpu.memory_space<vmem>>
        %dma_wait3A_203 = arith.constant 0 : i32
        %dma_wait3A_204 = arith.constant 0 : i32
        %dma_wait3A_205 = tpu.memref_slice %arg10[%dma_wait3A_203, %dma_wait3A_204] : memref<10112x128xf32, #tpu.memory_space<vmem_shared>> -> memref<10112x128xf32, #tpu.memory_space<vmem_shared>>
        tpu.wait_indirect_dma semaphore(%arg13 : memref<!tpu.dma_semaphore, #tpu.memory_space<semaphore_mem>>) src(%dma_wait3A_199 : memref<128x128xf32, #tpu.memory_space<vmem>>) dst(%dma_wait3A_205 : memref<10112x128xf32, #tpu.memory_space<vmem_shared>>)
        %dma_wait3A_206 = arith.constant 1 : i32
        %dma_wait3A_207 = arith.constant 0 : i32
        %dma_wait3A_208 = arith.constant 0 : i32
        %dma_wait3A_209 = tpu.memref_slice %arg9[%dma_wait3A_206, %dma_wait3A_207, %dma_wait3A_208] : memref<2x128x128xf32, #tpu.memory_space<vmem>> -> memref<1x128x128xf32, #tpu.memory_space<vmem>>
        %dma_wait3A_210 = tpu.memref_squeeze %dma_wait3A_209 : memref<1x128x128xf32, #tpu.memory_space<vmem>> -> memref<128x128xf32, #tpu.memory_space<vmem>>
        %dma_wait3A_211 = arith.constant 0 : i32
        %dma_wait3A_212 = tpu.memref_slice %arg8[%add3A_183, %dma_wait3A_211] : memref<40x128xi32, #tpu.memory_space<vmem>> -> memref<1x128xi32, #tpu.memory_space<vmem>>
        %dma_wait3A_213 = tpu.memref_squeeze %dma_wait3A_212 : memref<1x128xi32, #tpu.memory_space<vmem>> -> memref<128xi32, #tpu.memory_space<vmem>>
        %dma_wait3A_214 = arith.constant 0 : i32
        %dma_wait3A_215 = arith.constant 0 : i32
        %dma_wait3A_216 = tpu.memref_slice %arg10[%dma_wait3A_214, %dma_wait3A_215] : memref<10112x128xf32, #tpu.memory_space<vmem_shared>> -> memref<10112x128xf32, #tpu.memory_space<vmem_shared>>
        tpu.wait_indirect_dma semaphore(%arg14 : memref<!tpu.dma_semaphore, #tpu.memory_space<semaphore_mem>>) src(%dma_wait3A_210 : memref<128x128xf32, #tpu.memory_space<vmem>>) dst(%dma_wait3A_216 : memref<10112x128xf32, #tpu.memory_space<vmem_shared>>)
      }
      %scan3A_21 = arith.constant 10 : i32
    }
    %scan3A_6 = arith.constant 2 : i32
    %barrier3A_7 = arith.constant 0 : index
    tpu.barrier barrier_id(%barrier3A_7)
    %mul3A_8 = arith.constant 632 : i32
    %mul3A_9 = arith.muli %arg1, %mul3A_8 : i32
    %mul3A_10 = arith.constant 632 : i32
    %mul3A_11 = arith.muli %arg1, %mul3A_10 : i32
    "tpu.region"() ({
      %run_scoped3A = tpu.sem_alloc : memref<!tpu.dma_semaphore, #tpu.memory_space<semaphore_mem>>
      %dma_start3A = arith.constant 0 : i32
      %dma_start3A_12 = arith.constant 0 : i32
      %dma_start3A_13 = tpu.memref_slice %arg6[%arg0, %dma_start3A, %dma_start3A_12] : memref<2x10112x128xf32, #tpu.memory_space<hbm>> -> memref<1x10112x128xf32, #tpu.memory_space<hbm>>
      %dma_start3A_14 = tpu.memref_squeeze %dma_start3A_13 : memref<1x10112x128xf32, #tpu.memory_space<hbm>> -> memref<10112x128xf32, #tpu.memory_space<hbm>>
      %dma_start3A_15 = arith.constant 0 : i32
      %dma_start3A_16 = tpu.memref_slice %dma_start3A_14[%mul3A_11, %dma_start3A_15] : memref<10112x128xf32, #tpu.memory_space<hbm>> -> memref<632x128xf32, #tpu.memory_space<hbm>>
      %dma_start3A_17 = arith.constant 0 : i32
      %dma_start3A_18 = tpu.memref_slice %arg10[%mul3A_9, %dma_start3A_17] : memref<10112x128xf32, #tpu.memory_space<vmem_shared>> -> memref<632x128xf32, #tpu.memory_space<vmem_shared>>
      tpu.enqueue_dma source(%dma_start3A_18 : memref<632x128xf32, #tpu.memory_space<vmem_shared>>) target(%dma_start3A_16 : memref<632x128xf32, #tpu.memory_space<hbm>>) target_semaphore(%run_scoped3A : memref<!tpu.dma_semaphore, #tpu.memory_space<semaphore_mem>>)
      %dma_wait3A = arith.constant 0 : i32
      %dma_wait3A_19 = arith.constant 0 : i32
      %dma_wait3A_20 = tpu.memref_slice %arg6[%arg0, %dma_wait3A, %dma_wait3A_19] : memref<2x10112x128xf32, #tpu.memory_space<hbm>> -> memref<1x10112x128xf32, #tpu.memory_space<hbm>>
      %dma_wait3A_21 = tpu.memref_squeeze %dma_wait3A_20 : memref<1x10112x128xf32, #tpu.memory_space<hbm>> -> memref<10112x128xf32, #tpu.memory_space<hbm>>
      %dma_wait3A_22 = arith.constant 0 : i32
      %dma_wait3A_23 = tpu.memref_slice %dma_wait3A_21[%mul3A_11, %dma_wait3A_22] : memref<10112x128xf32, #tpu.memory_space<hbm>> -> memref<632x128xf32, #tpu.memory_space<hbm>>
      %dma_wait3A_24 = arith.constant 0 : i32
      %dma_wait3A_25 = tpu.memref_slice %arg10[%mul3A_9, %dma_wait3A_24] : memref<10112x128xf32, #tpu.memory_space<vmem_shared>> -> memref<632x128xf32, #tpu.memory_space<vmem_shared>>
      tpu.wait_dma2 semaphore(%run_scoped3A : memref<!tpu.dma_semaphore, #tpu.memory_space<semaphore_mem>>) src(%dma_wait3A_25 : memref<632x128xf32, #tpu.memory_space<vmem_shared>>) dst(%dma_wait3A_23 : memref<632x128xf32, #tpu.memory_space<hbm>>)
      tpu.yield
    }) : () -> ()
    return
  }
}

#map = affine_map<(d0, d1) -> (0, 0)>
#map1 = affine_map<(d0, d1) -> (0, 0, 0, 0)>
#map2 = affine_map<(d0, d1) -> (0, 0, 0)>
module attributes {stable_mosaic.version = 14 : i64} {
  func.func @k(%arg0: i32, %arg1: i32, %arg2: memref<10000x128xf32, #tpu.memory_space<hbm>>, %arg3: memref<32x2x40x128xi32, #tpu.memory_space<hbm>>, %arg4: memref<32x2x40x128xi32, #tpu.memory_space<hbm>>, %arg5: memref<632x128xf32, #tpu.memory_space<hbm>>, %arg6: memref<2x10112x128xf32, #tpu.memory_space<hbm>>, %arg7: memref<40x128xi32, #tpu.memory_space<vmem>>, %arg8: memref<40x128xi32, #tpu.memory_space<vmem>>, %arg9: memref<2x128x128xf32, #tpu.memory_space<vmem>>, %arg10: memref<10112x128xf32, #tpu.memory_space<vmem_shared>>, %arg11: memref<!tpu.dma_semaphore, #tpu.memory_space<semaphore_mem>>, %arg12: memref<!tpu.dma_semaphore, #tpu.memory_space<semaphore_mem>>, %arg13: memref<!tpu.dma_semaphore, #tpu.memory_space<semaphore_mem>>, %arg14: memref<!tpu.dma_semaphore, #tpu.memory_space<semaphore_mem>>) attributes {dimension_semantics = [#tpu.dimension_semantics<core_parallel>, #tpu.dimension_semantics<subcore_parallel>], iteration_bounds = array<i64: 2, 16>, scalar_prefetch = 0 : i64, scratch_operands = 8 : i64, tpu.core_type = #tpu.core_type<sc_vector_subcore>, window_params = [{transform_indices = #map}, {transform_indices = #map1}, {transform_indices = #map1}, {transform_indices = #map}, {transform_indices = #map2}]} {
    %mul3A = arith.constant 16 : i32
    %mul3A_0 = arith.muli %arg0, %mul3A : i32
    %add3A = arith.addi %mul3A_0, %arg1 : i32
    %mul3A_1 = arith.constant 632 : i32
    %mul3A_2 = arith.muli %arg1, %mul3A_1 : i32
    "tpu.region"() ({
      %run_scoped3A = tpu.sem_alloc : memref<!tpu.dma_semaphore, #tpu.memory_space<semaphore_mem>>
      %dma_start3A = arith.constant 0 : i32
      %dma_start3A_12 = tpu.memref_slice %arg10[%mul3A_2, %dma_start3A] : memref<10112x128xf32, #tpu.memory_space<vmem_shared>> -> memref<632x128xf32, #tpu.memory_space<vmem_shared>>
      tpu.enqueue_dma source(%arg5 : memref<632x128xf32, #tpu.memory_space<hbm>>) target(%dma_start3A_12 : memref<632x128xf32, #tpu.memory_space<vmem_shared>>) target_semaphore(%run_scoped3A : memref<!tpu.dma_semaphore, #tpu.memory_space<semaphore_mem>>)
      %dma_wait3A = arith.constant 0 : i32
      %dma_wait3A_13 = tpu.memref_slice %arg10[%mul3A_2, %dma_wait3A] : memref<10112x128xf32, #tpu.memory_space<vmem_shared>> -> memref<632x128xf32, #tpu.memory_space<vmem_shared>>
      tpu.wait_dma2 semaphore(%run_scoped3A : memref<!tpu.dma_semaphore, #tpu.memory_space<semaphore_mem>>) src(%arg5 : memref<632x128xf32, #tpu.memory_space<hbm>>) dst(%dma_wait3A_13 : memref<632x128xf32, #tpu.memory_space<vmem_shared>>)
      tpu.yield
    }) : () -> ()
    %barrier3A = arith.constant 0 : index
    tpu.barrier barrier_id(%barrier3A)
    %scan3A = arith.constant 0 : i32
    %scan3A_3 = arith.constant 2 : i32
    %scan3A_4 = arith.addi %scan3A, %scan3A_3 : i32
    %scan3A_5 = arith.constant 1 : i32
    scf.for %scan3A_12 = %scan3A to %scan3A_4 step %scan3A_5  : i32 {
      %mul3A_13 = arith.constant 1 : i32
      %mul3A_14 = arith.muli %scan3A_12, %mul3A_13 : i32
      %add3A_15 = arith.constant 0 : i32
      %add3A_16 = arith.addi %add3A_15, %mul3A_14 : i32
      "tpu.region"() ({
        %run_scoped3A = tpu.sem_alloc : memref<!tpu.dma_semaphore, #tpu.memory_space<semaphore_mem>>
        %dma_start3A = arith.constant 0 : i32
        %dma_start3A_22 = arith.constant 0 : i32
        %dma_start3A_23 = arith.constant 0 : i32
        %dma_start3A_24 = tpu.memref_slice %arg3[%add3A, %dma_start3A, %dma_start3A_22, %dma_start3A_23] : memref<32x2x40x128xi32, #tpu.memory_space<hbm>> -> memref<1x2x40x128xi32, #tpu.memory_space<hbm>>
        %dma_start3A_25 = tpu.memref_squeeze %dma_start3A_24 : memref<1x2x40x128xi32, #tpu.memory_space<hbm>> -> memref<2x40x128xi32, #tpu.memory_space<hbm>>
        %dma_start3A_26 = arith.constant 0 : i32
        %dma_start3A_27 = arith.constant 0 : i32
        %dma_start3A_28 = tpu.memref_slice %dma_start3A_25[%add3A_16, %dma_start3A_26, %dma_start3A_27] : memref<2x40x128xi32, #tpu.memory_space<hbm>> -> memref<1x40x128xi32, #tpu.memory_space<hbm>>
        %dma_start3A_29 = tpu.memref_squeeze %dma_start3A_28 : memref<1x40x128xi32, #tpu.memory_space<hbm>> -> memref<40x128xi32, #tpu.memory_space<hbm>>
        %dma_start3A_30 = arith.constant 0 : i32
        %dma_start3A_31 = arith.constant 0 : i32
        %dma_start3A_32 = arith.constant 0 : i32
        %dma_start3A_33 = tpu.memref_slice %arg3[%add3A, %dma_start3A_30, %dma_start3A_31, %dma_start3A_32] : memref<32x2x40x128xi32, #tpu.memory_space<hbm>> -> memref<1x2x40x128xi32, #tpu.memory_space<hbm>>
        %dma_start3A_34 = tpu.memref_squeeze %dma_start3A_33 : memref<1x2x40x128xi32, #tpu.memory_space<hbm>> -> memref<2x40x128xi32, #tpu.memory_space<hbm>>
        %dma_start3A_35 = arith.constant 0 : i32
        %dma_start3A_36 = arith.constant 0 : i32
        %dma_start3A_37 = tpu.memref_slice %dma_start3A_34[%add3A_16, %dma_start3A_35, %dma_start3A_36] : memref<2x40x128xi32, #tpu.memory_space<hbm>> -> memref<1x40x128xi32, #tpu.memory_space<hbm>>
        %dma_start3A_38 = tpu.memref_squeeze %dma_start3A_37 : memref<1x40x128xi32, #tpu.memory_space<hbm>> -> memref<40x128xi32, #tpu.memory_space<hbm>>
        tpu.enqueue_dma source(%dma_start3A_38 : memref<40x128xi32, #tpu.memory_space<hbm>>) target(%arg7 : memref<40x128xi32, #tpu.memory_space<vmem>>) target_semaphore(%run_scoped3A : memref<!tpu.dma_semaphore, #tpu.memory_space<semaphore_mem>>)
        %dma_wait3A = arith.constant 0 : i32
        %dma_wait3A_39 = arith.constant 0 : i32
        %dma_wait3A_40 = arith.constant 0 : i32
        %dma_wait3A_41 = tpu.memref_slice %arg3[%add3A, %dma_wait3A, %dma_wait3A_39, %dma_wait3A_40] : memref<32x2x40x128xi32, #tpu.memory_space<hbm>> -> memref<1x2x40x128xi32, #tpu.memory_space<hbm>>
        %dma_wait3A_42 = tpu.memref_squeeze %dma_wait3A_41 : memref<1x2x40x128xi32, #tpu.memory_space<hbm>> -> memref<2x40x128xi32, #tpu.memory_space<hbm>>
        %dma_wait3A_43 = arith.constant 0 : i32
        %dma_wait3A_44 = arith.constant 0 : i32
        %dma_wait3A_45 = tpu.memref_slice %dma_wait3A_42[%add3A_16, %dma_wait3A_43, %dma_wait3A_44] : memref<2x40x128xi32, #tpu.memory_space<hbm>> -> memref<1x40x128xi32, #tpu.memory_space<hbm>>
        %dma_wait3A_46 = tpu.memref_squeeze %dma_wait3A_45 : memref<1x40x128xi32, #tpu.memory_space<hbm>> -> memref<40x128xi32, #tpu.memory_space<hbm>>
        %dma_wait3A_47 = arith.constant 0 : i32
        %dma_wait3A_48 = arith.constant 0 : i32
        %dma_wait3A_49 = arith.constant 0 : i32
        %dma_wait3A_50 = tpu.memref_slice %arg3[%add3A, %dma_wait3A_47, %dma_wait3A_48, %dma_wait3A_49] : memref<32x2x40x128xi32, #tpu.memory_space<hbm>> -> memref<1x2x40x128xi32, #tpu.memory_space<hbm>>
        %dma_wait3A_51 = tpu.memref_squeeze %dma_wait3A_50 : memref<1x2x40x128xi32, #tpu.memory_space<hbm>> -> memref<2x40x128xi32, #tpu.memory_space<hbm>>
        %dma_wait3A_52 = arith.constant 0 : i32
        %dma_wait3A_53 = arith.constant 0 : i32
        %dma_wait3A_54 = tpu.memref_slice %dma_wait3A_51[%add3A_16, %dma_wait3A_52, %dma_wait3A_53] : memref<2x40x128xi32, #tpu.memory_space<hbm>> -> memref<1x40x128xi32, #tpu.memory_space<hbm>>
        %dma_wait3A_55 = tpu.memref_squeeze %dma_wait3A_54 : memref<1x40x128xi32, #tpu.memory_space<hbm>> -> memref<40x128xi32, #tpu.memory_space<hbm>>
        tpu.wait_dma2 semaphore(%run_scoped3A : memref<!tpu.dma_semaphore, #tpu.memory_space<semaphore_mem>>) src(%dma_wait3A_55 : memref<40x128xi32, #tpu.memory_space<hbm>>) dst(%arg7 : memref<40x128xi32, #tpu.memory_space<vmem>>)
        tpu.yield
      }) : () -> ()
      "tpu.region"() ({
        %run_scoped3A = tpu.sem_alloc : memref<!tpu.dma_semaphore, #tpu.memory_space<semaphore_mem>>
        %dma_start3A = arith.constant 0 : i32
        %dma_start3A_22 = arith.constant 0 : i32
        %dma_start3A_23 = arith.constant 0 : i32
        %dma_start3A_24 = tpu.memref_slice %arg4[%add3A, %dma_start3A, %dma_start3A_22, %dma_start3A_23] : memref<32x2x40x128xi32, #tpu.memory_space<hbm>> -> memref<1x2x40x128xi32, #tpu.memory_space<hbm>>
        %dma_start3A_25 = tpu.memref_squeeze %dma_start3A_24 : memref<1x2x40x128xi32, #tpu.memory_space<hbm>> -> memref<2x40x128xi32, #tpu.memory_space<hbm>>
        %dma_start3A_26 = arith.constant 0 : i32
        %dma_start3A_27 = arith.constant 0 : i32
        %dma_start3A_28 = tpu.memref_slice %dma_start3A_25[%add3A_16, %dma_start3A_26, %dma_start3A_27] : memref<2x40x128xi32, #tpu.memory_space<hbm>> -> memref<1x40x128xi32, #tpu.memory_space<hbm>>
        %dma_start3A_29 = tpu.memref_squeeze %dma_start3A_28 : memref<1x40x128xi32, #tpu.memory_space<hbm>> -> memref<40x128xi32, #tpu.memory_space<hbm>>
        %dma_start3A_30 = arith.constant 0 : i32
        %dma_start3A_31 = arith.constant 0 : i32
        %dma_start3A_32 = arith.constant 0 : i32
        %dma_start3A_33 = tpu.memref_slice %arg4[%add3A, %dma_start3A_30, %dma_start3A_31, %dma_start3A_32] : memref<32x2x40x128xi32, #tpu.memory_space<hbm>> -> memref<1x2x40x128xi32, #tpu.memory_space<hbm>>
        %dma_start3A_34 = tpu.memref_squeeze %dma_start3A_33 : memref<1x2x40x128xi32, #tpu.memory_space<hbm>> -> memref<2x40x128xi32, #tpu.memory_space<hbm>>
        %dma_start3A_35 = arith.constant 0 : i32
        %dma_start3A_36 = arith.constant 0 : i32
        %dma_start3A_37 = tpu.memref_slice %dma_start3A_34[%add3A_16, %dma_start3A_35, %dma_start3A_36] : memref<2x40x128xi32, #tpu.memory_space<hbm>> -> memref<1x40x128xi32, #tpu.memory_space<hbm>>
        %dma_start3A_38 = tpu.memref_squeeze %dma_start3A_37 : memref<1x40x128xi32, #tpu.memory_space<hbm>> -> memref<40x128xi32, #tpu.memory_space<hbm>>
        tpu.enqueue_dma source(%dma_start3A_38 : memref<40x128xi32, #tpu.memory_space<hbm>>) target(%arg8 : memref<40x128xi32, #tpu.memory_space<vmem>>) target_semaphore(%run_scoped3A : memref<!tpu.dma_semaphore, #tpu.memory_space<semaphore_mem>>)
        %dma_wait3A = arith.constant 0 : i32
        %dma_wait3A_39 = arith.constant 0 : i32
        %dma_wait3A_40 = arith.constant 0 : i32
        %dma_wait3A_41 = tpu.memref_slice %arg4[%add3A, %dma_wait3A, %dma_wait3A_39, %dma_wait3A_40] : memref<32x2x40x128xi32, #tpu.memory_space<hbm>> -> memref<1x2x40x128xi32, #tpu.memory_space<hbm>>
        %dma_wait3A_42 = tpu.memref_squeeze %dma_wait3A_41 : memref<1x2x40x128xi32, #tpu.memory_space<hbm>> -> memref<2x40x128xi32, #tpu.memory_space<hbm>>
        %dma_wait3A_43 = arith.constant 0 : i32
        %dma_wait3A_44 = arith.constant 0 : i32
        %dma_wait3A_45 = tpu.memref_slice %dma_wait3A_42[%add3A_16, %dma_wait3A_43, %dma_wait3A_44] : memref<2x40x128xi32, #tpu.memory_space<hbm>> -> memref<1x40x128xi32, #tpu.memory_space<hbm>>
        %dma_wait3A_46 = tpu.memref_squeeze %dma_wait3A_45 : memref<1x40x128xi32, #tpu.memory_space<hbm>> -> memref<40x128xi32, #tpu.memory_space<hbm>>
        %dma_wait3A_47 = arith.constant 0 : i32
        %dma_wait3A_48 = arith.constant 0 : i32
        %dma_wait3A_49 = arith.constant 0 : i32
        %dma_wait3A_50 = tpu.memref_slice %arg4[%add3A, %dma_wait3A_47, %dma_wait3A_48, %dma_wait3A_49] : memref<32x2x40x128xi32, #tpu.memory_space<hbm>> -> memref<1x2x40x128xi32, #tpu.memory_space<hbm>>
        %dma_wait3A_51 = tpu.memref_squeeze %dma_wait3A_50 : memref<1x2x40x128xi32, #tpu.memory_space<hbm>> -> memref<2x40x128xi32, #tpu.memory_space<hbm>>
        %dma_wait3A_52 = arith.constant 0 : i32
        %dma_wait3A_53 = arith.constant 0 : i32
        %dma_wait3A_54 = tpu.memref_slice %dma_wait3A_51[%add3A_16, %dma_wait3A_52, %dma_wait3A_53] : memref<2x40x128xi32, #tpu.memory_space<hbm>> -> memref<1x40x128xi32, #tpu.memory_space<hbm>>
        %dma_wait3A_55 = tpu.memref_squeeze %dma_wait3A_54 : memref<1x40x128xi32, #tpu.memory_space<hbm>> -> memref<40x128xi32, #tpu.memory_space<hbm>>
        tpu.wait_dma2 semaphore(%run_scoped3A : memref<!tpu.dma_semaphore, #tpu.memory_space<semaphore_mem>>) src(%dma_wait3A_55 : memref<40x128xi32, #tpu.memory_space<hbm>>) dst(%arg8 : memref<40x128xi32, #tpu.memory_space<vmem>>)
        tpu.yield
      }) : () -> ()
      %scan3A_17 = arith.constant 0 : i32
      %scan3A_18 = arith.constant 10 : i32
      %scan3A_19 = arith.addi %scan3A_17, %scan3A_18 : i32
      %scan3A_20 = arith.constant 1 : i32
      scf.for %scan3A_22 = %scan3A_17 to %scan3A_19 step %scan3A_20  : i32 {
        %mul3A_23 = arith.constant 4 : i32
        %mul3A_24 = arith.muli %scan3A_22, %mul3A_23 : i32
        %add3A_25 = arith.constant 0 : i32
        %add3A_26 = arith.addi %add3A_25, %mul3A_24 : i32
        %add3A_27 = arith.constant 0 : i32
        %add3A_28 = arith.addi %add3A_26, %add3A_27 : i32
        %dma_start3A = arith.constant 0 : i32
        %dma_start3A_29 = arith.constant 0 : i32
        %dma_start3A_30 = arith.constant 0 : i32
        %dma_start3A_31 = tpu.memref_slice %arg9[%dma_start3A, %dma_start3A_29, %dma_start3A_30] : memref<2x128x128xf32, #tpu.memory_space<vmem>> -> memref<1x128x128xf32, #tpu.memory_space<vmem>>
        %dma_start3A_32 = tpu.memref_squeeze %dma_start3A_31 : memref<1x128x128xf32, #tpu.memory_space<vmem>> -> memref<128x128xf32, #tpu.memory_space<vmem>>
        %dma_start3A_33 = arith.constant 0 : i32
        %dma_start3A_34 = tpu.memref_slice %arg7[%add3A_28, %dma_start3A_33] : memref<40x128xi32, #tpu.memory_space<vmem>> -> memref<1x128xi32, #tpu.memory_space<vmem>>
        %dma_start3A_35 = tpu.memref_squeeze %dma_start3A_34 : memref<1x128xi32, #tpu.memory_space<vmem>> -> memref<128xi32, #tpu.memory_space<vmem>>
        %dma_start3A_36 = arith.constant 0 : i32
        %dma_start3A_37 = arith.constant 0 : i32
        %dma_start3A_38 = tpu.memref_slice %arg2[%dma_start3A_36, %dma_start3A_37] : memref<10000x128xf32, #tpu.memory_space<hbm>> -> memref<10000x128xf32, #tpu.memory_space<hbm>>
        tpu.enqueue_indirect_dma source(%dma_start3A_38 : memref<10000x128xf32, #tpu.memory_space<hbm>>) target(%dma_start3A_32 : memref<128x128xf32, #tpu.memory_space<vmem>>) offsets(%dma_start3A_35 : memref<128xi32, #tpu.memory_space<vmem>>) semaphore(%arg11 : memref<!tpu.dma_semaphore, #tpu.memory_space<semaphore_mem>>)
        %add3A_39 = arith.constant 1 : i32
        %add3A_40 = arith.addi %add3A_26, %add3A_39 : i32
        %dma_start3A_41 = arith.constant 1 : i32
        %dma_start3A_42 = arith.constant 0 : i32
        %dma_start3A_43 = arith.constant 0 : i32
        %dma_start3A_44 = tpu.memref_slice %arg9[%dma_start3A_41, %dma_start3A_42, %dma_start3A_43] : memref<2x128x128xf32, #tpu.memory_space<vmem>> -> memref<1x128x128xf32, #tpu.memory_space<vmem>>
        %dma_start3A_45 = tpu.memref_squeeze %dma_start3A_44 : memref<1x128x128xf32, #tpu.memory_space<vmem>> -> memref<128x128xf32, #tpu.memory_space<vmem>>
        %dma_start3A_46 = arith.constant 0 : i32
        %dma_start3A_47 = tpu.memref_slice %arg7[%add3A_40, %dma_start3A_46] : memref<40x128xi32, #tpu.memory_space<vmem>> -> memref<1x128xi32, #tpu.memory_space<vmem>>
        %dma_start3A_48 = tpu.memref_squeeze %dma_start3A_47 : memref<1x128xi32, #tpu.memory_space<vmem>> -> memref<128xi32, #tpu.memory_space<vmem>>
        %dma_start3A_49 = arith.constant 0 : i32
        %dma_start3A_50 = arith.constant 0 : i32
        %dma_start3A_51 = tpu.memref_slice %arg2[%dma_start3A_49, %dma_start3A_50] : memref<10000x128xf32, #tpu.memory_space<hbm>> -> memref<10000x128xf32, #tpu.memory_space<hbm>>
        tpu.enqueue_indirect_dma source(%dma_start3A_51 : memref<10000x128xf32, #tpu.memory_space<hbm>>) target(%dma_start3A_45 : memref<128x128xf32, #tpu.memory_space<vmem>>) offsets(%dma_start3A_48 : memref<128xi32, #tpu.memory_space<vmem>>) semaphore(%arg12 : memref<!tpu.dma_semaphore, #tpu.memory_space<semaphore_mem>>)
        %dma_wait3A = arith.constant 0 : i32
        %dma_wait3A_52 = arith.constant 0 : i32
        %dma_wait3A_53 = arith.constant 0 : i32
        %dma_wait3A_54 = tpu.memref_slice %arg9[%dma_wait3A, %dma_wait3A_52, %dma_wait3A_53] : memref<2x128x128xf32, #tpu.memory_space<vmem>> -> memref<1x128x128xf32, #tpu.memory_space<vmem>>
        %dma_wait3A_55 = tpu.memref_squeeze %dma_wait3A_54 : memref<1x128x128xf32, #tpu.memory_space<vmem>> -> memref<128x128xf32, #tpu.memory_space<vmem>>
        %dma_wait3A_56 = arith.constant 0 : i32
        %dma_wait3A_57 = tpu.memref_slice %arg7[%add3A_28, %dma_wait3A_56] : memref<40x128xi32, #tpu.memory_space<vmem>> -> memref<1x128xi32, #tpu.memory_space<vmem>>
        %dma_wait3A_58 = tpu.memref_squeeze %dma_wait3A_57 : memref<1x128xi32, #tpu.memory_space<vmem>> -> memref<128xi32, #tpu.memory_space<vmem>>
        %dma_wait3A_59 = arith.constant 0 : i32
        %dma_wait3A_60 = arith.constant 0 : i32
        %dma_wait3A_61 = tpu.memref_slice %arg2[%dma_wait3A_59, %dma_wait3A_60] : memref<10000x128xf32, #tpu.memory_space<hbm>> -> memref<10000x128xf32, #tpu.memory_space<hbm>>
        tpu.wait_indirect_dma semaphore(%arg11 : memref<!tpu.dma_semaphore, #tpu.memory_space<semaphore_mem>>) src(%dma_wait3A_61 : memref<10000x128xf32, #tpu.memory_space<hbm>>) dst(%dma_wait3A_55 : memref<128x128xf32, #tpu.memory_space<vmem>>)
        %add3A_62 = arith.constant 0 : i32
        %add3A_63 = arith.addi %add3A_26, %add3A_62 : i32
        %dma_start3A_64 = arith.constant 0 : i32
        %dma_start3A_65 = arith.constant 0 : i32
        %dma_start3A_66 = arith.constant 0 : i32
        %dma_start3A_67 = tpu.memref_slice %arg9[%dma_start3A_64, %dma_start3A_65, %dma_start3A_66] : memref<2x128x128xf32, #tpu.memory_space<vmem>> -> memref<1x128x128xf32, #tpu.memory_space<vmem>>
        %dma_start3A_68 = tpu.memref_squeeze %dma_start3A_67 : memref<1x128x128xf32, #tpu.memory_space<vmem>> -> memref<128x128xf32, #tpu.memory_space<vmem>>
        %dma_start3A_69 = arith.constant 0 : i32
        %dma_start3A_70 = tpu.memref_slice %arg8[%add3A_63, %dma_start3A_69] : memref<40x128xi32, #tpu.memory_space<vmem>> -> memref<1x128xi32, #tpu.memory_space<vmem>>
        %dma_start3A_71 = tpu.memref_squeeze %dma_start3A_70 : memref<1x128xi32, #tpu.memory_space<vmem>> -> memref<128xi32, #tpu.memory_space<vmem>>
        %dma_start3A_72 = arith.constant 0 : i32
        %dma_start3A_73 = arith.constant 0 : i32
        %dma_start3A_74 = tpu.memref_slice %arg10[%dma_start3A_72, %dma_start3A_73] : memref<10112x128xf32, #tpu.memory_space<vmem_shared>> -> memref<10112x128xf32, #tpu.memory_space<vmem_shared>>
        tpu.enqueue_indirect_dma source(%dma_start3A_68 : memref<128x128xf32, #tpu.memory_space<vmem>>) target(%dma_start3A_74 : memref<10112x128xf32, #tpu.memory_space<vmem_shared>>) offsets(%dma_start3A_71 : memref<128xi32, #tpu.memory_space<vmem>>) semaphore(%arg13 : memref<!tpu.dma_semaphore, #tpu.memory_space<semaphore_mem>>) {add = true}
        %dma_wait3A_75 = arith.constant 1 : i32
        %dma_wait3A_76 = arith.constant 0 : i32
        %dma_wait3A_77 = arith.constant 0 : i32
        %dma_wait3A_78 = tpu.memref_slice %arg9[%dma_wait3A_75, %dma_wait3A_76, %dma_wait3A_77] : memref<2x128x128xf32, #tpu.memory_space<vmem>> -> memref<1x128x128xf32, #tpu.memory_space<vmem>>
        %dma_wait3A_79 = tpu.memref_squeeze %dma_wait3A_78 : memref<1x128x128xf32, #tpu.memory_space<vmem>> -> memref<128x128xf32, #tpu.memory_space<vmem>>
        %dma_wait3A_80 = arith.constant 0 : i32
        %dma_wait3A_81 = tpu.memref_slice %arg7[%add3A_40, %dma_wait3A_80] : memref<40x128xi32, #tpu.memory_space<vmem>> -> memref<1x128xi32, #tpu.memory_space<vmem>>
        %dma_wait3A_82 = tpu.memref_squeeze %dma_wait3A_81 : memref<1x128xi32, #tpu.memory_space<vmem>> -> memref<128xi32, #tpu.memory_space<vmem>>
        %dma_wait3A_83 = arith.constant 0 : i32
        %dma_wait3A_84 = arith.constant 0 : i32
        %dma_wait3A_85 = tpu.memref_slice %arg2[%dma_wait3A_83, %dma_wait3A_84] : memref<10000x128xf32, #tpu.memory_space<hbm>> -> memref<10000x128xf32, #tpu.memory_space<hbm>>
        tpu.wait_indirect_dma semaphore(%arg12 : memref<!tpu.dma_semaphore, #tpu.memory_space<semaphore_mem>>) src(%dma_wait3A_85 : memref<10000x128xf32, #tpu.memory_space<hbm>>) dst(%dma_wait3A_79 : memref<128x128xf32, #tpu.memory_space<vmem>>)
        %add3A_86 = arith.constant 1 : i32
        %add3A_87 = arith.addi %add3A_26, %add3A_86 : i32
        %dma_start3A_88 = arith.constant 1 : i32
        %dma_start3A_89 = arith.constant 0 : i32
        %dma_start3A_90 = arith.constant 0 : i32
        %dma_start3A_91 = tpu.memref_slice %arg9[%dma_start3A_88, %dma_start3A_89, %dma_start3A_90] : memref<2x128x128xf32, #tpu.memory_space<vmem>> -> memref<1x128x128xf32, #tpu.memory_space<vmem>>
        %dma_start3A_92 = tpu.memref_squeeze %dma_start3A_91 : memref<1x128x128xf32, #tpu.memory_space<vmem>> -> memref<128x128xf32, #tpu.memory_space<vmem>>
        %dma_start3A_93 = arith.constant 0 : i32
        %dma_start3A_94 = tpu.memref_slice %arg8[%add3A_87, %dma_start3A_93] : memref<40x128xi32, #tpu.memory_space<vmem>> -> memref<1x128xi32, #tpu.memory_space<vmem>>
        %dma_start3A_95 = tpu.memref_squeeze %dma_start3A_94 : memref<1x128xi32, #tpu.memory_space<vmem>> -> memref<128xi32, #tpu.memory_space<vmem>>
        %dma_start3A_96 = arith.constant 0 : i32
        %dma_start3A_97 = arith.constant 0 : i32
        %dma_start3A_98 = tpu.memref_slice %arg10[%dma_start3A_96, %dma_start3A_97] : memref<10112x128xf32, #tpu.memory_space<vmem_shared>> -> memref<10112x128xf32, #tpu.memory_space<vmem_shared>>
        tpu.enqueue_indirect_dma source(%dma_start3A_92 : memref<128x128xf32, #tpu.memory_space<vmem>>) target(%dma_start3A_98 : memref<10112x128xf32, #tpu.memory_space<vmem_shared>>) offsets(%dma_start3A_95 : memref<128xi32, #tpu.memory_space<vmem>>) semaphore(%arg14 : memref<!tpu.dma_semaphore, #tpu.memory_space<semaphore_mem>>) {add = true}
        %dma_wait3A_99 = arith.constant 0 : i32
        %dma_wait3A_100 = arith.constant 0 : i32
        %dma_wait3A_101 = arith.constant 0 : i32
        %dma_wait3A_102 = tpu.memref_slice %arg9[%dma_wait3A_99, %dma_wait3A_100, %dma_wait3A_101] : memref<2x128x128xf32, #tpu.memory_space<vmem>> -> memref<1x128x128xf32, #tpu.memory_space<vmem>>
        %dma_wait3A_103 = tpu.memref_squeeze %dma_wait3A_102 : memref<1x128x128xf32, #tpu.memory_space<vmem>> -> memref<128x128xf32, #tpu.memory_space<vmem>>
        %dma_wait3A_104 = arith.constant 0 : i32
        %dma_wait3A_105 = tpu.memref_slice %arg8[%add3A_63, %dma_wait3A_104] : memref<40x128xi32, #tpu.memory_space<vmem>> -> memref<1x128xi32, #tpu.memory_space<vmem>>
        %dma_wait3A_106 = tpu.memref_squeeze %dma_wait3A_105 : memref<1x128xi32, #tpu.memory_space<vmem>> -> memref<128xi32, #tpu.memory_space<vmem>>
        %dma_wait3A_107 = arith.constant 0 : i32
        %dma_wait3A_108 = arith.constant 0 : i32
        %dma_wait3A_109 = tpu.memref_slice %arg10[%dma_wait3A_107, %dma_wait3A_108] : memref<10112x128xf32, #tpu.memory_space<vmem_shared>> -> memref<10112x128xf32, #tpu.memory_space<vmem_shared>>
        tpu.wait_indirect_dma semaphore(%arg13 : memref<!tpu.dma_semaphore, #tpu.memory_space<semaphore_mem>>) src(%dma_wait3A_103 : memref<128x128xf32, #tpu.memory_space<vmem>>) dst(%dma_wait3A_109 : memref<10112x128xf32, #tpu.memory_space<vmem_shared>>)
        %add3A_110 = arith.constant 2 : i32
        %add3A_111 = arith.addi %add3A_26, %add3A_110 : i32
        %dma_start3A_112 = arith.constant 0 : i32
        %dma_start3A_113 = arith.constant 0 : i32
        %dma_start3A_114 = arith.constant 0 : i32
        %dma_start3A_115 = tpu.memref_slice %arg9[%dma_start3A_112, %dma_start3A_113, %dma_start3A_114] : memref<2x128x128xf32, #tpu.memory_space<vmem>> -> memref<1x128x128xf32, #tpu.memory_space<vmem>>
        %dma_start3A_116 = tpu.memref_squeeze %dma_start3A_115 : memref<1x128x128xf32, #tpu.memory_space<vmem>> -> memref<128x128xf32, #tpu.memory_space<vmem>>
        %dma_start3A_117 = arith.constant 0 : i32
        %dma_start3A_118 = tpu.memref_slice %arg7[%add3A_111, %dma_start3A_117] : memref<40x128xi32, #tpu.memory_space<vmem>> -> memref<1x128xi32, #tpu.memory_space<vmem>>
        %dma_start3A_119 = tpu.memref_squeeze %dma_start3A_118 : memref<1x128xi32, #tpu.memory_space<vmem>> -> memref<128xi32, #tpu.memory_space<vmem>>
        %dma_start3A_120 = arith.constant 0 : i32
        %dma_start3A_121 = arith.constant 0 : i32
        %dma_start3A_122 = tpu.memref_slice %arg2[%dma_start3A_120, %dma_start3A_121] : memref<10000x128xf32, #tpu.memory_space<hbm>> -> memref<10000x128xf32, #tpu.memory_space<hbm>>
        tpu.enqueue_indirect_dma source(%dma_start3A_122 : memref<10000x128xf32, #tpu.memory_space<hbm>>) target(%dma_start3A_116 : memref<128x128xf32, #tpu.memory_space<vmem>>) offsets(%dma_start3A_119 : memref<128xi32, #tpu.memory_space<vmem>>) semaphore(%arg11 : memref<!tpu.dma_semaphore, #tpu.memory_space<semaphore_mem>>)
        %dma_wait3A_123 = arith.constant 1 : i32
        %dma_wait3A_124 = arith.constant 0 : i32
        %dma_wait3A_125 = arith.constant 0 : i32
        %dma_wait3A_126 = tpu.memref_slice %arg9[%dma_wait3A_123, %dma_wait3A_124, %dma_wait3A_125] : memref<2x128x128xf32, #tpu.memory_space<vmem>> -> memref<1x128x128xf32, #tpu.memory_space<vmem>>
        %dma_wait3A_127 = tpu.memref_squeeze %dma_wait3A_126 : memref<1x128x128xf32, #tpu.memory_space<vmem>> -> memref<128x128xf32, #tpu.memory_space<vmem>>
        %dma_wait3A_128 = arith.constant 0 : i32
        %dma_wait3A_129 = tpu.memref_slice %arg8[%add3A_87, %dma_wait3A_128] : memref<40x128xi32, #tpu.memory_space<vmem>> -> memref<1x128xi32, #tpu.memory_space<vmem>>
        %dma_wait3A_130 = tpu.memref_squeeze %dma_wait3A_129 : memref<1x128xi32, #tpu.memory_space<vmem>> -> memref<128xi32, #tpu.memory_space<vmem>>
        %dma_wait3A_131 = arith.constant 0 : i32
        %dma_wait3A_132 = arith.constant 0 : i32
        %dma_wait3A_133 = tpu.memref_slice %arg10[%dma_wait3A_131, %dma_wait3A_132] : memref<10112x128xf32, #tpu.memory_space<vmem_shared>> -> memref<10112x128xf32, #tpu.memory_space<vmem_shared>>
        tpu.wait_indirect_dma semaphore(%arg14 : memref<!tpu.dma_semaphore, #tpu.memory_space<semaphore_mem>>) src(%dma_wait3A_127 : memref<128x128xf32, #tpu.memory_space<vmem>>) dst(%dma_wait3A_133 : memref<10112x128xf32, #tpu.memory_space<vmem_shared>>)
        %add3A_134 = arith.constant 3 : i32
        %add3A_135 = arith.addi %add3A_26, %add3A_134 : i32
        %dma_start3A_136 = arith.constant 1 : i32
        %dma_start3A_137 = arith.constant 0 : i32
        %dma_start3A_138 = arith.constant 0 : i32
        %dma_start3A_139 = tpu.memref_slice %arg9[%dma_start3A_136, %dma_start3A_137, %dma_start3A_138] : memref<2x128x128xf32, #tpu.memory_space<vmem>> -> memref<1x128x128xf32, #tpu.memory_space<vmem>>
        %dma_start3A_140 = tpu.memref_squeeze %dma_start3A_139 : memref<1x128x128xf32, #tpu.memory_space<vmem>> -> memref<128x128xf32, #tpu.memory_space<vmem>>
        %dma_start3A_141 = arith.constant 0 : i32
        %dma_start3A_142 = tpu.memref_slice %arg7[%add3A_135, %dma_start3A_141] : memref<40x128xi32, #tpu.memory_space<vmem>> -> memref<1x128xi32, #tpu.memory_space<vmem>>
        %dma_start3A_143 = tpu.memref_squeeze %dma_start3A_142 : memref<1x128xi32, #tpu.memory_space<vmem>> -> memref<128xi32, #tpu.memory_space<vmem>>
        %dma_start3A_144 = arith.constant 0 : i32
        %dma_start3A_145 = arith.constant 0 : i32
        %dma_start3A_146 = tpu.memref_slice %arg2[%dma_start3A_144, %dma_start3A_145] : memref<10000x128xf32, #tpu.memory_space<hbm>> -> memref<10000x128xf32, #tpu.memory_space<hbm>>
        tpu.enqueue_indirect_dma source(%dma_start3A_146 : memref<10000x128xf32, #tpu.memory_space<hbm>>) target(%dma_start3A_140 : memref<128x128xf32, #tpu.memory_space<vmem>>) offsets(%dma_start3A_143 : memref<128xi32, #tpu.memory_space<vmem>>) semaphore(%arg12 : memref<!tpu.dma_semaphore, #tpu.memory_space<semaphore_mem>>)
        %dma_wait3A_147 = arith.constant 0 : i32
        %dma_wait3A_148 = arith.constant 0 : i32
        %dma_wait3A_149 = arith.constant 0 : i32
        %dma_wait3A_150 = tpu.memref_slice %arg9[%dma_wait3A_147, %dma_wait3A_148, %dma_wait3A_149] : memref<2x128x128xf32, #tpu.memory_space<vmem>> -> memref<1x128x128xf32, #tpu.memory_space<vmem>>
        %dma_wait3A_151 = tpu.memref_squeeze %dma_wait3A_150 : memref<1x128x128xf32, #tpu.memory_space<vmem>> -> memref<128x128xf32, #tpu.memory_space<vmem>>
        %dma_wait3A_152 = arith.constant 0 : i32
        %dma_wait3A_153 = tpu.memref_slice %arg7[%add3A_111, %dma_wait3A_152] : memref<40x128xi32, #tpu.memory_space<vmem>> -> memref<1x128xi32, #tpu.memory_space<vmem>>
        %dma_wait3A_154 = tpu.memref_squeeze %dma_wait3A_153 : memref<1x128xi32, #tpu.memory_space<vmem>> -> memref<128xi32, #tpu.memory_space<vmem>>
        %dma_wait3A_155 = arith.constant 0 : i32
        %dma_wait3A_156 = arith.constant 0 : i32
        %dma_wait3A_157 = tpu.memref_slice %arg2[%dma_wait3A_155, %dma_wait3A_156] : memref<10000x128xf32, #tpu.memory_space<hbm>> -> memref<10000x128xf32, #tpu.memory_space<hbm>>
        tpu.wait_indirect_dma semaphore(%arg11 : memref<!tpu.dma_semaphore, #tpu.memory_space<semaphore_mem>>) src(%dma_wait3A_157 : memref<10000x128xf32, #tpu.memory_space<hbm>>) dst(%dma_wait3A_151 : memref<128x128xf32, #tpu.memory_space<vmem>>)
        %add3A_158 = arith.constant 2 : i32
        %add3A_159 = arith.addi %add3A_26, %add3A_158 : i32
        %dma_start3A_160 = arith.constant 0 : i32
        %dma_start3A_161 = arith.constant 0 : i32
        %dma_start3A_162 = arith.constant 0 : i32
        %dma_start3A_163 = tpu.memref_slice %arg9[%dma_start3A_160, %dma_start3A_161, %dma_start3A_162] : memref<2x128x128xf32, #tpu.memory_space<vmem>> -> memref<1x128x128xf32, #tpu.memory_space<vmem>>
        %dma_start3A_164 = tpu.memref_squeeze %dma_start3A_163 : memref<1x128x128xf32, #tpu.memory_space<vmem>> -> memref<128x128xf32, #tpu.memory_space<vmem>>
        %dma_start3A_165 = arith.constant 0 : i32
        %dma_start3A_166 = tpu.memref_slice %arg8[%add3A_159, %dma_start3A_165] : memref<40x128xi32, #tpu.memory_space<vmem>> -> memref<1x128xi32, #tpu.memory_space<vmem>>
        %dma_start3A_167 = tpu.memref_squeeze %dma_start3A_166 : memref<1x128xi32, #tpu.memory_space<vmem>> -> memref<128xi32, #tpu.memory_space<vmem>>
        %dma_start3A_168 = arith.constant 0 : i32
        %dma_start3A_169 = arith.constant 0 : i32
        %dma_start3A_170 = tpu.memref_slice %arg10[%dma_start3A_168, %dma_start3A_169] : memref<10112x128xf32, #tpu.memory_space<vmem_shared>> -> memref<10112x128xf32, #tpu.memory_space<vmem_shared>>
        tpu.enqueue_indirect_dma source(%dma_start3A_164 : memref<128x128xf32, #tpu.memory_space<vmem>>) target(%dma_start3A_170 : memref<10112x128xf32, #tpu.memory_space<vmem_shared>>) offsets(%dma_start3A_167 : memref<128xi32, #tpu.memory_space<vmem>>) semaphore(%arg13 : memref<!tpu.dma_semaphore, #tpu.memory_space<semaphore_mem>>) {add = true}
        %dma_wait3A_171 = arith.constant 1 : i32
        %dma_wait3A_172 = arith.constant 0 : i32
        %dma_wait3A_173 = arith.constant 0 : i32
        %dma_wait3A_174 = tpu.memref_slice %arg9[%dma_wait3A_171, %dma_wait3A_172, %dma_wait3A_173] : memref<2x128x128xf32, #tpu.memory_space<vmem>> -> memref<1x128x128xf32, #tpu.memory_space<vmem>>
        %dma_wait3A_175 = tpu.memref_squeeze %dma_wait3A_174 : memref<1x128x128xf32, #tpu.memory_space<vmem>> -> memref<128x128xf32, #tpu.memory_space<vmem>>
        %dma_wait3A_176 = arith.constant 0 : i32
        %dma_wait3A_177 = tpu.memref_slice %arg7[%add3A_135, %dma_wait3A_176] : memref<40x128xi32, #tpu.memory_space<vmem>> -> memref<1x128xi32, #tpu.memory_space<vmem>>
        %dma_wait3A_178 = tpu.memref_squeeze %dma_wait3A_177 : memref<1x128xi32, #tpu.memory_space<vmem>> -> memref<128xi32, #tpu.memory_space<vmem>>
        %dma_wait3A_179 = arith.constant 0 : i32
        %dma_wait3A_180 = arith.constant 0 : i32
        %dma_wait3A_181 = tpu.memref_slice %arg2[%dma_wait3A_179, %dma_wait3A_180] : memref<10000x128xf32, #tpu.memory_space<hbm>> -> memref<10000x128xf32, #tpu.memory_space<hbm>>
        tpu.wait_indirect_dma semaphore(%arg12 : memref<!tpu.dma_semaphore, #tpu.memory_space<semaphore_mem>>) src(%dma_wait3A_181 : memref<10000x128xf32, #tpu.memory_space<hbm>>) dst(%dma_wait3A_175 : memref<128x128xf32, #tpu.memory_space<vmem>>)
        %add3A_182 = arith.constant 3 : i32
        %add3A_183 = arith.addi %add3A_26, %add3A_182 : i32
        %dma_start3A_184 = arith.constant 1 : i32
        %dma_start3A_185 = arith.constant 0 : i32
        %dma_start3A_186 = arith.constant 0 : i32
        %dma_start3A_187 = tpu.memref_slice %arg9[%dma_start3A_184, %dma_start3A_185, %dma_start3A_186] : memref<2x128x128xf32, #tpu.memory_space<vmem>> -> memref<1x128x128xf32, #tpu.memory_space<vmem>>
        %dma_start3A_188 = tpu.memref_squeeze %dma_start3A_187 : memref<1x128x128xf32, #tpu.memory_space<vmem>> -> memref<128x128xf32, #tpu.memory_space<vmem>>
        %dma_start3A_189 = arith.constant 0 : i32
        %dma_start3A_190 = tpu.memref_slice %arg8[%add3A_183, %dma_start3A_189] : memref<40x128xi32, #tpu.memory_space<vmem>> -> memref<1x128xi32, #tpu.memory_space<vmem>>
        %dma_start3A_191 = tpu.memref_squeeze %dma_start3A_190 : memref<1x128xi32, #tpu.memory_space<vmem>> -> memref<128xi32, #tpu.memory_space<vmem>>
        %dma_start3A_192 = arith.constant 0 : i32
        %dma_start3A_193 = arith.constant 0 : i32
        %dma_start3A_194 = tpu.memref_slice %arg10[%dma_start3A_192, %dma_start3A_193] : memref<10112x128xf32, #tpu.memory_space<vmem_shared>> -> memref<10112x128xf32, #tpu.memory_space<vmem_shared>>
        tpu.enqueue_indirect_dma source(%dma_start3A_188 : memref<128x128xf32, #tpu.memory_space<vmem>>) target(%dma_start3A_194 : memref<10112x128xf32, #tpu.memory_space<vmem_shared>>) offsets(%dma_start3A_191 : memref<128xi32, #tpu.memory_space<vmem>>) semaphore(%arg14 : memref<!tpu.dma_semaphore, #tpu.memory_space<semaphore_mem>>) {add = true}
        %dma_wait3A_195 = arith.constant 0 : i32
        %dma_wait3A_196 = arith.constant 0 : i32
        %dma_wait3A_197 = arith.constant 0 : i32
        %dma_wait3A_198 = tpu.memref_slice %arg9[%dma_wait3A_195, %dma_wait3A_196, %dma_wait3A_197] : memref<2x128x128xf32, #tpu.memory_space<vmem>> -> memref<1x128x128xf32, #tpu.memory_space<vmem>>
        %dma_wait3A_199 = tpu.memref_squeeze %dma_wait3A_198 : memref<1x128x128xf32, #tpu.memory_space<vmem>> -> memref<128x128xf32, #tpu.memory_space<vmem>>
        %dma_wait3A_200 = arith.constant 0 : i32
        %dma_wait3A_201 = tpu.memref_slice %arg8[%add3A_159, %dma_wait3A_200] : memref<40x128xi32, #tpu.memory_space<vmem>> -> memref<1x128xi32, #tpu.memory_space<vmem>>
        %dma_wait3A_202 = tpu.memref_squeeze %dma_wait3A_201 : memref<1x128xi32, #tpu.memory_space<vmem>> -> memref<128xi32, #tpu.memory_space<vmem>>
        %dma_wait3A_203 = arith.constant 0 : i32
        %dma_wait3A_204 = arith.constant 0 : i32
        %dma_wait3A_205 = tpu.memref_slice %arg10[%dma_wait3A_203, %dma_wait3A_204] : memref<10112x128xf32, #tpu.memory_space<vmem_shared>> -> memref<10112x128xf32, #tpu.memory_space<vmem_shared>>
        tpu.wait_indirect_dma semaphore(%arg13 : memref<!tpu.dma_semaphore, #tpu.memory_space<semaphore_mem>>) src(%dma_wait3A_199 : memref<128x128xf32, #tpu.memory_space<vmem>>) dst(%dma_wait3A_205 : memref<10112x128xf32, #tpu.memory_space<vmem_shared>>)
        %dma_wait3A_206 = arith.constant 1 : i32
        %dma_wait3A_207 = arith.constant 0 : i32
        %dma_wait3A_208 = arith.constant 0 : i32
        %dma_wait3A_209 = tpu.memref_slice %arg9[%dma_wait3A_206, %dma_wait3A_207, %dma_wait3A_208] : memref<2x128x128xf32, #tpu.memory_space<vmem>> -> memref<1x128x128xf32, #tpu.memory_space<vmem>>
        %dma_wait3A_210 = tpu.memref_squeeze %dma_wait3A_209 : memref<1x128x128xf32, #tpu.memory_space<vmem>> -> memref<128x128xf32, #tpu.memory_space<vmem>>
        %dma_wait3A_211 = arith.constant 0 : i32
        %dma_wait3A_212 = tpu.memref_slice %arg8[%add3A_183, %dma_wait3A_211] : memref<40x128xi32, #tpu.memory_space<vmem>> -> memref<1x128xi32, #tpu.memory_space<vmem>>
        %dma_wait3A_213 = tpu.memref_squeeze %dma_wait3A_212 : memref<1x128xi32, #tpu.memory_space<vmem>> -> memref<128xi32, #tpu.memory_space<vmem>>
        %dma_wait3A_214 = arith.constant 0 : i32
        %dma_wait3A_215 = arith.constant 0 : i32
        %dma_wait3A_216 = tpu.memref_slice %arg10[%dma_wait3A_214, %dma_wait3A_215] : memref<10112x128xf32, #tpu.memory_space<vmem_shared>> -> memref<10112x128xf32, #tpu.memory_space<vmem_shared>>
        tpu.wait_indirect_dma semaphore(%arg14 : memref<!tpu.dma_semaphore, #tpu.memory_space<semaphore_mem>>) src(%dma_wait3A_210 : memref<128x128xf32, #tpu.memory_space<vmem>>) dst(%dma_wait3A_216 : memref<10112x128xf32, #tpu.memory_space<vmem_shared>>)
      }
      %scan3A_21 = arith.constant 10 : i32
    }
    %scan3A_6 = arith.constant 2 : i32
    %barrier3A_7 = arith.constant 0 : index
    tpu.barrier barrier_id(%barrier3A_7)
    %mul3A_8 = arith.constant 632 : i32
    %mul3A_9 = arith.muli %arg1, %mul3A_8 : i32
    %mul3A_10 = arith.constant 632 : i32
    %mul3A_11 = arith.muli %arg1, %mul3A_10 : i32
    "tpu.region"() ({
      %run_scoped3A = tpu.sem_alloc : memref<!tpu.dma_semaphore, #tpu.memory_space<semaphore_mem>>
      %dma_start3A = arith.constant 0 : i32
      %dma_start3A_12 = arith.constant 0 : i32
      %dma_start3A_13 = tpu.memref_slice %arg6[%arg0, %dma_start3A, %dma_start3A_12] : memref<2x10112x128xf32, #tpu.memory_space<hbm>> -> memref<1x10112x128xf32, #tpu.memory_space<hbm>>
      %dma_start3A_14 = tpu.memref_squeeze %dma_start3A_13 : memref<1x10112x128xf32, #tpu.memory_space<hbm>> -> memref<10112x128xf32, #tpu.memory_space<hbm>>
      %dma_start3A_15 = arith.constant 0 : i32
      %dma_start3A_16 = tpu.memref_slice %dma_start3A_14[%mul3A_11, %dma_start3A_15] : memref<10112x128xf32, #tpu.memory_space<hbm>> -> memref<632x128xf32, #tpu.memory_space<hbm>>
      %dma_start3A_17 = arith.constant 0 : i32
      %dma_start3A_18 = tpu.memref_slice %arg10[%mul3A_9, %dma_start3A_17] : memref<10112x128xf32, #tpu.memory_space<vmem_shared>> -> memref<632x128xf32, #tpu.memory_space<vmem_shared>>
      tpu.enqueue_dma source(%dma_start3A_18 : memref<632x128xf32, #tpu.memory_space<vmem_shared>>) target(%dma_start3A_16 : memref<632x128xf32, #tpu.memory_space<hbm>>) target_semaphore(%run_scoped3A : memref<!tpu.dma_semaphore, #tpu.memory_space<semaphore_mem>>)
      %dma_wait3A = arith.constant 0 : i32
      %dma_wait3A_19 = arith.constant 0 : i32
      %dma_wait3A_20 = tpu.memref_slice %arg6[%arg0, %dma_wait3A, %dma_wait3A_19] : memref<2x10112x128xf32, #tpu.memory_space<hbm>> -> memref<1x10112x128xf32, #tpu.memory_space<hbm>>
      %dma_wait3A_21 = tpu.memref_squeeze %dma_wait3A_20 : memref<1x10112x128xf32, #tpu.memory_space<hbm>> -> memref<10112x128xf32, #tpu.memory_space<hbm>>
      %dma_wait3A_22 = arith.constant 0 : i32
      %dma_wait3A_23 = tpu.memref_slice %dma_wait3A_21[%mul3A_11, %dma_wait3A_22] : memref<10112x128xf32, #tpu.memory_space<hbm>> -> memref<632x128xf32, #tpu.memory_space<hbm>>
      %dma_wait3A_24 = arith.constant 0 : i32
      %dma_wait3A_25 = tpu.memref_slice %arg10[%mul3A_9, %dma_wait3A_24] : memref<10112x128xf32, #tpu.memory_space<vmem_shared>> -> memref<632x128xf32, #tpu.memory_space<vmem_shared>>
      tpu.wait_dma2 semaphore(%run_scoped3A : memref<!tpu.dma_semaphore, #tpu.memory_space<semaphore_mem>>) src(%dma_wait3A_25 : memref<632x128xf32, #tpu.memory_space<vmem_shared>>) dst(%dma_wait3A_23 : memref<632x128xf32, #tpu.memory_space<hbm>>)
      tpu.yield
    }) : () -> ()
    return
  }
}

module attributes {stable_mosaic.version = 14 : i64} {
  func.func @body(%arg0: i32, %arg1: memref<1000x128xf32, #tpu.memory_space<vmem>>, %arg2: memref<2x1000x128xf32, #tpu.memory_space<vmem>>, %arg3: memref<128x128xf32, #tpu.memory_space<vmem>>, %arg4: memref<1x128xf32, #tpu.memory_space<vmem>>, %arg5: memref<128x128xf32, #tpu.memory_space<vmem>>, %arg6: memref<1x128xf32, #tpu.memory_space<vmem>>, %arg7: memref<1000x128xf32, #tpu.memory_space<vmem>>) attributes {dimension_semantics = [#tpu.dimension_semantics<arbitrary>], iteration_bounds = array<i64: 10>, scalar_prefetch = 0 : i64, scratch_operands = 0 : i64, tpu.core_type = #tpu.core_type<tc>, window_params = [{transform_indices = @transform_0, window_bounds = array<i64: 1000, 128>}, {transform_indices = @transform_1, window_bounds = array<i64: 2, 1000, 128>}, {pipeline_mode = #tpu.pipeline_mode<synchronous>, transform_indices = @transform_2, window_bounds = array<i64: 128, 128>}, {pipeline_mode = #tpu.pipeline_mode<synchronous>, transform_indices = @transform_3, window_bounds = array<i64: 1, 128>}, {pipeline_mode = #tpu.pipeline_mode<synchronous>, transform_indices = @transform_4, window_bounds = array<i64: 128, 128>}, {pipeline_mode = #tpu.pipeline_mode<synchronous>, transform_indices = @transform_5, window_bounds = array<i64: 1, 128>}, {transform_indices = @transform_6, window_bounds = array<i64: 1000, 128>}]} {
    %get3A = arith.constant 0 : index
    %get3A_0 = arith.constant 0 : index
    %get3A_1 = vector.load %arg1[%get3A, %get3A_0] : memref<1000x128xf32, #tpu.memory_space<vmem>>, vector<1000x128xf32>
    %get3A_2 = arith.constant 0 : index
    %get3A_3 = arith.constant 0 : index
    %get3A_4 = arith.constant 0 : index
    %get3A_5 = vector.load %arg2[%get3A_2, %get3A_3, %get3A_4] : memref<2x1000x128xf32, #tpu.memory_space<vmem>>, vector<1x1000x128xf32>
    %get3A_6 = vector.shape_cast %get3A_5 : vector<1x1000x128xf32> to vector<1000x128xf32>
    %add3A = arith.addf %get3A_1, %get3A_6 : vector<1000x128xf32>
    %get3A_7 = arith.constant 1 : index
    %get3A_8 = arith.constant 0 : index
    %get3A_9 = arith.constant 0 : index
    %get3A_10 = vector.load %arg2[%get3A_7, %get3A_8, %get3A_9] : memref<2x1000x128xf32, #tpu.memory_space<vmem>>, vector<1x1000x128xf32>
    %get3A_11 = vector.shape_cast %get3A_10 : vector<1x1000x128xf32> to vector<1000x128xf32>
    %add3A_12 = arith.addf %add3A, %get3A_11 : vector<1000x128xf32>
    %get3A_13 = arith.constant 0 : index
    %get3A_14 = arith.constant 0 : index
    %get3A_15 = vector.load %arg3[%get3A_13, %get3A_14] : memref<128x128xf32, #tpu.memory_space<vmem>>, vector<128x128xf32>
    %dot_general3A = arith.constant dense<0.000000e+00> : vector<1000x128xf32>
    %dot_general3A_16 = tpu.matmul %add3A_12, %get3A_15, %dot_general3A {dimension_numbers = #tpu.dot_dimension_numbers<[1], [0], [0], [1], [0, 0, 1, 1], [], []>, precision = #tpu.contract_precision<fp32>, transpose_lhs_hint = false} : vector<1000x128xf32>, vector<128x128xf32>, vector<1000x128xf32> -> vector<1000x128xf32>
    %get3A_17 = arith.constant 0 : index
    %get3A_18 = arith.constant 0 : index
    %get3A_19 = vector.load %arg4[%get3A_17, %get3A_18] : memref<1x128xf32, #tpu.memory_space<vmem>>, vector<1x128xf32>
    %add3A_20 = vector.broadcast %get3A_19 : vector<1x128xf32> to vector<1000x128xf32>
    %add3A_21 = arith.addf %dot_general3A_16, %add3A_20 : vector<1000x128xf32>
    %max3A = arith.constant 0.000000e+00 : f32
    %max3A_22 = vector.broadcast %max3A : f32 to vector<1000x128xf32>
    %max3A_23 = arith.maximumf %add3A_21, %max3A_22 : vector<1000x128xf32>
    %get3A_24 = arith.constant 0 : index
    %get3A_25 = arith.constant 0 : index
    %get3A_26 = vector.load %arg5[%get3A_24, %get3A_25] : memref<128x128xf32, #tpu.memory_space<vmem>>, vector<128x128xf32>
    %dot_general3A_27 = arith.constant dense<0.000000e+00> : vector<1000x128xf32>
    %dot_general3A_28 = tpu.matmul %max3A_23, %get3A_26, %dot_general3A_27 {dimension_numbers = #tpu.dot_dimension_numbers<[1], [0], [0], [1], [0, 0, 1, 1], [], []>, precision = #tpu.contract_precision<fp32>, transpose_lhs_hint = false} : vector<1000x128xf32>, vector<128x128xf32>, vector<1000x128xf32> -> vector<1000x128xf32>
    %get3A_29 = arith.constant 0 : index
    %get3A_30 = arith.constant 0 : index
    %get3A_31 = vector.load %arg6[%get3A_29, %get3A_30] : memref<1x128xf32, #tpu.memory_space<vmem>>, vector<1x128xf32>
    %add3A_32 = vector.broadcast %get3A_31 : vector<1x128xf32> to vector<1000x128xf32>
    %add3A_33 = arith.addf %dot_general3A_28, %add3A_32 : vector<1000x128xf32>
    %max3A_34 = arith.constant 0.000000e+00 : f32
    %max3A_35 = vector.broadcast %max3A_34 : f32 to vector<1000x128xf32>
    %max3A_36 = arith.maximumf %add3A_33, %max3A_35 : vector<1000x128xf32>
    %swap3A = arith.constant 0 : index
    %swap3A_37 = arith.constant 0 : index
    %swap3A_38 = vector.load %arg7[%swap3A, %swap3A_37] : memref<1000x128xf32, #tpu.memory_space<vmem>>, vector<1000x128xf32>
    tpu.vector_store %arg7[%swap3A, %swap3A_37], %max3A_36 {strides = array<i32>} : memref<1000x128xf32, #tpu.memory_space<vmem>>, vector<1000x128xf32>,
    return
  }
  func.func @transform_0(%arg0: i32) -> (i32, i32) {
    %c0_i32 = arith.constant 0 : i32
    %c0_i32_0 = arith.constant 0 : i32
    return %arg0, %c0_i32 : i32, i32
  }
  func.func @transform_1(%arg0: i32) -> (i32, i32, i32) {
    %c0_i32 = arith.constant 0 : i32
    %c0_i32_0 = arith.constant 0 : i32
    %c0_i32_1 = arith.constant 0 : i32
    return %c0_i32, %arg0, %c0_i32_0 : i32, i32, i32
  }
  func.func @transform_2(%arg0: i32) -> (i32, i32) {
    %c0_i32 = arith.constant 0 : i32
    %c0_i32_0 = arith.constant 0 : i32
    %c0_i32_1 = arith.constant 0 : i32
    return %c0_i32, %c0_i32_0 : i32, i32
  }
  func.func @transform_3(%arg0: i32) -> (i32, i32) {
    %c0_i32 = arith.constant 0 : i32
    %c0_i32_0 = arith.constant 0 : i32
    %c0_i32_1 = arith.constant 0 : i32
    return %c0_i32, %c0_i32_0 : i32, i32
  }
  func.func @transform_4(%arg0: i32) -> (i32, i32) {
    %c0_i32 = arith.constant 0 : i32
    %c0_i32_0 = arith.constant 0 : i32
    %c0_i32_1 = arith.constant 0 : i32
    return %c0_i32, %c0_i32_0 : i32, i32
  }
  func.func @transform_5(%arg0: i32) -> (i32, i32) {
    %c0_i32 = arith.constant 0 : i32
    %c0_i32_0 = arith.constant 0 : i32
    %c0_i32_1 = arith.constant 0 : i32
    return %c0_i32, %c0_i32_0 : i32, i32
  }
  func.func @transform_6(%arg0: i32) -> (i32, i32) {
    %c0_i32 = arith.constant 0 : i32
    %c0_i32_0 = arith.constant 0 : i32
    return %arg0, %c0_i32 : i32, i32
  }
}

module attributes {stable_mosaic.version = 14 : i64} {
  func.func @body(%arg0: i32, %arg1: memref<1000x128xf32, #tpu.memory_space<vmem>>, %arg2: memref<1000x128xf32, #tpu.memory_space<vmem>>, %arg3: memref<1000x128xf32, #tpu.memory_space<vmem>>, %arg4: memref<3x128x384xf32, #tpu.memory_space<vmem>>, %arg5: memref<1x384xf32, #tpu.memory_space<vmem>>, %arg6: memref<384x128xf32, #tpu.memory_space<vmem>>, %arg7: memref<1x128xf32, #tpu.memory_space<vmem>>, %arg8: memref<1000x128xf32, #tpu.memory_space<vmem>>) attributes {dimension_semantics = [#tpu.dimension_semantics<arbitrary>], iteration_bounds = array<i64: 10>, scalar_prefetch = 0 : i64, scratch_operands = 0 : i64, tpu.core_type = #tpu.core_type<tc>, window_params = [{transform_indices = @transform_0, window_bounds = array<i64: 1000, 128>}, {transform_indices = @transform_1, window_bounds = array<i64: 1000, 128>}, {transform_indices = @transform_2, window_bounds = array<i64: 1000, 128>}, {pipeline_mode = #tpu.pipeline_mode<synchronous>, transform_indices = @transform_3, window_bounds = array<i64: 3, 128, 384>}, {pipeline_mode = #tpu.pipeline_mode<synchronous>, transform_indices = @transform_4, window_bounds = array<i64: 1, 384>}, {pipeline_mode = #tpu.pipeline_mode<synchronous>, transform_indices = @transform_5, window_bounds = array<i64: 384, 128>}, {pipeline_mode = #tpu.pipeline_mode<synchronous>, transform_indices = @transform_6, window_bounds = array<i64: 1, 128>}, {transform_indices = @transform_7, window_bounds = array<i64: 1000, 128>}]} {
    %get3A = arith.constant 0 : index
    %get3A_0 = arith.constant 0 : index
    %get3A_1 = vector.load %arg1[%get3A, %get3A_0] : memref<1000x128xf32, #tpu.memory_space<vmem>>, vector<1000x128xf32>
    %get3A_2 = arith.constant 0 : index
    %get3A_3 = arith.constant 0 : index
    %get3A_4 = arith.constant 0 : index
    %get3A_5 = vector.load %arg4[%get3A_2, %get3A_3, %get3A_4] : memref<3x128x384xf32, #tpu.memory_space<vmem>>, vector<1x128x384xf32>
    %get3A_6 = vector.shape_cast %get3A_5 : vector<1x128x384xf32> to vector<128x384xf32>
    %dot_general3A = arith.constant dense<0.000000e+00> : vector<1000x384xf32>
    %dot_general3A_7 = tpu.matmul %get3A_1, %get3A_6, %dot_general3A {dimension_numbers = #tpu.dot_dimension_numbers<[1], [0], [0], [1], [0, 0, 1, 1], [], []>, precision = #tpu.contract_precision<fp32>, transpose_lhs_hint = false} : vector<1000x128xf32>, vector<128x384xf32>, vector<1000x384xf32> -> vector<1000x384xf32>
    %get3A_8 = arith.constant 0 : index
    %get3A_9 = arith.constant 0 : index
    %get3A_10 = vector.load %arg2[%get3A_8, %get3A_9] : memref<1000x128xf32, #tpu.memory_space<vmem>>, vector<1000x128xf32>
    %get3A_11 = arith.constant 1 : index
    %get3A_12 = arith.constant 0 : index
    %get3A_13 = arith.constant 0 : index
    %get3A_14 = vector.load %arg4[%get3A_11, %get3A_12, %get3A_13] : memref<3x128x384xf32, #tpu.memory_space<vmem>>, vector<1x128x384xf32>
    %get3A_15 = vector.shape_cast %get3A_14 : vector<1x128x384xf32> to vector<128x384xf32>
    %dot_general3A_16 = arith.constant dense<0.000000e+00> : vector<1000x384xf32>
    %dot_general3A_17 = tpu.matmul %get3A_10, %get3A_15, %dot_general3A_16 {dimension_numbers = #tpu.dot_dimension_numbers<[1], [0], [0], [1], [0, 0, 1, 1], [], []>, precision = #tpu.contract_precision<fp32>, transpose_lhs_hint = false} : vector<1000x128xf32>, vector<128x384xf32>, vector<1000x384xf32> -> vector<1000x384xf32>
    %add3A = arith.addf %dot_general3A_7, %dot_general3A_17 : vector<1000x384xf32>
    %get3A_18 = arith.constant 0 : index
    %get3A_19 = arith.constant 0 : index
    %get3A_20 = vector.load %arg3[%get3A_18, %get3A_19] : memref<1000x128xf32, #tpu.memory_space<vmem>>, vector<1000x128xf32>
    %get3A_21 = arith.constant 2 : index
    %get3A_22 = arith.constant 0 : index
    %get3A_23 = arith.constant 0 : index
    %get3A_24 = vector.load %arg4[%get3A_21, %get3A_22, %get3A_23] : memref<3x128x384xf32, #tpu.memory_space<vmem>>, vector<1x128x384xf32>
    %get3A_25 = vector.shape_cast %get3A_24 : vector<1x128x384xf32> to vector<128x384xf32>
    %dot_general3A_26 = arith.constant dense<0.000000e+00> : vector<1000x384xf32>
    %dot_general3A_27 = tpu.matmul %get3A_20, %get3A_25, %dot_general3A_26 {dimension_numbers = #tpu.dot_dimension_numbers<[1], [0], [0], [1], [0, 0, 1, 1], [], []>, precision = #tpu.contract_precision<fp32>, transpose_lhs_hint = false} : vector<1000x128xf32>, vector<128x384xf32>, vector<1000x384xf32> -> vector<1000x384xf32>
    %add3A_28 = arith.addf %add3A, %dot_general3A_27 : vector<1000x384xf32>
    %get3A_29 = arith.constant 0 : index
    %get3A_30 = arith.constant 0 : index
    %get3A_31 = vector.load %arg5[%get3A_29, %get3A_30] : memref<1x384xf32, #tpu.memory_space<vmem>>, vector<1x384xf32>
    %add3A_32 = vector.broadcast %get3A_31 : vector<1x384xf32> to vector<1000x384xf32>
    %add3A_33 = arith.addf %add3A_28, %add3A_32 : vector<1000x384xf32>
    %max3A = arith.constant 0.000000e+00 : f32
    %max3A_34 = vector.broadcast %max3A : f32 to vector<1000x384xf32>
    %max3A_35 = arith.maximumf %add3A_33, %max3A_34 : vector<1000x384xf32>
    %get3A_36 = arith.constant 0 : index
    %get3A_37 = arith.constant 0 : index
    %get3A_38 = vector.load %arg6[%get3A_36, %get3A_37] : memref<384x128xf32, #tpu.memory_space<vmem>>, vector<384x128xf32>
    %dot_general3A_39 = arith.constant dense<0.000000e+00> : vector<1000x128xf32>
    %dot_general3A_40 = tpu.matmul %max3A_35, %get3A_38, %dot_general3A_39 {dimension_numbers = #tpu.dot_dimension_numbers<[1], [0], [0], [1], [0, 0, 1, 1], [], []>, precision = #tpu.contract_precision<fp32>, transpose_lhs_hint = false} : vector<1000x384xf32>, vector<384x128xf32>, vector<1000x128xf32> -> vector<1000x128xf32>
    %get3A_41 = arith.constant 0 : index
    %get3A_42 = arith.constant 0 : index
    %get3A_43 = vector.load %arg7[%get3A_41, %get3A_42] : memref<1x128xf32, #tpu.memory_space<vmem>>, vector<1x128xf32>
    %add3A_44 = vector.broadcast %get3A_43 : vector<1x128xf32> to vector<1000x128xf32>
    %add3A_45 = arith.addf %dot_general3A_40, %add3A_44 : vector<1000x128xf32>
    %reduce_max3A = arith.constant dense<0xFF800000> : vector<1000xf32>
    %reduce_max3A_46 = vector.multi_reduction <maximumf>, %add3A_45, %reduce_max3A [1] : vector<1000x128xf32> to vector<1000xf32>
    %broadcast_in_dim3A = vector.shape_cast %reduce_max3A_46 : vector<1000xf32> to vector<1000x1xf32>
    %sub3A = vector.broadcast %broadcast_in_dim3A : vector<1000x1xf32> to vector<1000x128xf32>
    %sub3A_47 = arith.subf %add3A_45, %sub3A : vector<1000x128xf32>
    %exp3A = math.exp %sub3A_47 : vector<1000x128xf32>
    %reduce_sum3A = arith.constant dense<0.000000e+00> : vector<1000xf32>
    %reduce_sum3A_48 = vector.multi_reduction <add>, %exp3A, %reduce_sum3A [1] : vector<1000x128xf32> to vector<1000xf32>
    %broadcast_in_dim3A_49 = vector.shape_cast %reduce_sum3A_48 : vector<1000xf32> to vector<1000x1xf32>
    %log3A = math.log %broadcast_in_dim3A_49 : vector<1000x1xf32>
    %add3A_50 = arith.addf %log3A, %broadcast_in_dim3A : vector<1000x1xf32>
    %sub3A_51 = vector.broadcast %add3A_50 : vector<1000x1xf32> to vector<1000x128xf32>
    %sub3A_52 = arith.subf %add3A_45, %sub3A_51 : vector<1000x128xf32>
    %swap3A = arith.constant 0 : index
    %swap3A_53 = arith.constant 0 : index
    %swap3A_54 = vector.load %arg8[%swap3A, %swap3A_53] : memref<1000x128xf32, #tpu.memory_space<vmem>>, vector<1000x128xf32>
    tpu.vector_store %arg8[%swap3A, %swap3A_53], %sub3A_52 {strides = array<i32>} : memref<1000x128xf32, #tpu.memory_space<vmem>>, vector<1000x128xf32>,
    return
  }
  func.func @transform_0(%arg0: i32) -> (i32, i32) {
    %c0_i32 = arith.constant 0 : i32
    %c0_i32_0 = arith.constant 0 : i32
    return %arg0, %c0_i32 : i32, i32
  }
  func.func @transform_1(%arg0: i32) -> (i32, i32) {
    %c0_i32 = arith.constant 0 : i32
    %c0_i32_0 = arith.constant 0 : i32
    return %arg0, %c0_i32 : i32, i32
  }
  func.func @transform_2(%arg0: i32) -> (i32, i32) {
    %c0_i32 = arith.constant 0 : i32
    %c0_i32_0 = arith.constant 0 : i32
    return %arg0, %c0_i32 : i32, i32
  }
  func.func @transform_3(%arg0: i32) -> (i32, i32, i32) {
    %c0_i32 = arith.constant 0 : i32
    %c0_i32_0 = arith.constant 0 : i32
    %c0_i32_1 = arith.constant 0 : i32
    %c0_i32_2 = arith.constant 0 : i32
    return %c0_i32, %c0_i32_0, %c0_i32_1 : i32, i32, i32
  }
  func.func @transform_4(%arg0: i32) -> (i32, i32) {
    %c0_i32 = arith.constant 0 : i32
    %c0_i32_0 = arith.constant 0 : i32
    %c0_i32_1 = arith.constant 0 : i32
    return %c0_i32, %c0_i32_0 : i32, i32
  }
  func.func @transform_5(%arg0: i32) -> (i32, i32) {
    %c0_i32 = arith.constant 0 : i32
    %c0_i32_0 = arith.constant 0 : i32
    %c0_i32_1 = arith.constant 0 : i32
    return %c0_i32, %c0_i32_0 : i32, i32
  }
  func.func @transform_6(%arg0: i32) -> (i32, i32) {
    %c0_i32 = arith.constant 0 : i32
    %c0_i32_0 = arith.constant 0 : i32
    %c0_i32_1 = arith.constant 0 : i32
    return %c0_i32, %c0_i32_0 : i32, i32
  }
  func.func @transform_7(%arg0: i32) -> (i32, i32) {
    %c0_i32 = arith.constant 0 : i32
    %c0_i32_0 = arith.constant 0 : i32
    return %arg0, %c0_i32 : i32, i32
  }
}

</mosaic_0001>

<sc_bundles>
// kernel: kernel.12.cloned.1.call-start
scs
__scs_entry_jumppad:
0x0: {  	(pc) =	sbr.rel $0x88, $3  }
0x1: {  	(tag) =	ssettag $0x0;
	lr =	simm.s32 $0x1  }
0x2: {  	[smem:$0x3F8F] =	sst lr;
	_ =	strace $0xD0000000  }
0x3: {  	_ = 	snop  }
0x4: {  	_ = 	snop  }
0x5: {  	_ = 	snop  }
0x6: {  	_ = 	snop  }
0x7: {  	_ = 	snop  }
__scs_overlays_trampoline_lowered:
0x8: {  	[smem:$0x3F9E] =	sst s0  }
0x9: {  	[smem:$0x3F9F] =	sst s1  }
0xa: {  	[smem:$0x3FA0] =	sst s2  }
0xb: {  	[smem:$0x3FA1] =	sst s3  }
0xc: {  	[smem:$0x3FA2] =	sst s4  }
0xd: {  	[smem:$0x3FA3] =	sst s5  }
0xe: {  	[smem:$0x3FA4] =	sst s6  }
0xf: {  	[smem:$0x3FA5] =	sst s7  }
0x10: {  	[smem:$0x3FA6] =	sst s8  }
0x11: {  	[smem:$0x3FA7] =	sst s9;
	s0 =	simm.s32 @!p0 $0x0  }
0x12: {  	s1 =	sld [smem:$0x3F8D];
	s0 =	simm.s32 @p0 $0x1  }
0x13: {  	[smem:$0x3FA8] =	sst s0;
	s0 =	simm.s32 @!p1 $0x0  }
0x14: {  	s2 =	sld [smem:$0x3F8C];
	s0 =	simm.s32 @p1 $0x1  }
0x15: {  	[smem:$0x3FA9] =	sst s0;
	s0 =	simm.s32 @!p2 $0x0  }
0x16: {  	s3 =	sld [smem:$0x3FDB];
	s0 =	simm.s32 @p2 $0x1  }
0x17: {  	s4 =	simm.s32 $0x1BF5;
	[smem:$0x3FAB] =	sst s0  }
0x18: {  	s0 =	sld [smem:$0x3F8E];
	_ =	swait.ge [sflag:s4], $0x0  }
0x19: {  	s7 =	sld [smem:$0x3F8F]  }
0x1a: {  	s8 =	sadd.s32 $0xFFFFE003, lr  }
0x1b: {  	s9 =	sadd.s32 $0xFFFFFEF7, lr;
	s5 =	simm.s32 $0xFFFFFFFF;
	p2 =	slt.u32 s8, $0xFFFFF086  }
0x1c: {  	p1 =	slt.u32 s9, $0xF7A;
	s5 =	simm.s32 @!p2 $0x0  }
0x1d: {  	s5 =	simm.s32 @p1 $0x1;
	p0 =	seq.s32 s7, s2  }
0x1e: {  	s7 =	smul.u32 @!p0 $0xF7A, s2;
	p2 =	seq.s32 @!p0 s5, $0x0  }
0x1f: {  	s9 =	smul.u32 $0xF7A, s1;
	s8 =	simm.s32 @!p0 $0x1BF5;
	p2 =	por !p2, p0  }
0x20: {  	[sflag:s8] =	ssyncset.s32 @!p0 $0xFFFFF086;
	s6 =	sadd.s32 @!p0 s3, s7;
	s7 =	simm.s32 @!p0 $0x108  }
0x21: {  	s3 =	sadd.s32 s3, s9;
	s6 =	sadd.s32 @!p0 $0x88, s6;
	s7 =	simm.s32 @p2 $0x1082  }
0x22: {  	[simem:s7], [sflag:s8] =	dma.local @!p0 [hbm:s6], $0xF7A  }
0x23: {  	s9 =	sor.u32 $0xD0000000, s2;
	s6 =	simm.s32 $0x108;
	_ =	swait.ge @!p0 [sflag:s8], $0x0  }
0x24: {  	s3 =	sadd.s32 $0x88, s3;
	s6 =	simm.s32 @!p1 $0x1082;
	[sflag:s4] =	ssyncset.s32 $0xFFFFF086  }
0x25: {  	[simem:s6], [sflag:s4] =	dma.local [hbm:s3], $0xF7A  }
0x26: {  	[smem:$0x3F8F] =	sst s1;
	(tag) =	ssettag s2;
	_ =	strace s9  }
0x27: {  	s1 =	sld [smem:$0x3F9F]  }
0x28: {  	s2 =	sld [smem:$0x3FA0]  }
0x29: {  	s4 =	sld [smem:$0x3FA2]  }
0x2a: {  	p0 =	seq.s32 s5, $0x0;
	s5 =	sld [smem:$0x3FA3]  }
0x2b: {  	s6 =	sld [smem:$0x3FA4]  }
0x2c: {  	s7 =	sld [smem:$0x3FA5]  }
0x2d: {  	s3 =	simm.s32 $0x108;
	s8 =	sld [smem:$0x3FA6]  }
0x2e: {  	s3 =	simm.s32 @!p0 $0x1082;
	s9 =	sld [smem:$0x3FA7]  }
0x2f: {  	lr =	sadd.s32 s0, s3;
	s0 =	sld [smem:$0x3F9E]  }
0x30: {  	s3 =	sld [smem:$0x3FA1]  }
0x31: {  	[smem:$0x3FAA] =	sst s10  }
0x32: {  	s10 =	sld [smem:$0x3FA8];
	_ =	sdelay $0x3  }
0x33: {  	p0 =	seq.s32 s10, $0x1;
	s10 =	sld [smem:$0x3FAA];
	_ =	sdelay $0x3  }
0x34: {  	[smem:$0x3FAA] =	sst s10  }
0x35: {  	s10 =	sld [smem:$0x3FA9];
	_ =	sdelay $0x3  }
0x36: {  	p1 =	seq.s32 s10, $0x1;
	s10 =	sld [smem:$0x3FAA];
	_ =	sdelay $0x3  }
0x37: {  	[smem:$0x3FAA] =	sst s10  }
0x38: {  	s10 =	sld [smem:$0x3FAB]  }
0x39: {  	_ = 	snop;
	(pc) =	sbr.ind lr, $3  }
0x3a: {  	_ = 	snop  }
0x3b: {  	_ = 	snop  }
0x3c: {  	p2 =	seq.s32 s10, $0x1;
	s10 =	sld [smem:$0x3FAA]  }
0x3d: {  	_ =	shalt  }
0x3e: {  	_ =	shalt  }
0x3f: {  	_ =	shalt  }
0x40: {  	_ =	shalt  }
0x41: {  	_ =	shalt  }
0x42: {  	_ =	shalt  }
0x43: {  	_ =	shalt  }
0x44: {  	_ =	shalt  }
0x45: {  	_ =	shalt  }
0x46: {  	_ =	shalt  }
0x47: {  	_ =	shalt  }
0x48: {  	_ =	shalt  }
0x49: {  	_ =	shalt  }
0x4a: {  	_ =	shalt  }
0x4b: {  	_ =	shalt  }
0x4c: {  	_ =	shalt  }
0x4d: {  	_ =	shalt  }
0x4e: {  	_ =	shalt  }
0x4f: {  	_ =	shalt  }
0x50: {  	_ =	shalt  }
0x51: {  	_ =	shalt  }
0x52: {  	_ =	shalt  }
0x53: {  	_ =	shalt  }
0x54: {  	_ =	shalt  }
0x55: {  	_ =	shalt  }
0x56: {  	_ =	shalt  }
0x57: {  	_ =	shalt  }
0x58: {  	_ =	shalt  }
0x59: {  	_ =	shalt  }
0x5a: {  	_ =	shalt  }
0x5b: {  	_ =	shalt  }
0x5c: {  	_ =	shalt  }
0x5d: {  	_ =	shalt  }
0x5e: {  	_ =	shalt  }
0x5f: {  	_ =	shalt  }
0x60: {  	_ =	shalt  }
0x61: {  	_ =	shalt  }
0x62: {  	_ =	shalt  }
0x63: {  	_ =	shalt  }
0x64: {  	_ =	shalt  }
0x65: {  	_ =	shalt  }
0x66: {  	_ =	shalt  }
0x67: {  	_ =	shalt  }
0x68: {  	_ =	shalt  }
0x69: {  	_ =	shalt  }
0x6a: {  	_ =	shalt  }
0x6b: {  	_ =	shalt  }
0x6c: {  	_ =	shalt  }
0x6d: {  	_ =	shalt  }
0x6e: {  	_ =	shalt  }
0x6f: {  	_ =	shalt  }
0x70: {  	_ =	shalt  }
0x71: {  	_ =	shalt  }
0x72: {  	_ =	shalt  }
0x73: {  	_ =	shalt  }
0x74: {  	_ =	shalt  }
0x75: {  	_ =	shalt  }
0x76: {  	_ =	shalt  }
0x77: {  	_ =	shalt  }
0x78: {  	_ =	shalt  }
0x79: {  	_ =	shalt  }
0x7a: {  	_ =	shalt  }
0x7b: {  	_ =	shalt  }
0x7c: {  	_ =	shalt  }
0x7d: {  	_ =	shalt  }
0x7e: {  	_ =	shalt  }
0x7f: {  	_ =	shalt  }
0x80: {  	_ =	shalt  }
0x81: {  	_ =	shalt  }
0x82: {  	_ =	shalt  }
0x83: {  	_ =	shalt  }
0x84: {  	_ =	shalt  }
0x85: {  	_ =	shalt  }
0x86: {  	_ =	shalt  }
0x87: {  	_ =	shalt  }
.Lfunc_end0:
.L_simem_size_0:
called_computation.1_lowered:
.L_overlay_start_0:
0x88: {  	s2 =	sld [smem:$0x3FD9]  }
0x89: {  	s3 =	sld [smem:$0x3FFE];
	_ =	sdelay $0x1  }
0x8a: {  	s1 =	srdreg.scid  }
0x8b: {  	s0 =	sand.u32 $0x1, s1  }
0x8c: {  	s17 =	sshll.u32 s0, $0xA;
	s2 =	sadd.s32 s3, s2  }
0x8d: {  	s2 =	sadd.s32 s2, s17  }
0x8e: {  	[smem:$0x3FB6] =	sst s2  }
0x8f: {  	_ = 	snop  }
0x90: {  	s2 =	sld [smem:$0x3FD0];
	(tm) =	ssettm $0x1  }
0x91: {  	s18 =	sld [smem:$0x3FFB];
	_ =	sdelay $0x3  }
0x92: {  	_ =	strace s18  }
0x93: {  	s3 =	sld [smem:$0x3FFC];
	_ =	sdelay $0x3  }
0x94: {  	_ =	strace s3  }
0x95: {  	s3 =	sld [smem:$0x3FFD];
	_ =	sdelay $0x3  }
0x96: {  	_ =	strace s3  }
0x97: {  	_ =	strace $0x8FFFFFFF  }
0x98: {  	s19 =	sld [smem:$0x3FDB];
	_ =	sdelay $0x1  }
0x99: {  	s4 =	simm.s32 $_scs_section_size  }
0x9a: {  	s5 =	simm.s32 $_size__tile_overlayer_lowered;
	s6 =	simm.s32 $_tile_overlayer_lowered  }
0x9b: {  	s22 =	simm.s32 $0x1BFF;
	s21 =	sshll.u32 s6, $0x1;
	s3 =	sadd.s32 s4, s19  }
0x9c: {  	s7 =	simm.s32 $0x0;
	s20 =	sshll.u32 s5, $0x1;
	s5 =	sadd.s32 s21, s3  }
0x9d: {  	[timem:s7], [sflag:s22] =	dma.local [hbm:s5], s20  }
0x9e: {  	_ =	swait.ge [sflag:s22], s20  }
0x9f: {  	s4 =	ssub.s32 $0x0, s20;
	[sflag:s22] =	ssyncset.done $0x0  }
0xa0: {  	[sflag:s22] =	ssyncadd.s32 s4;
	_ =	sdelay $0x1  }
0xa1: {  	s23 =	simm.s32 $0x1B8B  }
0xa2: {  	_ =	swait.ge [sflag:s23], $0x1  }
0xa3: {  	[sflag:s23] =	ssyncset.done $0x0  }
0xa4: {  	s25 =	simm.s32 $0x1B8E;
	s24 =	sld [smem:$0x3FFE];
	[sflag:s23] =	ssyncadd.s32 $0xFFFFFFFF  }
0xa5: {  	s26 =	simm.s32 $execute0_lowered;
	[smem:$0x3FD2] =	sst s25  }
0xa6: {  	s5 =	sshll.u32 s26, $0x1;
	_ =	strace $0x80000049;
	[dreg:$0x1] =	wrdreg $0xFFFFFFFF  }
0xa7: {  	s28 =	simm.s32 $_size_execute0_lowered;
	s3 =	sadd.s32 s3, s5;
	[dreg:$0x0] =	wrdreg $0x0  }
0xa8: {  	s5 =	sshll.u32 s28, $0x1;
	[dreg:$0x2] =	wrdreg s3  }
0xa9: {  	[dreg:$0x3] =	wrdreg s5  }
0xaa: {  	[dreg:$0x4] =	wrdreg $0xC0  }
0xab: {  	_ =	task [dreg:s7], $0x5FFFF  }
0xac: {  	[dreg:$0x1] =	wrdreg $0xFFFFFFFF  }
0xad: {  	[dreg:$0x0] =	wrdreg $0x60  }
0xae: {  	[dreg:$0x2] =	wrdreg s24  }
0xaf: {  	[dreg:$0x3] =	wrdreg s2  }
0xb0: {  	[dreg:$0x4] =	wrdreg $0xA8000  }
0xb1: {  	[dreg:$0x5] =	wrdreg $0x9  }
0xb2: {  	_ =	task.clear_ibuf [dreg:s7], $0x6FFFF;
	_ =	strace $0x90000049  }
0xb3: {  	s29 =	simm.s32 $0x9;
	_ =	strace $0x8000004B  }
0xb4: {  	_ =	swait.ge [sflag:s29], $0x1  }
0xb5: {  	[sflag:s29] =	ssyncadd.s32 $0xFFFFFFFF  }
0xb6: {  	_ =	strace $0x9000004B  }
0xb7: {  	_ =	sfence  }
0xb8: {  	s30 =	sld [smem:$0x0];
	_ =	sdelay $0x2  }
0xb9: {  	s31 =	sshll.u32 s1, $0xD;
	s1 =	sshrl.u32 s1, $0x2  }
0xba: {  	s3 =	sand.u32 $0x4000, s31;
	s1 =	sadd.s32 s1, s30  }
0xbb: {  	s0 =	sor.u32 s3, s0;
	s1 =	sshll.u32 s1, $0x11  }
0xbc: {  	s0 =	sor.u32 s1, s0  }
0xbd: {  	s0 =	sadd.s32 $0x8F2B, s0  }
0xbe: {  	[sflag:s0] =	ssyncadd.remote.s32 $0x1  }
0xbf: {  	_ =	sfence.sel $0xFFFF  }
0xc0: {  	[dreg:$0x0] =	wrdreg $0xFFFFFFFF;
	(pc) =	sbr.abs _section_cstart, $3  }
0xc1: {  	[dreg:$0x1] =	wrdreg $0xFFFFFFFF  }
0xc2: {  	_ =	task.clear_ibuf [dreg:s7], $0x2FFFF;
	_ =	strace $0x9FFFFFFF  }
0xc3: {  	(tm) =	ssettm $0x7FFFFFFF  }
tec
execute0_lowered:
.L_overlay_start_1:
0x0: {  	(tag) =	ssettag $0x1  }
0x1: {  	s6 =	rddreg [dreg:$0x0]  }
0x2: {  	s0 =	srdreg.scid;
	s7 =	rddreg [dreg:$0x1]  }
0x3: {  	s2 =	rddreg [dreg:$0x2];
	s1 =	stileid.u32;
	s3 =	simm.s32 $0x0  }
0x4: {  	s14 =	simm.s32 $0x2800;
	s15 =	simm.s32 $0x6800;
	s16 =	simm.s32 $0x1  }
0x5: {  	s17 =	simm.s32 $0x2;
	s18 =	simm.s32 $0x3;
	s19 =	simm.s32 $0x4  }
0x6: {  	s5 =	sand.u32 $0x1, s0;
	s0 =	rddreg [dreg:$0x3];
	s12 =	smul.u32 $0x4F000, s1  }
0x7: {  	[smem:$0x7FF] =	sst s3;
	s31 =	sshll.u32 s1, $0x6;
	s23 =	smul.u32 $0x2780, s1  }
0x8: {  	s4 =	sshll.u32 s5, $0x4;
	_ =	strace $0x8000004A;
	s9 =	smul.u32 $0x27800, s5  }
0x9: {  	s11 =	ssub.s32 $0x2, s5;
	s5 =	sadd.s32 $0xDA00, s6;
	s4 =	sor.u32 s1, s4  }
0xa: {  	s29 =	sshrl.u32 s11, $0x1;
	s30 =	sshrl.u32 s12, $0x2;
	s12 =	simm.s32 $0x1400  }
0xb: {  	s8 =	smul.u32 $0x500, s4;
	s4 =	sadd.s32 $0x10200, s6;
	s9 =	sadd.s32 s9, s6  }
0xc: {  	s11 =	ssub.s32 s11, s29;
	s13 =	sadd.s32 s30, s2;
	s22 =	sadd.s32 $0x37400, s9  }
0xd: {  	s9 =	smax.u32 s11, $0x1;
	s11 =	simm.s32 $0x5;
	s10 =	sadd.s32 s8, s6  }
0xe: {  	s6 =	sor.u32 $0x1C05, s31;
	s7 =	sadd.s32 s7, s8;
	s22 =	sadd.s32 s23, s22  }
0xf: {  	s23 =	simm.s32 $0x0;
	s8 =	sadd.s32 $0x3A00, s10;
	s10 =	sshrl.u32 s13, $0x3  }
0x10: {  	s13 =	simm.s32 $0x80;
	s20 =	sadd.s32 $0x280, s7;
	s21 =	sadd.s32 $0x280, s8  }
.LBB2_1:
0x11: {  	[spmem:s10], [sflag:s6] =	dma.local [hbm:s5], $0x2780  }
0x12: {  	_ =	swait.ge [sflag:s11], $0x2780  }
0x13: {  	[sflag:s11] =	ssyncset.done $0x0  }
0x14: {  	[sflag:s11] =	ssyncadd.s32 $0xFFFFD880  }
0x15: {  	[bflag:$0x0] =	sbarrier.arrive $0xFFFF  }
0x16: {  	[tilespmem:s3], [sflag:$0x5] =	stream.linear.gather [hbm4b:s7+s3], $0x1400, $0x38;
	[tilespmem:$0x1E400] =	vst v63  }
0x17: {  	_ =	swait.ge [sflag:s11], $0x1400  }
0x18: {  	[sflag:s11] =	ssyncset.done $0x0  }
0x19: {  	[sflag:s11] =	ssyncadd.s32 $0xFFFFEC00  }
0x1a: {  	[tilespmem:s12], [sflag:$0x5] =	stream.linear.gather [hbm4b:s8+s3], $0x1400, $0x38;
	[tilespmem:$0x1E400] =	vst v63  }
0x1b: {  	_ =	swait.ge [sflag:s11], $0x1400  }
0x1c: {  	[sflag:s11] =	ssyncset.done $0x0  }
0x1d: {  	s24 =	simm.s32 $0x0;
	[sflag:s11] =	ssyncadd.s32 $0xFFFFEC00  }
0x1e: {  	[tilespmem:s14], [sflag:$0x1] =	stream.indirect.gather [hbm4b:s4+s13], $0x80, s24, s13, $0xb8;
	[tilespmem:$0x1E400] =	vst v63  }
0x1f: {  	s31 =	simm.s32 $0x80  }
0x20: {  	[tilespmem:s15], [sflag:$0x2] =	stream.indirect.gather [hbm4b:s4+s13], $0x80, s31, s13, $0xb8;
	[tilespmem:$0x1E400] =	vst v63  }
0x21: {  	_ =	swait.ge [sflag:s16], $0x4000  }
0x22: {  	[sflag:s16] =	ssyncset.done $0x0  }
0x23: {  	s25 =	simm.s32 $0x1400;
	[sflag:s16] =	ssyncadd.s32 $0xFFFFC000  }
0x24: {  	[spmem:s2] =	stream.indirect.scatter.add.f32 [tilespmem:s14], [sflag:$0x3], $0x80, s25, s13, $0xb8;
	[tilespmem:$0x1E400] =	vst v63  }
0x25: {  	_ =	swait.ge [sflag:s17], $0x4000  }
0x26: {  	[sflag:s17] =	ssyncset.done $0x0  }
0x27: {  	s26 =	simm.s32 $0x1480;
	[sflag:s17] =	ssyncadd.s32 $0xFFFFC000  }
0x28: {  	[spmem:s2] =	stream.indirect.scatter.add.f32 [tilespmem:s15], [sflag:$0x4], $0x80, s26, s13, $0xb8;
	[tilespmem:$0x1E400] =	vst v63  }
0x29: {  	_ =	swait.ge [sflag:s18], $0x4000  }
0x2a: {  	[sflag:s18] =	ssyncset.done $0x0  }
0x2b: {  	s28 =	simm.s32 $0x100;
	[sflag:s18] =	ssyncadd.s32 $0xFFFFC000  }
0x2c: {  	[tilespmem:s14], [sflag:$0x1] =	stream.indirect.gather [hbm4b:s4+s13], $0x80, s28, s13, $0xb8;
	[tilespmem:$0x1E400] =	vst v63  }
0x2d: {  	_ =	swait.ge [sflag:s19], $0x4000  }
0x2e: {  	[sflag:s19] =	ssyncset.done $0x0  }
0x2f: {  	s29 =	simm.s32 $0x180;
	[sflag:s19] =	ssyncadd.s32 $0xFFFFC000  }
0x30: {  	[tilespmem:s15], [sflag:$0x2] =	stream.indirect.gather [hbm4b:s4+s13], $0x80, s29, s13, $0xb8;
	[tilespmem:$0x1E400] =	vst v63  }
0x31: {  	_ =	swait.ge [sflag:s16], $0x4000  }
0x32: {  	[sflag:s16] =	ssyncset.done $0x0  }
0x33: {  	s30 =	simm.s32 $0x1500;
	[sflag:s16] =	ssyncadd.s32 $0xFFFFC000  }
0x34: {  	[spmem:s2] =	stream.indirect.scatter.add.f32 [tilespmem:s14], [sflag:$0x3], $0x80, s30, s13, $0xb8;
	[tilespmem:$0x1E400] =	vst v63  }
0x35: {  	_ =	swait.ge [sflag:s17], $0x4000  }
0x36: {  	[sflag:s17] =	ssyncset.done $0x0  }
0x37: {  	s31 =	simm.s32 $0x1580;
	[sflag:s17] =	ssyncadd.s32 $0xFFFFC000  }
0x38: {  	[spmem:s2] =	stream.indirect.scatter.add.f32 [tilespmem:s15], [sflag:$0x4], $0x80, s31, s13, $0xb8;
	[tilespmem:$0x1E400] =	vst v63  }
0x39: {  	_ =	swait.ge [sflag:s18], $0x4000  }
0x3a: {  	[sflag:s18] =	ssyncset.done $0x0  }
0x3b: {  	[sflag:s18] =	ssyncadd.s32 $0xFFFFC000  }
0x3c: {  	_ =	swait.ge [sflag:s19], $0x4000  }
0x3d: {  	s24 =	simm.s32 $0x800;
	s26 =	simm.s32 $0x1000;
	[sflag:s19] =	ssyncset.done $0x0  }
.LBB2_2:
0x3e: {  	s28 =	sshra.s32 s24, $0x2  }
0x3f: {  	[sflag:s19] =	ssyncadd.s32 $0xFFFFC000;
	s24 =	smov.u32 s26;
	s25 =	sadd.s32 $0x800, s26  }
0x40: {  	[tilespmem:s14], [sflag:$0x1] =	stream.indirect.gather [hbm4b:s4+s13], $0x80, s28, s13, $0xb8;
	[tilespmem:$0x1E400] =	vst v63  }
0x41: {  	p0 =	sne.s32 s26, $0x4800;
	s26 =	sadd.s32 $0x80, s28  }
0x42: {  	[tilespmem:s15], [sflag:$0x2] =	stream.indirect.gather [hbm4b:s4+s13], $0x80, s26, s13, $0xb8;
	[tilespmem:$0x1E400] =	vst v63  }
0x43: {  	_ =	swait.ge [sflag:s16], $0x4000  }
0x44: {  	[sflag:s16] =	ssyncset.done $0x0  }
0x45: {  	s26 =	sadd.s32 $0x1400, s28;
	[sflag:s16] =	ssyncadd.s32 $0xFFFFC000  }
0x46: {  	[spmem:s2] =	stream.indirect.scatter.add.f32 [tilespmem:s14], [sflag:$0x3], $0x80, s26, s13, $0xb8;
	[tilespmem:$0x1E400] =	vst v63  }
0x47: {  	_ =	swait.ge [sflag:s17], $0x4000  }
0x48: {  	[sflag:s17] =	ssyncset.done $0x0  }
0x49: {  	s26 =	sadd.s32 $0x1480, s28;
	[sflag:s17] =	ssyncadd.s32 $0xFFFFC000  }
0x4a: {  	[spmem:s2] =	stream.indirect.scatter.add.f32 [tilespmem:s15], [sflag:$0x4], $0x80, s26, s13, $0xb8;
	[tilespmem:$0x1E400] =	vst v63  }
0x4b: {  	_ =	swait.ge [sflag:s18], $0x4000  }
0x4c: {  	[sflag:s18] =	ssyncset.done $0x0  }
0x4d: {  	s26 =	sadd.s32 $0x100, s28;
	[sflag:s18] =	ssyncadd.s32 $0xFFFFC000  }
0x4e: {  	[tilespmem:s14], [sflag:$0x1] =	stream.indirect.gather [hbm4b:s4+s13], $0x80, s26, s13, $0xb8;
	[tilespmem:$0x1E400] =	vst v63  }
0x4f: {  	_ =	swait.ge [sflag:s19], $0x4000  }
0x50: {  	[sflag:s19] =	ssyncset.done $0x0  }
0x51: {  	s26 =	sadd.s32 $0x180, s28;
	[sflag:s19] =	ssyncadd.s32 $0xFFFFC000  }
0x52: {  	[tilespmem:s15], [sflag:$0x2] =	stream.indirect.gather [hbm4b:s4+s13], $0x80, s26, s13, $0xb8;
	[tilespmem:$0x1E400] =	vst v63  }
0x53: {  	_ =	swait.ge [sflag:s16], $0x4000  }
0x54: {  	[sflag:s16] =	ssyncset.done $0x0  }
0x55: {  	s26 =	sadd.s32 $0x1500, s28;
	[sflag:s16] =	ssyncadd.s32 $0xFFFFC000  }
0x56: {  	[spmem:s2] =	stream.indirect.scatter.add.f32 [tilespmem:s14], [sflag:$0x3], $0x80, s26, s13, $0xb8;
	[tilespmem:$0x1E400] =	vst v63  }
0x57: {  	_ =	swait.ge [sflag:s17], $0x4000  }
0x58: {  	[sflag:s17] =	ssyncset.done $0x0  }
0x59: {  	s26 =	sadd.s32 $0x1580, s28;
	[sflag:s17] =	ssyncadd.s32 $0xFFFFC000  }
0x5a: {  	[spmem:s2] =	stream.indirect.scatter.add.f32 [tilespmem:s15], [sflag:$0x4], $0x80, s26, s13, $0xb8;
	[tilespmem:$0x1E400] =	vst v63  }
.Ltmp0:
0x5b: {  	_ =	swait.ge [sflag:s18], $0x4000;
	(pc) =	sbr.rel @p0 .LBB2_2-.Ltmp0, $4  }
0x5c: {  	[sflag:s18] =	ssyncset.done $0x0  }
0x5d: {  	[sflag:s18] =	ssyncadd.s32 $0xFFFFC000  }
0x5e: {  	_ =	swait.ge [sflag:s19], $0x4000  }
0x5f: {  	s26 =	smov.u32 s25;
	[sflag:s19] =	ssyncset.done $0x0  }
0x60: {  	s24 =	sshra.s32 s24, $0x2;
	[sflag:s19] =	ssyncadd.s32 $0xFFFFC000  }
0x61: {  	[tilespmem:s14], [sflag:$0x1] =	stream.indirect.gather [hbm4b:s4+s13], $0x80, s24, s13, $0xb8;
	[tilespmem:$0x1E400] =	vst v63  }
0x62: {  	s25 =	sadd.s32 $0x80, s24  }
0x63: {  	[tilespmem:s15], [sflag:$0x2] =	stream.indirect.gather [hbm4b:s4+s13], $0x80, s25, s13, $0xb8;
	[tilespmem:$0x1E400] =	vst v63  }
0x64: {  	_ =	swait.ge [sflag:s16], $0x4000  }
0x65: {  	[sflag:s16] =	ssyncset.done $0x0  }
0x66: {  	s29 =	sadd.s32 $0x1400, s24;
	[sflag:s16] =	ssyncadd.s32 $0xFFFFC000  }
0x67: {  	[spmem:s2] =	stream.indirect.scatter.add.f32 [tilespmem:s14], [sflag:$0x3], $0x80, s29, s13, $0xb8;
	[tilespmem:$0x1E400] =	vst v63  }
0x68: {  	_ =	swait.ge [sflag:s17], $0x4000  }
0x69: {  	[sflag:s17] =	ssyncset.done $0x0  }
0x6a: {  	s30 =	sadd.s32 $0x1480, s24;
	[sflag:s17] =	ssyncadd.s32 $0xFFFFC000  }
0x6b: {  	[spmem:s2] =	stream.indirect.scatter.add.f32 [tilespmem:s15], [sflag:$0x4], $0x80, s30, s13, $0xb8;
	[tilespmem:$0x1E400] =	vst v63  }
0x6c: {  	_ =	swait.ge [sflag:s18], $0x4000  }
0x6d: {  	[sflag:s18] =	ssyncset.done $0x0  }
0x6e: {  	s31 =	sadd.s32 $0x100, s24;
	[sflag:s18] =	ssyncadd.s32 $0xFFFFC000  }
0x6f: {  	[tilespmem:s14], [sflag:$0x1] =	stream.indirect.gather [hbm4b:s4+s13], $0x80, s31, s13, $0xb8;
	[tilespmem:$0x1E400] =	vst v63  }
0x70: {  	_ =	swait.ge [sflag:s19], $0x4000  }
0x71: {  	[sflag:s19] =	ssyncset.done $0x0  }
0x72: {  	s26 =	sadd.s32 $0x180, s24;
	[sflag:s19] =	ssyncadd.s32 $0xFFFFC000  }
0x73: {  	[tilespmem:s15], [sflag:$0x2] =	stream.indirect.gather [hbm4b:s4+s13], $0x80, s26, s13, $0xb8;
	[tilespmem:$0x1E400] =	vst v63  }
0x74: {  	_ =	swait.ge [sflag:s16], $0x4000  }
0x75: {  	[sflag:s16] =	ssyncset.done $0x0  }
0x76: {  	s28 =	sadd.s32 $0x1500, s24;
	[sflag:s16] =	ssyncadd.s32 $0xFFFFC000  }
0x77: {  	[spmem:s2] =	stream.indirect.scatter.add.f32 [tilespmem:s14], [sflag:$0x3], $0x80, s28, s13, $0xb8;
	[tilespmem:$0x1E400] =	vst v63  }
0x78: {  	_ =	swait.ge [sflag:s17], $0x4000  }
0x79: {  	[sflag:s17] =	ssyncset.done $0x0  }
0x7a: {  	s24 =	sadd.s32 $0x1580, s24;
	[sflag:s17] =	ssyncadd.s32 $0xFFFFC000  }
0x7b: {  	[spmem:s2] =	stream.indirect.scatter.add.f32 [tilespmem:s15], [sflag:$0x4], $0x80, s24, s13, $0xb8;
	[tilespmem:$0x1E400] =	vst v63  }
0x7c: {  	_ =	swait.ge [sflag:s18], $0x4000  }
0x7d: {  	[sflag:s18] =	ssyncset.done $0x0  }
0x7e: {  	[sflag:s18] =	ssyncadd.s32 $0xFFFFC000  }
0x7f: {  	_ =	swait.ge [sflag:s19], $0x4000  }
0x80: {  	[sflag:s19] =	ssyncset.done $0x0  }
0x81: {  	s29 =	simm.s32 $0x0;
	[sflag:s19] =	ssyncadd.s32 $0xFFFFC000  }
0x82: {  	[tilespmem:s29], [sflag:$0x5] =	stream.linear.gather [hbm4b:s20+s29], $0x1400, $0x38;
	[tilespmem:$0x1E400] =	vst v63  }
0x83: {  	_ =	swait.ge [sflag:s11], $0x1400  }
0x84: {  	[sflag:s11] =	ssyncset.done $0x0  }
0x85: {  	[sflag:s11] =	ssyncadd.s32 $0xFFFFEC00  }
0x86: {  	[tilespmem:s12], [sflag:$0x5] =	stream.linear.gather [hbm4b:s21+s29], $0x1400, $0x38;
	[tilespmem:$0x1E400] =	vst v63  }
0x87: {  	_ =	swait.ge [sflag:s11], $0x1400  }
0x88: {  	[sflag:s11] =	ssyncset.done $0x0  }
0x89: {  	s30 =	simm.s32 $0x0;
	[sflag:s11] =	ssyncadd.s32 $0xFFFFEC00  }
0x8a: {  	[tilespmem:s14], [sflag:$0x1] =	stream.indirect.gather [hbm4b:s4+s13], $0x80, s30, s13, $0xb8;
	[tilespmem:$0x1E400] =	vst v63  }
0x8b: {  	s31 =	simm.s32 $0x80  }
0x8c: {  	[tilespmem:s15], [sflag:$0x2] =	stream.indirect.gather [hbm4b:s4+s13], $0x80, s31, s13, $0xb8;
	[tilespmem:$0x1E400] =	vst v63  }
0x8d: {  	_ =	swait.ge [sflag:s16], $0x4000  }
0x8e: {  	[sflag:s16] =	ssyncset.done $0x0  }
0x8f: {  	s25 =	simm.s32 $0x1400;
	[sflag:s16] =	ssyncadd.s32 $0xFFFFC000  }
0x90: {  	[spmem:s2] =	stream.indirect.scatter.add.f32 [tilespmem:s14], [sflag:$0x3], $0x80, s25, s13, $0xb8;
	[tilespmem:$0x1E400] =	vst v63  }
0x91: {  	_ =	swait.ge [sflag:s17], $0x4000  }
0x92: {  	[sflag:s17] =	ssyncset.done $0x0  }
0x93: {  	s26 =	simm.s32 $0x1480;
	[sflag:s17] =	ssyncadd.s32 $0xFFFFC000  }
0x94: {  	[spmem:s2] =	stream.indirect.scatter.add.f32 [tilespmem:s15], [sflag:$0x4], $0x80, s26, s13, $0xb8;
	[tilespmem:$0x1E400] =	vst v63  }
0x95: {  	_ =	swait.ge [sflag:s18], $0x4000  }
0x96: {  	[sflag:s18] =	ssyncset.done $0x0  }
0x97: {  	s28 =	simm.s32 $0x100;
	[sflag:s18] =	ssyncadd.s32 $0xFFFFC000  }
0x98: {  	[tilespmem:s14], [sflag:$0x1] =	stream.indirect.gather [hbm4b:s4+s13], $0x80, s28, s13, $0xb8;
	[tilespmem:$0x1E400] =	vst v63  }
0x99: {  	_ =	swait.ge [sflag:s19], $0x4000  }
0x9a: {  	[sflag:s19] =	ssyncset.done $0x0  }
0x9b: {  	s29 =	simm.s32 $0x180;
	[sflag:s19] =	ssyncadd.s32 $0xFFFFC000  }
0x9c: {  	[tilespmem:s15], [sflag:$0x2] =	stream.indirect.gather [hbm4b:s4+s13], $0x80, s29, s13, $0xb8;
	[tilespmem:$0x1E400] =	vst v63  }
0x9d: {  	_ =	swait.ge [sflag:s16], $0x4000  }
0x9e: {  	[sflag:s16] =	ssyncset.done $0x0  }
0x9f: {  	s30 =	simm.s32 $0x1500;
	[sflag:s16] =	ssyncadd.s32 $0xFFFFC000  }
0xa0: {  	[spmem:s2] =	stream.indirect.scatter.add.f32 [tilespmem:s14], [sflag:$0x3], $0x80, s30, s13, $0xb8;
	[tilespmem:$0x1E400] =	vst v63  }
0xa1: {  	_ =	swait.ge [sflag:s17], $0x4000  }
0xa2: {  	[sflag:s17] =	ssyncset.done $0x0  }
0xa3: {  	s31 =	simm.s32 $0x1580;
	[sflag:s17] =	ssyncadd.s32 $0xFFFFC000  }
0xa4: {  	[spmem:s2] =	stream.indirect.scatter.add.f32 [tilespmem:s15], [sflag:$0x4], $0x80, s31, s13, $0xb8;
	[tilespmem:$0x1E400] =	vst v63  }
0xa5: {  	_ =	swait.ge [sflag:s18], $0x4000  }
0xa6: {  	[sflag:s18] =	ssyncset.done $0x0  }
0xa7: {  	[sflag:s18] =	ssyncadd.s32 $0xFFFFC000  }
0xa8: {  	_ =	swait.ge [sflag:s19], $0x4000  }
0xa9: {  	s24 =	simm.s32 $0x800;
	s26 =	simm.s32 $0x1000;
	[sflag:s19] =	ssyncset.done $0x0  }
.LBB2_4:
0xaa: {  	s28 =	sshra.s32 s24, $0x2  }
0xab: {  	[sflag:s19] =	ssyncadd.s32 $0xFFFFC000;
	s24 =	smov.u32 s26;
	s25 =	sadd.s32 $0x800, s26  }
0xac: {  	[tilespmem:s14], [sflag:$0x1] =	stream.indirect.gather [hbm4b:s4+s13], $0x80, s28, s13, $0xb8;
	[tilespmem:$0x1E400] =	vst v63  }
0xad: {  	p0 =	sne.s32 s26, $0x4800;
	s26 =	sadd.s32 $0x80, s28  }
0xae: {  	[tilespmem:s15], [sflag:$0x2] =	stream.indirect.gather [hbm4b:s4+s13], $0x80, s26, s13, $0xb8;
	[tilespmem:$0x1E400] =	vst v63  }
0xaf: {  	_ =	swait.ge [sflag:s16], $0x4000  }
0xb0: {  	[sflag:s16] =	ssyncset.done $0x0  }
0xb1: {  	s26 =	sadd.s32 $0x1400, s28;
	[sflag:s16] =	ssyncadd.s32 $0xFFFFC000  }
0xb2: {  	[spmem:s2] =	stream.indirect.scatter.add.f32 [tilespmem:s14], [sflag:$0x3], $0x80, s26, s13, $0xb8;
	[tilespmem:$0x1E400] =	vst v63  }
0xb3: {  	_ =	swait.ge [sflag:s17], $0x4000  }
0xb4: {  	[sflag:s17] =	ssyncset.done $0x0  }
0xb5: {  	s26 =	sadd.s32 $0x1480, s28;
	[sflag:s17] =	ssyncadd.s32 $0xFFFFC000  }
0xb6: {  	[spmem:s2] =	stream.indirect.scatter.add.f32 [tilespmem:s15], [sflag:$0x4], $0x80, s26, s13, $0xb8;
	[tilespmem:$0x1E400] =	vst v63  }
0xb7: {  	_ =	swait.ge [sflag:s18], $0x4000  }
0xb8: {  	[sflag:s18] =	ssyncset.done $0x0  }
0xb9: {  	s26 =	sadd.s32 $0x100, s28;
	[sflag:s18] =	ssyncadd.s32 $0xFFFFC000  }
0xba: {  	[tilespmem:s14], [sflag:$0x1] =	stream.indirect.gather [hbm4b:s4+s13], $0x80, s26, s13, $0xb8;
	[tilespmem:$0x1E400] =	vst v63  }
0xbb: {  	_ =	swait.ge [sflag:s19], $0x4000  }
0xbc: {  	[sflag:s19] =	ssyncset.done $0x0  }
0xbd: {  	s26 =	sadd.s32 $0x180, s28;
	[sflag:s19] =	ssyncadd.s32 $0xFFFFC000  }
0xbe: {  	[tilespmem:s15], [sflag:$0x2] =	stream.indirect.gather [hbm4b:s4+s13], $0x80, s26, s13, $0xb8;
	[tilespmem:$0x1E400] =	vst v63  }
0xbf: {  	_ =	swait.ge [sflag:s16], $0x4000  }
0xc0: {  	[sflag:s16] =	ssyncset.done $0x0  }
0xc1: {  	s26 =	sadd.s32 $0x1500, s28;
	[sflag:s16] =	ssyncadd.s32 $0xFFFFC000  }
0xc2: {  	[spmem:s2] =	stream.indirect.scatter.add.f32 [tilespmem:s14], [sflag:$0x3], $0x80, s26, s13, $0xb8;
	[tilespmem:$0x1E400] =	vst v63  }
0xc3: {  	_ =	swait.ge [sflag:s17], $0x4000  }
0xc4: {  	[sflag:s17] =	ssyncset.done $0x0  }
0xc5: {  	s26 =	sadd.s32 $0x1580, s28;
	[sflag:s17] =	ssyncadd.s32 $0xFFFFC000  }
0xc6: {  	[spmem:s2] =	stream.indirect.scatter.add.f32 [tilespmem:s15], [sflag:$0x4], $0x80, s26, s13, $0xb8;
	[tilespmem:$0x1E400] =	vst v63  }
.Ltmp1:
0xc7: {  	_ =	swait.ge [sflag:s18], $0x4000;
	(pc) =	sbr.rel @p0 .LBB2_4-.Ltmp1, $4  }
0xc8: {  	[sflag:s18] =	ssyncset.done $0x0  }
0xc9: {  	[sflag:s18] =	ssyncadd.s32 $0xFFFFC000  }
0xca: {  	_ =	swait.ge [sflag:s19], $0x4000  }
0xcb: {  	s26 =	smov.u32 s25;
	[sflag:s19] =	ssyncset.done $0x0  }
0xcc: {  	s24 =	sshra.s32 s24, $0x2;
	[sflag:s19] =	ssyncadd.s32 $0xFFFFC000  }
0xcd: {  	[tilespmem:s14], [sflag:$0x1] =	stream.indirect.gather [hbm4b:s4+s13], $0x80, s24, s13, $0xb8;
	[tilespmem:$0x1E400] =	vst v63  }
0xce: {  	s25 =	sadd.s32 $0x80, s24  }
0xcf: {  	[tilespmem:s15], [sflag:$0x2] =	stream.indirect.gather [hbm4b:s4+s13], $0x80, s25, s13, $0xb8;
	[tilespmem:$0x1E400] =	vst v63  }
0xd0: {  	_ =	swait.ge [sflag:s16], $0x4000  }
0xd1: {  	[sflag:s16] =	ssyncset.done $0x0  }
0xd2: {  	s26 =	sadd.s32 $0x1400, s24;
	[sflag:s16] =	ssyncadd.s32 $0xFFFFC000  }
0xd3: {  	[spmem:s2] =	stream.indirect.scatter.add.f32 [tilespmem:s14], [sflag:$0x3], $0x80, s26, s13, $0xb8;
	[tilespmem:$0x1E400] =	vst v63  }
0xd4: {  	_ =	swait.ge [sflag:s17], $0x4000  }
0xd5: {  	[sflag:s17] =	ssyncset.done $0x0  }
0xd6: {  	s28 =	sadd.s32 $0x1480, s24;
	[sflag:s17] =	ssyncadd.s32 $0xFFFFC000  }
0xd7: {  	[spmem:s2] =	stream.indirect.scatter.add.f32 [tilespmem:s15], [sflag:$0x4], $0x80, s28, s13, $0xb8;
	[tilespmem:$0x1E400] =	vst v63  }
0xd8: {  	_ =	swait.ge [sflag:s18], $0x4000  }
0xd9: {  	[sflag:s18] =	ssyncset.done $0x0  }
0xda: {  	s29 =	sadd.s32 $0x100, s24;
	[sflag:s18] =	ssyncadd.s32 $0xFFFFC000  }
0xdb: {  	[tilespmem:s14], [sflag:$0x1] =	stream.indirect.gather [hbm4b:s4+s13], $0x80, s29, s13, $0xb8;
	[tilespmem:$0x1E400] =	vst v63  }
0xdc: {  	_ =	swait.ge [sflag:s19], $0x4000  }
0xdd: {  	[sflag:s19] =	ssyncset.done $0x0  }
0xde: {  	s30 =	sadd.s32 $0x180, s24;
	[sflag:s19] =	ssyncadd.s32 $0xFFFFC000  }
0xdf: {  	[tilespmem:s15], [sflag:$0x2] =	stream.indirect.gather [hbm4b:s4+s13], $0x80, s30, s13, $0xb8;
	[tilespmem:$0x1E400] =	vst v63  }
0xe0: {  	_ =	swait.ge [sflag:s16], $0x4000  }
0xe1: {  	[sflag:s16] =	ssyncset.done $0x0  }
0xe2: {  	s31 =	sadd.s32 $0x1500, s24;
	[sflag:s16] =	ssyncadd.s32 $0xFFFFC000  }
0xe3: {  	[spmem:s2] =	stream.indirect.scatter.add.f32 [tilespmem:s14], [sflag:$0x3], $0x80, s31, s13, $0xb8;
	[tilespmem:$0x1E400] =	vst v63  }
0xe4: {  	_ =	swait.ge [sflag:s17], $0x4000  }
0xe5: {  	[sflag:s17] =	ssyncset.done $0x0  }
0xe6: {  	s24 =	sadd.s32 $0x1580, s24;
	[sflag:s17] =	ssyncadd.s32 $0xFFFFC000  }
0xe7: {  	[spmem:s2] =	stream.indirect.scatter.add.f32 [tilespmem:s15], [sflag:$0x4], $0x80, s24, s13, $0xb8;
	[tilespmem:$0x1E400] =	vst v63  }
0xe8: {  	_ =	swait.ge [sflag:s18], $0x4000  }
0xe9: {  	[sflag:s18] =	ssyncset.done $0x0  }
0xea: {  	[sflag:s18] =	ssyncadd.s32 $0xFFFFC000  }
0xeb: {  	_ =	swait.ge [sflag:s19], $0x4000  }
0xec: {  	s23 =	sadd.s32 $0x1, s23;
	[sflag:s19] =	ssyncset.done $0x0  }
0xed: {  	p0 =	sne.s32 s23, s9;
	[sflag:s19] =	ssyncadd.s32 $0xFFFFC000  }
.Ltmp2:
0xee: {  	[bflag:$0x0] =	sbarrier.arrive $0xFFFF;
	(pc) =	sbr.rel @p0 .LBB2_1-.Ltmp2, $4  }
0xef: {  	[hbm:s22], [sflag:s6] =	dma.local [spmem:s10], $0x2780  }
0xf0: {  	_ =	swait.ge [sflag:s11], $0x2780  }
0xf1: {  	[sflag:s11] =	ssyncset.done $0x0  }
0xf2: {  	[sflag:s11] =	ssyncadd.s32 $0xFFFFD880  }
0xf3: {  	_ =	sfence.sel $0x180000  }
0xf4: {  	[bflag:$0x0] =	sbarrier.arrive $0xFFFF  }
0xf5: {  	p0 =	sne.s32 s1, $0x0;
	_ =	strace $0x9000004A  }
0xf6: {  	s0 =	sadd.s32 @!p0 $0x100000, s0;
	[bflag:$0x2] =	sbarrier.arrive $0xFFFF  }
0xf7: {  	[sflag:s0] =	ssyncadd.tile.s32 @!p0 $0x1;
	_ =	shalt  }
.Lfunc_end2:
_tile_overlayer_lowered:
.L_overlay_start_2:
0xf8: {  	(tag) =	ssettag $0x2  }
0xf9: {  	s0 =	rddreg [dreg:$0x0];
	s2 =	stileid.u32  }
0xfa: {  	s1 =	rddreg [dreg:$0x1];
	p0 =	sne.s32 s2, $0x0  }
0xfb: {  	s3 =	rddreg [dreg:$0x2];
	[bflag:$0x3] =	sbarrier.arrive $0xFFFF;
	s2 =	simm.s32 @!p0 $0x1C05  }
0xfc: {  	[timem:s3], [sflag:s2] =	dma.local @!p0 [hbm:s0], s1  }
0xfd: {  	s0 =	simm.s32 @!p0 $0x5  }
0xfe: {  	_ =	swait.ge @!p0 [sflag:s0], s1  }
0xff: {  	s1 =	ssub.s32 @!p0 $0x0, s1;
	[sflag:s0] =	ssyncset.done @!p0 $0x0  }
0x100: {  	[sflag:s0] =	ssyncadd.s32 @!p0 s1  }
0x101: {  	[bflag:$0x3] =	sbarrier.arrive $0xFFFF  }
0x102: {  	_ =	shalt  }

// kernel: kernel.15.cloned.1.call-start
scs
__scs_entry_jumppad:
0x0: {  	(pc) =	sbr.rel $0x88, $3  }
0x1: {  	(tag) =	ssettag $0x0;
	lr =	simm.s32 $0x1  }
0x2: {  	[smem:$0x3F8F] =	sst lr;
	_ =	strace $0xD0000000  }
0x3: {  	_ = 	snop  }
0x4: {  	_ = 	snop  }
0x5: {  	_ = 	snop  }
0x6: {  	_ = 	snop  }
0x7: {  	_ = 	snop  }
__scs_overlays_trampoline_lowered:
0x8: {  	[smem:$0x3F9E] =	sst s0  }
0x9: {  	[smem:$0x3F9F] =	sst s1  }
0xa: {  	[smem:$0x3FA0] =	sst s2  }
0xb: {  	[smem:$0x3FA1] =	sst s3  }
0xc: {  	[smem:$0x3FA2] =	sst s4  }
0xd: {  	[smem:$0x3FA3] =	sst s5  }
0xe: {  	[smem:$0x3FA4] =	sst s6  }
0xf: {  	[smem:$0x3FA5] =	sst s7  }
0x10: {  	[smem:$0x3FA6] =	sst s8  }
0x11: {  	[smem:$0x3FA7] =	sst s9;
	s0 =	simm.s32 @!p0 $0x0  }
0x12: {  	s1 =	sld [smem:$0x3F8D];
	s0 =	simm.s32 @p0 $0x1  }
0x13: {  	[smem:$0x3FA8] =	sst s0;
	s0 =	simm.s32 @!p1 $0x0  }
0x14: {  	s2 =	sld [smem:$0x3F8C];
	s0 =	simm.s32 @p1 $0x1  }
0x15: {  	[smem:$0x3FA9] =	sst s0;
	s0 =	simm.s32 @!p2 $0x0  }
0x16: {  	s3 =	sld [smem:$0x3FDB];
	s0 =	simm.s32 @p2 $0x1  }
0x17: {  	s4 =	simm.s32 $0x1BF5;
	[smem:$0x3FAB] =	sst s0  }
0x18: {  	s0 =	sld [smem:$0x3F8E];
	_ =	swait.ge [sflag:s4], $0x0  }
0x19: {  	s7 =	sld [smem:$0x3F8F]  }
0x1a: {  	s8 =	sadd.s32 $0xFFFFE003, lr  }
0x1b: {  	s9 =	sadd.s32 $0xFFFFFEF7, lr;
	s5 =	simm.s32 $0xFFFFFFFF;
	p2 =	slt.u32 s8, $0xFFFFF086  }
0x1c: {  	p1 =	slt.u32 s9, $0xF7A;
	s5 =	simm.s32 @!p2 $0x0  }
0x1d: {  	s5 =	simm.s32 @p1 $0x1;
	p0 =	seq.s32 s7, s2  }
0x1e: {  	s7 =	smul.u32 @!p0 $0xF7A, s2;
	p2 =	seq.s32 @!p0 s5, $0x0  }
0x1f: {  	s9 =	smul.u32 $0xF7A, s1;
	s8 =	simm.s32 @!p0 $0x1BF5;
	p2 =	por !p2, p0  }
0x20: {  	[sflag:s8] =	ssyncset.s32 @!p0 $0xFFFFF086;
	s6 =	sadd.s32 @!p0 s3, s7;
	s7 =	simm.s32 @!p0 $0x108  }
0x21: {  	s3 =	sadd.s32 s3, s9;
	s6 =	sadd.s32 @!p0 $0x88, s6;
	s7 =	simm.s32 @p2 $0x1082  }
0x22: {  	[simem:s7], [sflag:s8] =	dma.local @!p0 [hbm:s6], $0xF7A  }
0x23: {  	s9 =	sor.u32 $0xD0000000, s2;
	s6 =	simm.s32 $0x108;
	_ =	swait.ge @!p0 [sflag:s8], $0x0  }
0x24: {  	s3 =	sadd.s32 $0x88, s3;
	s6 =	simm.s32 @!p1 $0x1082;
	[sflag:s4] =	ssyncset.s32 $0xFFFFF086  }
0x25: {  	[simem:s6], [sflag:s4] =	dma.local [hbm:s3], $0xF7A  }
0x26: {  	[smem:$0x3F8F] =	sst s1;
	(tag) =	ssettag s2;
	_ =	strace s9  }
0x27: {  	s1 =	sld [smem:$0x3F9F]  }
0x28: {  	s2 =	sld [smem:$0x3FA0]  }
0x29: {  	s4 =	sld [smem:$0x3FA2]  }
0x2a: {  	p0 =	seq.s32 s5, $0x0;
	s5 =	sld [smem:$0x3FA3]  }
0x2b: {  	s6 =	sld [smem:$0x3FA4]  }
0x2c: {  	s7 =	sld [smem:$0x3FA5]  }
0x2d: {  	s3 =	simm.s32 $0x108;
	s8 =	sld [smem:$0x3FA6]  }
0x2e: {  	s3 =	simm.s32 @!p0 $0x1082;
	s9 =	sld [smem:$0x3FA7]  }
0x2f: {  	lr =	sadd.s32 s0, s3;
	s0 =	sld [smem:$0x3F9E]  }
0x30: {  	s3 =	sld [smem:$0x3FA1]  }
0x31: {  	[smem:$0x3FAA] =	sst s10  }
0x32: {  	s10 =	sld [smem:$0x3FA8];
	_ =	sdelay $0x3  }
0x33: {  	p0 =	seq.s32 s10, $0x1;
	s10 =	sld [smem:$0x3FAA];
	_ =	sdelay $0x3  }
0x34: {  	[smem:$0x3FAA] =	sst s10  }
0x35: {  	s10 =	sld [smem:$0x3FA9];
	_ =	sdelay $0x3  }
0x36: {  	p1 =	seq.s32 s10, $0x1;
	s10 =	sld [smem:$0x3FAA];
	_ =	sdelay $0x3  }
0x37: {  	[smem:$0x3FAA] =	sst s10  }
0x38: {  	s10 =	sld [smem:$0x3FAB]  }
0x39: {  	_ = 	snop;
	(pc) =	sbr.ind lr, $3  }
0x3a: {  	_ = 	snop  }
0x3b: {  	_ = 	snop  }
0x3c: {  	p2 =	seq.s32 s10, $0x1;
	s10 =	sld [smem:$0x3FAA]  }
0x3d: {  	_ =	shalt  }
0x3e: {  	_ =	shalt  }
0x3f: {  	_ =	shalt  }
0x40: {  	_ =	shalt  }
0x41: {  	_ =	shalt  }
0x42: {  	_ =	shalt  }
0x43: {  	_ =	shalt  }
0x44: {  	_ =	shalt  }
0x45: {  	_ =	shalt  }
0x46: {  	_ =	shalt  }
0x47: {  	_ =	shalt  }
0x48: {  	_ =	shalt  }
0x49: {  	_ =	shalt  }
0x4a: {  	_ =	shalt  }
0x4b: {  	_ =	shalt  }
0x4c: {  	_ =	shalt  }
0x4d: {  	_ =	shalt  }
0x4e: {  	_ =	shalt  }
0x4f: {  	_ =	shalt  }
0x50: {  	_ =	shalt  }
0x51: {  	_ =	shalt  }
0x52: {  	_ =	shalt  }
0x53: {  	_ =	shalt  }
0x54: {  	_ =	shalt  }
0x55: {  	_ =	shalt  }
0x56: {  	_ =	shalt  }
0x57: {  	_ =	shalt  }
0x58: {  	_ =	shalt  }
0x59: {  	_ =	shalt  }
0x5a: {  	_ =	shalt  }
0x5b: {  	_ =	shalt  }
0x5c: {  	_ =	shalt  }
0x5d: {  	_ =	shalt  }
0x5e: {  	_ =	shalt  }
0x5f: {  	_ =	shalt  }
0x60: {  	_ =	shalt  }
0x61: {  	_ =	shalt  }
0x62: {  	_ =	shalt  }
0x63: {  	_ =	shalt  }
0x64: {  	_ =	shalt  }
0x65: {  	_ =	shalt  }
0x66: {  	_ =	shalt  }
0x67: {  	_ =	shalt  }
0x68: {  	_ =	shalt  }
0x69: {  	_ =	shalt  }
0x6a: {  	_ =	shalt  }
0x6b: {  	_ =	shalt  }
0x6c: {  	_ =	shalt  }
0x6d: {  	_ =	shalt  }
0x6e: {  	_ =	shalt  }
0x6f: {  	_ =	shalt  }
0x70: {  	_ =	shalt  }
0x71: {  	_ =	shalt  }
0x72: {  	_ =	shalt  }
0x73: {  	_ =	shalt  }
0x74: {  	_ =	shalt  }
0x75: {  	_ =	shalt  }
0x76: {  	_ =	shalt  }
0x77: {  	_ =	shalt  }
0x78: {  	_ =	shalt  }
0x79: {  	_ =	shalt  }
0x7a: {  	_ =	shalt  }
0x7b: {  	_ =	shalt  }
0x7c: {  	_ =	shalt  }
0x7d: {  	_ =	shalt  }
0x7e: {  	_ =	shalt  }
0x7f: {  	_ =	shalt  }
0x80: {  	_ =	shalt  }
0x81: {  	_ =	shalt  }
0x82: {  	_ =	shalt  }
0x83: {  	_ =	shalt  }
0x84: {  	_ =	shalt  }
0x85: {  	_ =	shalt  }
0x86: {  	_ =	shalt  }
0x87: {  	_ =	shalt  }
.Lfunc_end0:
.L_simem_size_0:
called_computation.2_lowered:
.L_overlay_start_0:
0x88: {  	s2 =	sld [smem:$0x3FD9]  }
0x89: {  	s3 =	sld [smem:$0x3FFE];
	_ =	sdelay $0x1  }
0x8a: {  	s1 =	srdreg.scid  }
0x8b: {  	s0 =	sand.u32 $0x1, s1  }
0x8c: {  	s17 =	sshll.u32 s0, $0xA;
	s2 =	sadd.s32 s3, s2  }
0x8d: {  	s2 =	sadd.s32 s2, s17  }
0x8e: {  	[smem:$0x3FB6] =	sst s2  }
0x8f: {  	_ = 	snop  }
0x90: {  	s2 =	sld [smem:$0x3FD0];
	(tm) =	ssettm $0x1  }
0x91: {  	s18 =	sld [smem:$0x3FFB];
	_ =	sdelay $0x3  }
0x92: {  	_ =	strace s18  }
0x93: {  	s3 =	sld [smem:$0x3FFC];
	_ =	sdelay $0x3  }
0x94: {  	_ =	strace s3  }
0x95: {  	s3 =	sld [smem:$0x3FFD];
	_ =	sdelay $0x3  }
0x96: {  	_ =	strace s3  }
0x97: {  	_ =	strace $0x8FFFFFFF  }
0x98: {  	s19 =	sld [smem:$0x3FDB];
	_ =	sdelay $0x1  }
0x99: {  	s4 =	simm.s32 $_scs_section_size  }
0x9a: {  	s5 =	simm.s32 $_size__tile_overlayer_lowered;
	s6 =	simm.s32 $_tile_overlayer_lowered  }
0x9b: {  	s22 =	simm.s32 $0x1BFF;
	s21 =	sshll.u32 s6, $0x1;
	s3 =	sadd.s32 s4, s19  }
0x9c: {  	s7 =	simm.s32 $0x0;
	s20 =	sshll.u32 s5, $0x1;
	s5 =	sadd.s32 s21, s3  }
0x9d: {  	[timem:s7], [sflag:s22] =	dma.local [hbm:s5], s20  }
0x9e: {  	_ =	swait.ge [sflag:s22], s20  }
0x9f: {  	s4 =	ssub.s32 $0x0, s20;
	[sflag:s22] =	ssyncset.done $0x0  }
0xa0: {  	[sflag:s22] =	ssyncadd.s32 s4;
	_ =	sdelay $0x1  }
0xa1: {  	s23 =	simm.s32 $0x1B8B  }
0xa2: {  	_ =	swait.ge [sflag:s23], $0x1  }
0xa3: {  	[sflag:s23] =	ssyncset.done $0x0  }
0xa4: {  	s25 =	simm.s32 $0x1B8E;
	s24 =	sld [smem:$0x3FFE];
	[sflag:s23] =	ssyncadd.s32 $0xFFFFFFFF  }
0xa5: {  	s26 =	simm.s32 $execute0_lowered;
	[smem:$0x3FD2] =	sst s25  }
0xa6: {  	s5 =	sshll.u32 s26, $0x1;
	_ =	strace $0x8000004C;
	[dreg:$0x1] =	wrdreg $0xFFFFFFFF  }
0xa7: {  	s28 =	simm.s32 $_size_execute0_lowered;
	s3 =	sadd.s32 s3, s5;
	[dreg:$0x0] =	wrdreg $0x0  }
0xa8: {  	s5 =	sshll.u32 s28, $0x1;
	[dreg:$0x2] =	wrdreg s3  }
0xa9: {  	[dreg:$0x3] =	wrdreg s5  }
0xaa: {  	[dreg:$0x4] =	wrdreg $0xC0  }
0xab: {  	_ =	task [dreg:s7], $0x5FFFF  }
0xac: {  	[dreg:$0x1] =	wrdreg $0xFFFFFFFF  }
0xad: {  	[dreg:$0x0] =	wrdreg $0x60  }
0xae: {  	[dreg:$0x2] =	wrdreg s24  }
0xaf: {  	[dreg:$0x3] =	wrdreg s2  }
0xb0: {  	[dreg:$0x4] =	wrdreg $0xA8000  }
0xb1: {  	[dreg:$0x5] =	wrdreg $0x9  }
0xb2: {  	_ =	task.clear_ibuf [dreg:s7], $0x6FFFF;
	_ =	strace $0x9000004C  }
0xb3: {  	s29 =	simm.s32 $0x9;
	_ =	strace $0x8000004E  }
0xb4: {  	_ =	swait.ge [sflag:s29], $0x1  }
0xb5: {  	[sflag:s29] =	ssyncadd.s32 $0xFFFFFFFF  }
0xb6: {  	_ =	strace $0x9000004E  }
0xb7: {  	_ =	sfence  }
0xb8: {  	s30 =	sld [smem:$0x0];
	_ =	sdelay $0x2  }
0xb9: {  	s31 =	sshll.u32 s1, $0xD;
	s1 =	sshrl.u32 s1, $0x2  }
0xba: {  	s3 =	sand.u32 $0x4000, s31;
	s1 =	sadd.s32 s1, s30  }
0xbb: {  	s0 =	sor.u32 s3, s0;
	s1 =	sshll.u32 s1, $0x11  }
0xbc: {  	s0 =	sor.u32 s1, s0  }
0xbd: {  	s0 =	sadd.s32 $0x8F2B, s0  }
0xbe: {  	[sflag:s0] =	ssyncadd.remote.s32 $0x1  }
0xbf: {  	_ =	sfence.sel $0xFFFF  }
0xc0: {  	[dreg:$0x0] =	wrdreg $0xFFFFFFFF;
	(pc) =	sbr.abs _section_cstart, $3  }
0xc1: {  	[dreg:$0x1] =	wrdreg $0xFFFFFFFF  }
0xc2: {  	_ =	task.clear_ibuf [dreg:s7], $0x2FFFF;
	_ =	strace $0x9FFFFFFF  }
0xc3: {  	(tm) =	ssettm $0x7FFFFFFF  }
tec
execute0_lowered:
.L_overlay_start_1:
0x0: {  	(tag) =	ssettag $0x1  }
0x1: {  	s6 =	rddreg [dreg:$0x0]  }
0x2: {  	s0 =	srdreg.scid;
	s7 =	rddreg [dreg:$0x1]  }
0x3: {  	s2 =	rddreg [dreg:$0x2];
	s1 =	stileid.u32;
	s3 =	simm.s32 $0x0  }
0x4: {  	s14 =	simm.s32 $0x2800;
	s15 =	simm.s32 $0x6800;
	s16 =	simm.s32 $0x1  }
0x5: {  	s17 =	simm.s32 $0x2;
	s18 =	simm.s32 $0x3;
	s19 =	simm.s32 $0x4  }
0x6: {  	s5 =	sand.u32 $0x1, s0;
	s0 =	rddreg [dreg:$0x3];
	s12 =	smul.u32 $0x4F000, s1  }
0x7: {  	[smem:$0x7FF] =	sst s3;
	s31 =	sshll.u32 s1, $0x6;
	s23 =	smul.u32 $0x2780, s1  }
0x8: {  	s4 =	sshll.u32 s5, $0x4;
	_ =	strace $0x8000004D;
	s9 =	smul.u32 $0x27800, s5  }
0x9: {  	s11 =	ssub.s32 $0x2, s5;
	s5 =	sadd.s32 $0xDA00, s6;
	s4 =	sor.u32 s1, s4  }
0xa: {  	s29 =	sshrl.u32 s11, $0x1;
	s30 =	sshrl.u32 s12, $0x2;
	s12 =	simm.s32 $0x1400  }
0xb: {  	s8 =	smul.u32 $0x500, s4;
	s4 =	sadd.s32 $0x10200, s6;
	s9 =	sadd.s32 s9, s6  }
0xc: {  	s11 =	ssub.s32 s11, s29;
	s13 =	sadd.s32 s30, s2;
	s22 =	sadd.s32 $0x37400, s9  }
0xd: {  	s9 =	smax.u32 s11, $0x1;
	s11 =	simm.s32 $0x5;
	s10 =	sadd.s32 s8, s6  }
0xe: {  	s6 =	sor.u32 $0x1C05, s31;
	s7 =	sadd.s32 s7, s8;
	s22 =	sadd.s32 s23, s22  }
0xf: {  	s23 =	simm.s32 $0x0;
	s8 =	sadd.s32 $0x3A00, s10;
	s10 =	sshrl.u32 s13, $0x3  }
0x10: {  	s13 =	simm.s32 $0x80;
	s20 =	sadd.s32 $0x280, s7;
	s21 =	sadd.s32 $0x280, s8  }
.LBB2_1:
0x11: {  	[spmem:s10], [sflag:s6] =	dma.local [hbm:s5], $0x2780  }
0x12: {  	_ =	swait.ge [sflag:s11], $0x2780  }
0x13: {  	[sflag:s11] =	ssyncset.done $0x0  }
0x14: {  	[sflag:s11] =	ssyncadd.s32 $0xFFFFD880  }
0x15: {  	[bflag:$0x0] =	sbarrier.arrive $0xFFFF  }
0x16: {  	[tilespmem:s3], [sflag:$0x5] =	stream.linear.gather [hbm4b:s7+s3], $0x1400, $0x38;
	[tilespmem:$0x1E400] =	vst v63  }
0x17: {  	_ =	swait.ge [sflag:s11], $0x1400  }
0x18: {  	[sflag:s11] =	ssyncset.done $0x0  }
0x19: {  	[sflag:s11] =	ssyncadd.s32 $0xFFFFEC00  }
0x1a: {  	[tilespmem:s12], [sflag:$0x5] =	stream.linear.gather [hbm4b:s8+s3], $0x1400, $0x38;
	[tilespmem:$0x1E400] =	vst v63  }
0x1b: {  	_ =	swait.ge [sflag:s11], $0x1400  }
0x1c: {  	[sflag:s11] =	ssyncset.done $0x0  }
0x1d: {  	s24 =	simm.s32 $0x0;
	[sflag:s11] =	ssyncadd.s32 $0xFFFFEC00  }
0x1e: {  	[tilespmem:s14], [sflag:$0x1] =	stream.indirect.gather [hbm4b:s4+s13], $0x80, s24, s13, $0xb8;
	[tilespmem:$0x1E400] =	vst v63  }
0x1f: {  	s31 =	simm.s32 $0x80  }
0x20: {  	[tilespmem:s15], [sflag:$0x2] =	stream.indirect.gather [hbm4b:s4+s13], $0x80, s31, s13, $0xb8;
	[tilespmem:$0x1E400] =	vst v63  }
0x21: {  	_ =	swait.ge [sflag:s16], $0x4000  }
0x22: {  	[sflag:s16] =	ssyncset.done $0x0  }
0x23: {  	s25 =	simm.s32 $0x1400;
	[sflag:s16] =	ssyncadd.s32 $0xFFFFC000  }
0x24: {  	[spmem:s2] =	stream.indirect.scatter.add.f32 [tilespmem:s14], [sflag:$0x3], $0x80, s25, s13, $0xb8;
	[tilespmem:$0x1E400] =	vst v63  }
0x25: {  	_ =	swait.ge [sflag:s17], $0x4000  }
0x26: {  	[sflag:s17] =	ssyncset.done $0x0  }
0x27: {  	s26 =	simm.s32 $0x1480;
	[sflag:s17] =	ssyncadd.s32 $0xFFFFC000  }
0x28: {  	[spmem:s2] =	stream.indirect.scatter.add.f32 [tilespmem:s15], [sflag:$0x4], $0x80, s26, s13, $0xb8;
	[tilespmem:$0x1E400] =	vst v63  }
0x29: {  	_ =	swait.ge [sflag:s18], $0x4000  }
0x2a: {  	[sflag:s18] =	ssyncset.done $0x0  }
0x2b: {  	s28 =	simm.s32 $0x100;
	[sflag:s18] =	ssyncadd.s32 $0xFFFFC000  }
0x2c: {  	[tilespmem:s14], [sflag:$0x1] =	stream.indirect.gather [hbm4b:s4+s13], $0x80, s28, s13, $0xb8;
	[tilespmem:$0x1E400] =	vst v63  }
0x2d: {  	_ =	swait.ge [sflag:s19], $0x4000  }
0x2e: {  	[sflag:s19] =	ssyncset.done $0x0  }
0x2f: {  	s29 =	simm.s32 $0x180;
	[sflag:s19] =	ssyncadd.s32 $0xFFFFC000  }
0x30: {  	[tilespmem:s15], [sflag:$0x2] =	stream.indirect.gather [hbm4b:s4+s13], $0x80, s29, s13, $0xb8;
	[tilespmem:$0x1E400] =	vst v63  }
0x31: {  	_ =	swait.ge [sflag:s16], $0x4000  }
0x32: {  	[sflag:s16] =	ssyncset.done $0x0  }
0x33: {  	s30 =	simm.s32 $0x1500;
	[sflag:s16] =	ssyncadd.s32 $0xFFFFC000  }
0x34: {  	[spmem:s2] =	stream.indirect.scatter.add.f32 [tilespmem:s14], [sflag:$0x3], $0x80, s30, s13, $0xb8;
	[tilespmem:$0x1E400] =	vst v63  }
0x35: {  	_ =	swait.ge [sflag:s17], $0x4000  }
0x36: {  	[sflag:s17] =	ssyncset.done $0x0  }
0x37: {  	s31 =	simm.s32 $0x1580;
	[sflag:s17] =	ssyncadd.s32 $0xFFFFC000  }
0x38: {  	[spmem:s2] =	stream.indirect.scatter.add.f32 [tilespmem:s15], [sflag:$0x4], $0x80, s31, s13, $0xb8;
	[tilespmem:$0x1E400] =	vst v63  }
0x39: {  	_ =	swait.ge [sflag:s18], $0x4000  }
0x3a: {  	[sflag:s18] =	ssyncset.done $0x0  }
0x3b: {  	[sflag:s18] =	ssyncadd.s32 $0xFFFFC000  }
0x3c: {  	_ =	swait.ge [sflag:s19], $0x4000  }
0x3d: {  	s24 =	simm.s32 $0x800;
	s26 =	simm.s32 $0x1000;
	[sflag:s19] =	ssyncset.done $0x0  }
.LBB2_2:
0x3e: {  	s28 =	sshra.s32 s24, $0x2  }
0x3f: {  	[sflag:s19] =	ssyncadd.s32 $0xFFFFC000;
	s24 =	smov.u32 s26;
	s25 =	sadd.s32 $0x800, s26  }
0x40: {  	[tilespmem:s14], [sflag:$0x1] =	stream.indirect.gather [hbm4b:s4+s13], $0x80, s28, s13, $0xb8;
	[tilespmem:$0x1E400] =	vst v63  }
0x41: {  	p0 =	sne.s32 s26, $0x4800;
	s26 =	sadd.s32 $0x80, s28  }
0x42: {  	[tilespmem:s15], [sflag:$0x2] =	stream.indirect.gather [hbm4b:s4+s13], $0x80, s26, s13, $0xb8;
	[tilespmem:$0x1E400] =	vst v63  }
0x43: {  	_ =	swait.ge [sflag:s16], $0x4000  }
0x44: {  	[sflag:s16] =	ssyncset.done $0x0  }
0x45: {  	s26 =	sadd.s32 $0x1400, s28;
	[sflag:s16] =	ssyncadd.s32 $0xFFFFC000  }
0x46: {  	[spmem:s2] =	stream.indirect.scatter.add.f32 [tilespmem:s14], [sflag:$0x3], $0x80, s26, s13, $0xb8;
	[tilespmem:$0x1E400] =	vst v63  }
0x47: {  	_ =	swait.ge [sflag:s17], $0x4000  }
0x48: {  	[sflag:s17] =	ssyncset.done $0x0  }
0x49: {  	s26 =	sadd.s32 $0x1480, s28;
	[sflag:s17] =	ssyncadd.s32 $0xFFFFC000  }
0x4a: {  	[spmem:s2] =	stream.indirect.scatter.add.f32 [tilespmem:s15], [sflag:$0x4], $0x80, s26, s13, $0xb8;
	[tilespmem:$0x1E400] =	vst v63  }
0x4b: {  	_ =	swait.ge [sflag:s18], $0x4000  }
0x4c: {  	[sflag:s18] =	ssyncset.done $0x0  }
0x4d: {  	s26 =	sadd.s32 $0x100, s28;
	[sflag:s18] =	ssyncadd.s32 $0xFFFFC000  }
0x4e: {  	[tilespmem:s14], [sflag:$0x1] =	stream.indirect.gather [hbm4b:s4+s13], $0x80, s26, s13, $0xb8;
	[tilespmem:$0x1E400] =	vst v63  }
0x4f: {  	_ =	swait.ge [sflag:s19], $0x4000  }
0x50: {  	[sflag:s19] =	ssyncset.done $0x0  }
0x51: {  	s26 =	sadd.s32 $0x180, s28;
	[sflag:s19] =	ssyncadd.s32 $0xFFFFC000  }
0x52: {  	[tilespmem:s15], [sflag:$0x2] =	stream.indirect.gather [hbm4b:s4+s13], $0x80, s26, s13, $0xb8;
	[tilespmem:$0x1E400] =	vst v63  }
0x53: {  	_ =	swait.ge [sflag:s16], $0x4000  }
0x54: {  	[sflag:s16] =	ssyncset.done $0x0  }
0x55: {  	s26 =	sadd.s32 $0x1500, s28;
	[sflag:s16] =	ssyncadd.s32 $0xFFFFC000  }
0x56: {  	[spmem:s2] =	stream.indirect.scatter.add.f32 [tilespmem:s14], [sflag:$0x3], $0x80, s26, s13, $0xb8;
	[tilespmem:$0x1E400] =	vst v63  }
0x57: {  	_ =	swait.ge [sflag:s17], $0x4000  }
0x58: {  	[sflag:s17] =	ssyncset.done $0x0  }
0x59: {  	s26 =	sadd.s32 $0x1580, s28;
	[sflag:s17] =	ssyncadd.s32 $0xFFFFC000  }
0x5a: {  	[spmem:s2] =	stream.indirect.scatter.add.f32 [tilespmem:s15], [sflag:$0x4], $0x80, s26, s13, $0xb8;
	[tilespmem:$0x1E400] =	vst v63  }
.Ltmp0:
0x5b: {  	_ =	swait.ge [sflag:s18], $0x4000;
	(pc) =	sbr.rel @p0 .LBB2_2-.Ltmp0, $4  }
0x5c: {  	[sflag:s18] =	ssyncset.done $0x0  }
0x5d: {  	[sflag:s18] =	ssyncadd.s32 $0xFFFFC000  }
0x5e: {  	_ =	swait.ge [sflag:s19], $0x4000  }
0x5f: {  	s26 =	smov.u32 s25;
	[sflag:s19] =	ssyncset.done $0x0  }
0x60: {  	s24 =	sshra.s32 s24, $0x2;
	[sflag:s19] =	ssyncadd.s32 $0xFFFFC000  }
0x61: {  	[tilespmem:s14], [sflag:$0x1] =	stream.indirect.gather [hbm4b:s4+s13], $0x80, s24, s13, $0xb8;
	[tilespmem:$0x1E400] =	vst v63  }
0x62: {  	s25 =	sadd.s32 $0x80, s24  }
0x63: {  	[tilespmem:s15], [sflag:$0x2] =	stream.indirect.gather [hbm4b:s4+s13], $0x80, s25, s13, $0xb8;
	[tilespmem:$0x1E400] =	vst v63  }
0x64: {  	_ =	swait.ge [sflag:s16], $0x4000  }
0x65: {  	[sflag:s16] =	ssyncset.done $0x0  }
0x66: {  	s29 =	sadd.s32 $0x1400, s24;
	[sflag:s16] =	ssyncadd.s32 $0xFFFFC000  }
0x67: {  	[spmem:s2] =	stream.indirect.scatter.add.f32 [tilespmem:s14], [sflag:$0x3], $0x80, s29, s13, $0xb8;
	[tilespmem:$0x1E400] =	vst v63  }
0x68: {  	_ =	swait.ge [sflag:s17], $0x4000  }
0x69: {  	[sflag:s17] =	ssyncset.done $0x0  }
0x6a: {  	s30 =	sadd.s32 $0x1480, s24;
	[sflag:s17] =	ssyncadd.s32 $0xFFFFC000  }
0x6b: {  	[spmem:s2] =	stream.indirect.scatter.add.f32 [tilespmem:s15], [sflag:$0x4], $0x80, s30, s13, $0xb8;
	[tilespmem:$0x1E400] =	vst v63  }
0x6c: {  	_ =	swait.ge [sflag:s18], $0x4000  }
0x6d: {  	[sflag:s18] =	ssyncset.done $0x0  }
0x6e: {  	s31 =	sadd.s32 $0x100, s24;
	[sflag:s18] =	ssyncadd.s32 $0xFFFFC000  }
0x6f: {  	[tilespmem:s14], [sflag:$0x1] =	stream.indirect.gather [hbm4b:s4+s13], $0x80, s31, s13, $0xb8;
	[tilespmem:$0x1E400] =	vst v63  }
0x70: {  	_ =	swait.ge [sflag:s19], $0x4000  }
0x71: {  	[sflag:s19] =	ssyncset.done $0x0  }
0x72: {  	s26 =	sadd.s32 $0x180, s24;
	[sflag:s19] =	ssyncadd.s32 $0xFFFFC000  }
0x73: {  	[tilespmem:s15], [sflag:$0x2] =	stream.indirect.gather [hbm4b:s4+s13], $0x80, s26, s13, $0xb8;
	[tilespmem:$0x1E400] =	vst v63  }
0x74: {  	_ =	swait.ge [sflag:s16], $0x4000  }
0x75: {  	[sflag:s16] =	ssyncset.done $0x0  }
0x76: {  	s28 =	sadd.s32 $0x1500, s24;
	[sflag:s16] =	ssyncadd.s32 $0xFFFFC000  }
0x77: {  	[spmem:s2] =	stream.indirect.scatter.add.f32 [tilespmem:s14], [sflag:$0x3], $0x80, s28, s13, $0xb8;
	[tilespmem:$0x1E400] =	vst v63  }
0x78: {  	_ =	swait.ge [sflag:s17], $0x4000  }
0x79: {  	[sflag:s17] =	ssyncset.done $0x0  }
0x7a: {  	s24 =	sadd.s32 $0x1580, s24;
	[sflag:s17] =	ssyncadd.s32 $0xFFFFC000  }
0x7b: {  	[spmem:s2] =	stream.indirect.scatter.add.f32 [tilespmem:s15], [sflag:$0x4], $0x80, s24, s13, $0xb8;
	[tilespmem:$0x1E400] =	vst v63  }
0x7c: {  	_ =	swait.ge [sflag:s18], $0x4000  }
0x7d: {  	[sflag:s18] =	ssyncset.done $0x0  }
0x7e: {  	[sflag:s18] =	ssyncadd.s32 $0xFFFFC000  }
0x7f: {  	_ =	swait.ge [sflag:s19], $0x4000  }
0x80: {  	[sflag:s19] =	ssyncset.done $0x0  }
0x81: {  	s29 =	simm.s32 $0x0;
	[sflag:s19] =	ssyncadd.s32 $0xFFFFC000  }
0x82: {  	[tilespmem:s29], [sflag:$0x5] =	stream.linear.gather [hbm4b:s20+s29], $0x1400, $0x38;
	[tilespmem:$0x1E400] =	vst v63  }
0x83: {  	_ =	swait.ge [sflag:s11], $0x1400  }
0x84: {  	[sflag:s11] =	ssyncset.done $0x0  }
0x85: {  	[sflag:s11] =	ssyncadd.s32 $0xFFFFEC00  }
0x86: {  	[tilespmem:s12], [sflag:$0x5] =	stream.linear.gather [hbm4b:s21+s29], $0x1400, $0x38;
	[tilespmem:$0x1E400] =	vst v63  }
0x87: {  	_ =	swait.ge [sflag:s11], $0x1400  }
0x88: {  	[sflag:s11] =	ssyncset.done $0x0  }
0x89: {  	s30 =	simm.s32 $0x0;
	[sflag:s11] =	ssyncadd.s32 $0xFFFFEC00  }
0x8a: {  	[tilespmem:s14], [sflag:$0x1] =	stream.indirect.gather [hbm4b:s4+s13], $0x80, s30, s13, $0xb8;
	[tilespmem:$0x1E400] =	vst v63  }
0x8b: {  	s31 =	simm.s32 $0x80  }
0x8c: {  	[tilespmem:s15], [sflag:$0x2] =	stream.indirect.gather [hbm4b:s4+s13], $0x80, s31, s13, $0xb8;
	[tilespmem:$0x1E400] =	vst v63  }
0x8d: {  	_ =	swait.ge [sflag:s16], $0x4000  }
0x8e: {  	[sflag:s16] =	ssyncset.done $0x0  }
0x8f: {  	s25 =	simm.s32 $0x1400;
	[sflag:s16] =	ssyncadd.s32 $0xFFFFC000  }
0x90: {  	[spmem:s2] =	stream.indirect.scatter.add.f32 [tilespmem:s14], [sflag:$0x3], $0x80, s25, s13, $0xb8;
	[tilespmem:$0x1E400] =	vst v63  }
0x91: {  	_ =	swait.ge [sflag:s17], $0x4000  }
0x92: {  	[sflag:s17] =	ssyncset.done $0x0  }
0x93: {  	s26 =	simm.s32 $0x1480;
	[sflag:s17] =	ssyncadd.s32 $0xFFFFC000  }
0x94: {  	[spmem:s2] =	stream.indirect.scatter.add.f32 [tilespmem:s15], [sflag:$0x4], $0x80, s26, s13, $0xb8;
	[tilespmem:$0x1E400] =	vst v63  }
0x95: {  	_ =	swait.ge [sflag:s18], $0x4000  }
0x96: {  	[sflag:s18] =	ssyncset.done $0x0  }
0x97: {  	s28 =	simm.s32 $0x100;
	[sflag:s18] =	ssyncadd.s32 $0xFFFFC000  }
0x98: {  	[tilespmem:s14], [sflag:$0x1] =	stream.indirect.gather [hbm4b:s4+s13], $0x80, s28, s13, $0xb8;
	[tilespmem:$0x1E400] =	vst v63  }
0x99: {  	_ =	swait.ge [sflag:s19], $0x4000  }
0x9a: {  	[sflag:s19] =	ssyncset.done $0x0  }
0x9b: {  	s29 =	simm.s32 $0x180;
	[sflag:s19] =	ssyncadd.s32 $0xFFFFC000  }
0x9c: {  	[tilespmem:s15], [sflag:$0x2] =	stream.indirect.gather [hbm4b:s4+s13], $0x80, s29, s13, $0xb8;
	[tilespmem:$0x1E400] =	vst v63  }
0x9d: {  	_ =	swait.ge [sflag:s16], $0x4000  }
0x9e: {  	[sflag:s16] =	ssyncset.done $0x0  }
0x9f: {  	s30 =	simm.s32 $0x1500;
	[sflag:s16] =	ssyncadd.s32 $0xFFFFC000  }
0xa0: {  	[spmem:s2] =	stream.indirect.scatter.add.f32 [tilespmem:s14], [sflag:$0x3], $0x80, s30, s13, $0xb8;
	[tilespmem:$0x1E400] =	vst v63  }
0xa1: {  	_ =	swait.ge [sflag:s17], $0x4000  }
0xa2: {  	[sflag:s17] =	ssyncset.done $0x0  }
0xa3: {  	s31 =	simm.s32 $0x1580;
	[sflag:s17] =	ssyncadd.s32 $0xFFFFC000  }
0xa4: {  	[spmem:s2] =	stream.indirect.scatter.add.f32 [tilespmem:s15], [sflag:$0x4], $0x80, s31, s13, $0xb8;
	[tilespmem:$0x1E400] =	vst v63  }
0xa5: {  	_ =	swait.ge [sflag:s18], $0x4000  }
0xa6: {  	[sflag:s18] =	ssyncset.done $0x0  }
0xa7: {  	[sflag:s18] =	ssyncadd.s32 $0xFFFFC000  }
0xa8: {  	_ =	swait.ge [sflag:s19], $0x4000  }
0xa9: {  	s24 =	simm.s32 $0x800;
	s26 =	simm.s32 $0x1000;
	[sflag:s19] =	ssyncset.done $0x0  }
.LBB2_4:
0xaa: {  	s28 =	sshra.s32 s24, $0x2  }
0xab: {  	[sflag:s19] =	ssyncadd.s32 $0xFFFFC000;
	s24 =	smov.u32 s26;
	s25 =	sadd.s32 $0x800, s26  }
0xac: {  	[tilespmem:s14], [sflag:$0x1] =	stream.indirect.gather [hbm4b:s4+s13], $0x80, s28, s13, $0xb8;
	[tilespmem:$0x1E400] =	vst v63  }
0xad: {  	p0 =	sne.s32 s26, $0x4800;
	s26 =	sadd.s32 $0x80, s28  }
0xae: {  	[tilespmem:s15], [sflag:$0x2] =	stream.indirect.gather [hbm4b:s4+s13], $0x80, s26, s13, $0xb8;
	[tilespmem:$0x1E400] =	vst v63  }
0xaf: {  	_ =	swait.ge [sflag:s16], $0x4000  }
0xb0: {  	[sflag:s16] =	ssyncset.done $0x0  }
0xb1: {  	s26 =	sadd.s32 $0x1400, s28;
	[sflag:s16] =	ssyncadd.s32 $0xFFFFC000  }
0xb2: {  	[spmem:s2] =	stream.indirect.scatter.add.f32 [tilespmem:s14], [sflag:$0x3], $0x80, s26, s13, $0xb8;
	[tilespmem:$0x1E400] =	vst v63  }
0xb3: {  	_ =	swait.ge [sflag:s17], $0x4000  }
0xb4: {  	[sflag:s17] =	ssyncset.done $0x0  }
0xb5: {  	s26 =	sadd.s32 $0x1480, s28;
	[sflag:s17] =	ssyncadd.s32 $0xFFFFC000  }
0xb6: {  	[spmem:s2] =	stream.indirect.scatter.add.f32 [tilespmem:s15], [sflag:$0x4], $0x80, s26, s13, $0xb8;
	[tilespmem:$0x1E400] =	vst v63  }
0xb7: {  	_ =	swait.ge [sflag:s18], $0x4000  }
0xb8: {  	[sflag:s18] =	ssyncset.done $0x0  }
0xb9: {  	s26 =	sadd.s32 $0x100, s28;
	[sflag:s18] =	ssyncadd.s32 $0xFFFFC000  }
0xba: {  	[tilespmem:s14], [sflag:$0x1] =	stream.indirect.gather [hbm4b:s4+s13], $0x80, s26, s13, $0xb8;
	[tilespmem:$0x1E400] =	vst v63  }
0xbb: {  	_ =	swait.ge [sflag:s19], $0x4000  }
0xbc: {  	[sflag:s19] =	ssyncset.done $0x0  }
0xbd: {  	s26 =	sadd.s32 $0x180, s28;
	[sflag:s19] =	ssyncadd.s32 $0xFFFFC000  }
0xbe: {  	[tilespmem:s15], [sflag:$0x2] =	stream.indirect.gather [hbm4b:s4+s13], $0x80, s26, s13, $0xb8;
	[tilespmem:$0x1E400] =	vst v63  }
0xbf: {  	_ =	swait.ge [sflag:s16], $0x4000  }
0xc0: {  	[sflag:s16] =	ssyncset.done $0x0  }
0xc1: {  	s26 =	sadd.s32 $0x1500, s28;
	[sflag:s16] =	ssyncadd.s32 $0xFFFFC000  }
0xc2: {  	[spmem:s2] =	stream.indirect.scatter.add.f32 [tilespmem:s14], [sflag:$0x3], $0x80, s26, s13, $0xb8;
	[tilespmem:$0x1E400] =	vst v63  }
0xc3: {  	_ =	swait.ge [sflag:s17], $0x4000  }
0xc4: {  	[sflag:s17] =	ssyncset.done $0x0  }
0xc5: {  	s26 =	sadd.s32 $0x1580, s28;
	[sflag:s17] =	ssyncadd.s32 $0xFFFFC000  }
0xc6: {  	[spmem:s2] =	stream.indirect.scatter.add.f32 [tilespmem:s15], [sflag:$0x4], $0x80, s26, s13, $0xb8;
	[tilespmem:$0x1E400] =	vst v63  }
.Ltmp1:
0xc7: {  	_ =	swait.ge [sflag:s18], $0x4000;
	(pc) =	sbr.rel @p0 .LBB2_4-.Ltmp1, $4  }
0xc8: {  	[sflag:s18] =	ssyncset.done $0x0  }
0xc9: {  	[sflag:s18] =	ssyncadd.s32 $0xFFFFC000  }
0xca: {  	_ =	swait.ge [sflag:s19], $0x4000  }
0xcb: {  	s26 =	smov.u32 s25;
	[sflag:s19] =	ssyncset.done $0x0  }
0xcc: {  	s24 =	sshra.s32 s24, $0x2;
	[sflag:s19] =	ssyncadd.s32 $0xFFFFC000  }
0xcd: {  	[tilespmem:s14], [sflag:$0x1] =	stream.indirect.gather [hbm4b:s4+s13], $0x80, s24, s13, $0xb8;
	[tilespmem:$0x1E400] =	vst v63  }
0xce: {  	s25 =	sadd.s32 $0x80, s24  }
0xcf: {  	[tilespmem:s15], [sflag:$0x2] =	stream.indirect.gather [hbm4b:s4+s13], $0x80, s25, s13, $0xb8;
	[tilespmem:$0x1E400] =	vst v63  }
0xd0: {  	_ =	swait.ge [sflag:s16], $0x4000  }
0xd1: {  	[sflag:s16] =	ssyncset.done $0x0  }
0xd2: {  	s26 =	sadd.s32 $0x1400, s24;
	[sflag:s16] =	ssyncadd.s32 $0xFFFFC000  }
0xd3: {  	[spmem:s2] =	stream.indirect.scatter.add.f32 [tilespmem:s14], [sflag:$0x3], $0x80, s26, s13, $0xb8;
	[tilespmem:$0x1E400] =	vst v63  }
0xd4: {  	_ =	swait.ge [sflag:s17], $0x4000  }
0xd5: {  	[sflag:s17] =	ssyncset.done $0x0  }
0xd6: {  	s28 =	sadd.s32 $0x1480, s24;
	[sflag:s17] =	ssyncadd.s32 $0xFFFFC000  }
0xd7: {  	[spmem:s2] =	stream.indirect.scatter.add.f32 [tilespmem:s15], [sflag:$0x4], $0x80, s28, s13, $0xb8;
	[tilespmem:$0x1E400] =	vst v63  }
0xd8: {  	_ =	swait.ge [sflag:s18], $0x4000  }
0xd9: {  	[sflag:s18] =	ssyncset.done $0x0  }
0xda: {  	s29 =	sadd.s32 $0x100, s24;
	[sflag:s18] =	ssyncadd.s32 $0xFFFFC000  }
0xdb: {  	[tilespmem:s14], [sflag:$0x1] =	stream.indirect.gather [hbm4b:s4+s13], $0x80, s29, s13, $0xb8;
	[tilespmem:$0x1E400] =	vst v63  }
0xdc: {  	_ =	swait.ge [sflag:s19], $0x4000  }
0xdd: {  	[sflag:s19] =	ssyncset.done $0x0  }
0xde: {  	s30 =	sadd.s32 $0x180, s24;
	[sflag:s19] =	ssyncadd.s32 $0xFFFFC000  }
0xdf: {  	[tilespmem:s15], [sflag:$0x2] =	stream.indirect.gather [hbm4b:s4+s13], $0x80, s30, s13, $0xb8;
	[tilespmem:$0x1E400] =	vst v63  }
0xe0: {  	_ =	swait.ge [sflag:s16], $0x4000  }
0xe1: {  	[sflag:s16] =	ssyncset.done $0x0  }
0xe2: {  	s31 =	sadd.s32 $0x1500, s24;
	[sflag:s16] =	ssyncadd.s32 $0xFFFFC000  }
0xe3: {  	[spmem:s2] =	stream.indirect.scatter.add.f32 [tilespmem:s14], [sflag:$0x3], $0x80, s31, s13, $0xb8;
	[tilespmem:$0x1E400] =	vst v63  }
0xe4: {  	_ =	swait.ge [sflag:s17], $0x4000  }
0xe5: {  	[sflag:s17] =	ssyncset.done $0x0  }
0xe6: {  	s24 =	sadd.s32 $0x1580, s24;
	[sflag:s17] =	ssyncadd.s32 $0xFFFFC000  }
0xe7: {  	[spmem:s2] =	stream.indirect.scatter.add.f32 [tilespmem:s15], [sflag:$0x4], $0x80, s24, s13, $0xb8;
	[tilespmem:$0x1E400] =	vst v63  }
0xe8: {  	_ =	swait.ge [sflag:s18], $0x4000  }
0xe9: {  	[sflag:s18] =	ssyncset.done $0x0  }
0xea: {  	[sflag:s18] =	ssyncadd.s32 $0xFFFFC000  }
0xeb: {  	_ =	swait.ge [sflag:s19], $0x4000  }
0xec: {  	s23 =	sadd.s32 $0x1, s23;
	[sflag:s19] =	ssyncset.done $0x0  }
0xed: {  	p0 =	sne.s32 s23, s9;
	[sflag:s19] =	ssyncadd.s32 $0xFFFFC000  }
.Ltmp2:
0xee: {  	[bflag:$0x0] =	sbarrier.arrive $0xFFFF;
	(pc) =	sbr.rel @p0 .LBB2_1-.Ltmp2, $4  }
0xef: {  	[hbm:s22], [sflag:s6] =	dma.local [spmem:s10], $0x2780  }
0xf0: {  	_ =	swait.ge [sflag:s11], $0x2780  }
0xf1: {  	[sflag:s11] =	ssyncset.done $0x0  }
0xf2: {  	[sflag:s11] =	ssyncadd.s32 $0xFFFFD880  }
0xf3: {  	_ =	sfence.sel $0x180000  }
0xf4: {  	[bflag:$0x0] =	sbarrier.arrive $0xFFFF  }
0xf5: {  	p0 =	sne.s32 s1, $0x0;
	_ =	strace $0x9000004D  }
0xf6: {  	s0 =	sadd.s32 @!p0 $0x100000, s0;
	[bflag:$0x2] =	sbarrier.arrive $0xFFFF  }
0xf7: {  	[sflag:s0] =	ssyncadd.tile.s32 @!p0 $0x1;
	_ =	shalt  }
.Lfunc_end2:
_tile_overlayer_lowered:
.L_overlay_start_2:
0xf8: {  	(tag) =	ssettag $0x2  }
0xf9: {  	s0 =	rddreg [dreg:$0x0];
	s2 =	stileid.u32  }
0xfa: {  	s1 =	rddreg [dreg:$0x1];
	p0 =	sne.s32 s2, $0x0  }
0xfb: {  	s3 =	rddreg [dreg:$0x2];
	[bflag:$0x3] =	sbarrier.arrive $0xFFFF;
	s2 =	simm.s32 @!p0 $0x1C05  }
0xfc: {  	[timem:s3], [sflag:s2] =	dma.local @!p0 [hbm:s0], s1  }
0xfd: {  	s0 =	simm.s32 @!p0 $0x5  }
0xfe: {  	_ =	swait.ge @!p0 [sflag:s0], s1  }
0xff: {  	s1 =	ssub.s32 @!p0 $0x0, s1;
	[sflag:s0] =	ssyncset.done @!p0 $0x0  }
0x100: {  	[sflag:s0] =	ssyncadd.s32 @!p0 s1  }
0x101: {  	[bflag:$0x3] =	sbarrier.arrive $0xFFFF  }
0x102: {  	_ =	shalt  }

// kernel: kernel.9.cloned.1.call-start
scs
__scs_entry_jumppad:
0x0: {  	(pc) =	sbr.rel $0x88, $3  }
0x1: {  	(tag) =	ssettag $0x0;
	lr =	simm.s32 $0x1  }
0x2: {  	[smem:$0x3F8F] =	sst lr;
	_ =	strace $0xD0000000  }
0x3: {  	_ = 	snop  }
0x4: {  	_ = 	snop  }
0x5: {  	_ = 	snop  }
0x6: {  	_ = 	snop  }
0x7: {  	_ = 	snop  }
__scs_overlays_trampoline_lowered:
0x8: {  	[smem:$0x3F9E] =	sst s0  }
0x9: {  	[smem:$0x3F9F] =	sst s1  }
0xa: {  	[smem:$0x3FA0] =	sst s2  }
0xb: {  	[smem:$0x3FA1] =	sst s3  }
0xc: {  	[smem:$0x3FA2] =	sst s4  }
0xd: {  	[smem:$0x3FA3] =	sst s5  }
0xe: {  	[smem:$0x3FA4] =	sst s6  }
0xf: {  	[smem:$0x3FA5] =	sst s7  }
0x10: {  	[smem:$0x3FA6] =	sst s8  }
0x11: {  	[smem:$0x3FA7] =	sst s9;
	s0 =	simm.s32 @!p0 $0x0  }
0x12: {  	s1 =	sld [smem:$0x3F8D];
	s0 =	simm.s32 @p0 $0x1  }
0x13: {  	[smem:$0x3FA8] =	sst s0;
	s0 =	simm.s32 @!p1 $0x0  }
0x14: {  	s2 =	sld [smem:$0x3F8C];
	s0 =	simm.s32 @p1 $0x1  }
0x15: {  	[smem:$0x3FA9] =	sst s0;
	s0 =	simm.s32 @!p2 $0x0  }
0x16: {  	s3 =	sld [smem:$0x3FDB];
	s0 =	simm.s32 @p2 $0x1  }
0x17: {  	s4 =	simm.s32 $0x1BF5;
	[smem:$0x3FAB] =	sst s0  }
0x18: {  	s0 =	sld [smem:$0x3F8E];
	_ =	swait.ge [sflag:s4], $0x0  }
0x19: {  	s7 =	sld [smem:$0x3F8F]  }
0x1a: {  	s8 =	sadd.s32 $0xFFFFE003, lr  }
0x1b: {  	s9 =	sadd.s32 $0xFFFFFEF7, lr;
	s5 =	simm.s32 $0xFFFFFFFF;
	p2 =	slt.u32 s8, $0xFFFFF086  }
0x1c: {  	p1 =	slt.u32 s9, $0xF7A;
	s5 =	simm.s32 @!p2 $0x0  }
0x1d: {  	s5 =	simm.s32 @p1 $0x1;
	p0 =	seq.s32 s7, s2  }
0x1e: {  	s7 =	smul.u32 @!p0 $0xF7A, s2;
	p2 =	seq.s32 @!p0 s5, $0x0  }
0x1f: {  	s9 =	smul.u32 $0xF7A, s1;
	s8 =	simm.s32 @!p0 $0x1BF5;
	p2 =	por !p2, p0  }
0x20: {  	[sflag:s8] =	ssyncset.s32 @!p0 $0xFFFFF086;
	s6 =	sadd.s32 @!p0 s3, s7;
	s7 =	simm.s32 @!p0 $0x108  }
0x21: {  	s3 =	sadd.s32 s3, s9;
	s6 =	sadd.s32 @!p0 $0x88, s6;
	s7 =	simm.s32 @p2 $0x1082  }
0x22: {  	[simem:s7], [sflag:s8] =	dma.local @!p0 [hbm:s6], $0xF7A  }
0x23: {  	s9 =	sor.u32 $0xD0000000, s2;
	s6 =	simm.s32 $0x108;
	_ =	swait.ge @!p0 [sflag:s8], $0x0  }
0x24: {  	s3 =	sadd.s32 $0x88, s3;
	s6 =	simm.s32 @!p1 $0x1082;
	[sflag:s4] =	ssyncset.s32 $0xFFFFF086  }
0x25: {  	[simem:s6], [sflag:s4] =	dma.local [hbm:s3], $0xF7A  }
0x26: {  	[smem:$0x3F8F] =	sst s1;
	(tag) =	ssettag s2;
	_ =	strace s9  }
0x27: {  	s1 =	sld [smem:$0x3F9F]  }
0x28: {  	s2 =	sld [smem:$0x3FA0]  }
0x29: {  	s4 =	sld [smem:$0x3FA2]  }
0x2a: {  	p0 =	seq.s32 s5, $0x0;
	s5 =	sld [smem:$0x3FA3]  }
0x2b: {  	s6 =	sld [smem:$0x3FA4]  }
0x2c: {  	s7 =	sld [smem:$0x3FA5]  }
0x2d: {  	s3 =	simm.s32 $0x108;
	s8 =	sld [smem:$0x3FA6]  }
0x2e: {  	s3 =	simm.s32 @!p0 $0x1082;
	s9 =	sld [smem:$0x3FA7]  }
0x2f: {  	lr =	sadd.s32 s0, s3;
	s0 =	sld [smem:$0x3F9E]  }
0x30: {  	s3 =	sld [smem:$0x3FA1]  }
0x31: {  	[smem:$0x3FAA] =	sst s10  }
0x32: {  	s10 =	sld [smem:$0x3FA8];
	_ =	sdelay $0x3  }
0x33: {  	p0 =	seq.s32 s10, $0x1;
	s10 =	sld [smem:$0x3FAA];
	_ =	sdelay $0x3  }
0x34: {  	[smem:$0x3FAA] =	sst s10  }
0x35: {  	s10 =	sld [smem:$0x3FA9];
	_ =	sdelay $0x3  }
0x36: {  	p1 =	seq.s32 s10, $0x1;
	s10 =	sld [smem:$0x3FAA];
	_ =	sdelay $0x3  }
0x37: {  	[smem:$0x3FAA] =	sst s10  }
0x38: {  	s10 =	sld [smem:$0x3FAB]  }
0x39: {  	_ = 	snop;
	(pc) =	sbr.ind lr, $3  }
0x3a: {  	_ = 	snop  }
0x3b: {  	_ = 	snop  }
0x3c: {  	p2 =	seq.s32 s10, $0x1;
	s10 =	sld [smem:$0x3FAA]  }
0x3d: {  	_ =	shalt  }
0x3e: {  	_ =	shalt  }
0x3f: {  	_ =	shalt  }
0x40: {  	_ =	shalt  }
0x41: {  	_ =	shalt  }
0x42: {  	_ =	shalt  }
0x43: {  	_ =	shalt  }
0x44: {  	_ =	shalt  }
0x45: {  	_ =	shalt  }
0x46: {  	_ =	shalt  }
0x47: {  	_ =	shalt  }
0x48: {  	_ =	shalt  }
0x49: {  	_ =	shalt  }
0x4a: {  	_ =	shalt  }
0x4b: {  	_ =	shalt  }
0x4c: {  	_ =	shalt  }
0x4d: {  	_ =	shalt  }
0x4e: {  	_ =	shalt  }
0x4f: {  	_ =	shalt  }
0x50: {  	_ =	shalt  }
0x51: {  	_ =	shalt  }
0x52: {  	_ =	shalt  }
0x53: {  	_ =	shalt  }
0x54: {  	_ =	shalt  }
0x55: {  	_ =	shalt  }
0x56: {  	_ =	shalt  }
0x57: {  	_ =	shalt  }
0x58: {  	_ =	shalt  }
0x59: {  	_ =	shalt  }
0x5a: {  	_ =	shalt  }
0x5b: {  	_ =	shalt  }
0x5c: {  	_ =	shalt  }
0x5d: {  	_ =	shalt  }
0x5e: {  	_ =	shalt  }
0x5f: {  	_ =	shalt  }
0x60: {  	_ =	shalt  }
0x61: {  	_ =	shalt  }
0x62: {  	_ =	shalt  }
0x63: {  	_ =	shalt  }
0x64: {  	_ =	shalt  }
0x65: {  	_ =	shalt  }
0x66: {  	_ =	shalt  }
0x67: {  	_ =	shalt  }
0x68: {  	_ =	shalt  }
0x69: {  	_ =	shalt  }
0x6a: {  	_ =	shalt  }
0x6b: {  	_ =	shalt  }
0x6c: {  	_ =	shalt  }
0x6d: {  	_ =	shalt  }
0x6e: {  	_ =	shalt  }
0x6f: {  	_ =	shalt  }
0x70: {  	_ =	shalt  }
0x71: {  	_ =	shalt  }
0x72: {  	_ =	shalt  }
0x73: {  	_ =	shalt  }
0x74: {  	_ =	shalt  }
0x75: {  	_ =	shalt  }
0x76: {  	_ =	shalt  }
0x77: {  	_ =	shalt  }
0x78: {  	_ =	shalt  }
0x79: {  	_ =	shalt  }
0x7a: {  	_ =	shalt  }
0x7b: {  	_ =	shalt  }
0x7c: {  	_ =	shalt  }
0x7d: {  	_ =	shalt  }
0x7e: {  	_ =	shalt  }
0x7f: {  	_ =	shalt  }
0x80: {  	_ =	shalt  }
0x81: {  	_ =	shalt  }
0x82: {  	_ =	shalt  }
0x83: {  	_ =	shalt  }
0x84: {  	_ =	shalt  }
0x85: {  	_ =	shalt  }
0x86: {  	_ =	shalt  }
0x87: {  	_ =	shalt  }
.Lfunc_end0:
.L_simem_size_0:
called_computation_lowered:
.L_overlay_start_0:
0x88: {  	s2 =	sld [smem:$0x3FD9]  }
0x89: {  	s3 =	sld [smem:$0x3FFE];
	_ =	sdelay $0x1  }
0x8a: {  	s1 =	srdreg.scid  }
0x8b: {  	s0 =	sand.u32 $0x1, s1  }
0x8c: {  	s17 =	sshll.u32 s0, $0xA;
	s2 =	sadd.s32 s3, s2  }
0x8d: {  	s2 =	sadd.s32 s2, s17  }
0x8e: {  	[smem:$0x3FB6] =	sst s2  }
0x8f: {  	_ = 	snop  }
0x90: {  	s2 =	sld [smem:$0x3FC9]  }
0x91: {  	s18 =	sld [smem:$0x3FD0];
	(tm) =	ssettm $0x1  }
0x92: {  	s4 =	sld [smem:$0x3FFB];
	_ =	sdelay $0x3  }
0x93: {  	_ =	strace s4  }
0x94: {  	s4 =	sld [smem:$0x3FFC];
	_ =	sdelay $0x3  }
0x95: {  	_ =	strace s4  }
0x96: {  	s4 =	sld [smem:$0x3FFD];
	_ =	sdelay $0x3  }
0x97: {  	_ =	strace s4  }
0x98: {  	_ =	strace $0x8FFFFFFF  }
0x99: {  	s19 =	sld [smem:$0x3FDB];
	_ =	sdelay $0x1  }
0x9a: {  	s5 =	simm.s32 $_scs_section_size  }
0x9b: {  	s6 =	simm.s32 $_size__tile_overlayer_lowered;
	s7 =	simm.s32 $_tile_overlayer_lowered  }
0x9c: {  	s22 =	simm.s32 $0x1BFF;
	s21 =	sshll.u32 s7, $0x1;
	s4 =	sadd.s32 s5, s19  }
0x9d: {  	s8 =	simm.s32 $0x0;
	s20 =	sshll.u32 s6, $0x1;
	s6 =	sadd.s32 s21, s4  }
0x9e: {  	[timem:s8], [sflag:s22] =	dma.local [hbm:s6], s20  }
0x9f: {  	_ =	swait.ge [sflag:s22], s20  }
0xa0: {  	s5 =	ssub.s32 $0x0, s20;
	[sflag:s22] =	ssyncset.done $0x0  }
0xa1: {  	[sflag:s22] =	ssyncadd.s32 s5;
	_ =	sdelay $0x1  }
0xa2: {  	s23 =	simm.s32 $0x1B8B  }
0xa3: {  	_ =	swait.ge [sflag:s23], $0x1  }
0xa4: {  	[sflag:s23] =	ssyncset.done $0x0  }
0xa5: {  	s25 =	simm.s32 $0x1B8E;
	s24 =	sld [smem:$0x3FFE];
	[sflag:s23] =	ssyncadd.s32 $0xFFFFFFFF  }
0xa6: {  	s26 =	simm.s32 $execute0_lowered;
	[smem:$0x3FD2] =	sst s25  }
0xa7: {  	s6 =	sshll.u32 s26, $0x1;
	_ =	strace $0x80000046;
	[dreg:$0x1] =	wrdreg $0xFFFFFFFF  }
0xa8: {  	s28 =	simm.s32 $_size_execute0_lowered;
	s4 =	sadd.s32 s4, s6;
	[dreg:$0x0] =	wrdreg $0x0  }
0xa9: {  	s6 =	sshll.u32 s28, $0x1;
	[dreg:$0x2] =	wrdreg s4  }
0xaa: {  	[dreg:$0x3] =	wrdreg s6  }
0xab: {  	[dreg:$0x4] =	wrdreg $0xC0  }
0xac: {  	_ =	task [dreg:s8], $0x5FFFF  }
0xad: {  	[dreg:$0x1] =	wrdreg $0xFFFFFFFF  }
0xae: {  	[dreg:$0x0] =	wrdreg $0x60  }
0xaf: {  	[dreg:$0x2] =	wrdreg s2  }
0xb0: {  	[dreg:$0x3] =	wrdreg s18  }
0xb1: {  	[dreg:$0x4] =	wrdreg s24  }
0xb2: {  	[dreg:$0x5] =	wrdreg $0xA8000  }
0xb3: {  	[dreg:$0x6] =	wrdreg $0x9  }
0xb4: {  	_ =	task.clear_ibuf [dreg:s8], $0x7FFFF;
	_ =	strace $0x90000046  }
0xb5: {  	s29 =	simm.s32 $0x9;
	_ =	strace $0x80000048  }
0xb6: {  	_ =	swait.ge [sflag:s29], $0x1  }
0xb7: {  	[sflag:s29] =	ssyncadd.s32 $0xFFFFFFFF  }
0xb8: {  	_ =	strace $0x90000048  }
0xb9: {  	_ =	sfence  }
0xba: {  	s30 =	sld [smem:$0x0];
	_ =	sdelay $0x2  }
0xbb: {  	s31 =	sshll.u32 s1, $0xD;
	s1 =	sshrl.u32 s1, $0x2  }
0xbc: {  	s3 =	sand.u32 $0x4000, s31;
	s1 =	sadd.s32 s1, s30  }
0xbd: {  	s0 =	sor.u32 s3, s0;
	s1 =	sshll.u32 s1, $0x11  }
0xbe: {  	s0 =	sor.u32 s1, s0  }
0xbf: {  	s0 =	sadd.s32 $0x8F2B, s0  }
0xc0: {  	[sflag:s0] =	ssyncadd.remote.s32 $0x1  }
0xc1: {  	_ =	sfence.sel $0xFFFF  }
0xc2: {  	[dreg:$0x0] =	wrdreg $0xFFFFFFFF;
	(pc) =	sbr.abs _section_cstart, $3  }
0xc3: {  	[dreg:$0x1] =	wrdreg $0xFFFFFFFF  }
0xc4: {  	_ =	task.clear_ibuf [dreg:s8], $0x2FFFF;
	_ =	strace $0x9FFFFFFF  }
0xc5: {  	(tm) =	ssettm $0x7FFFFFFF  }
tec
execute0_lowered:
.L_overlay_start_1:
0x0: {  	(tag) =	ssettag $0x1  }
0x1: {  	s0 =	rddreg [dreg:$0x0]  }
0x2: {  	s7 =	rddreg [dreg:$0x1]  }
0x3: {  	s1 =	srdreg.scid;
	s6 =	rddreg [dreg:$0x2]  }
0x4: {  	s3 =	rddreg [dreg:$0x3];
	s2 =	stileid.u32  }
0x5: {  	s4 =	simm.s32 $0x0;
	s14 =	simm.s32 $0x2800;
	s15 =	simm.s32 $0x6800  }
0x6: {  	s16 =	simm.s32 $0x1;
	s17 =	simm.s32 $0x2;
	s18 =	simm.s32 $0x3  }
0x7: {  	s19 =	simm.s32 $0x4;
	s5 =	sand.u32 $0x1, s1;
	s1 =	rddreg [dreg:$0x4]  }
0x8: {  	[smem:$0x7FF] =	sst s4;
	s12 =	smul.u32 $0x4F000, s2;
	s31 =	sshll.u32 s2, $0x6  }
0x9: {  	s23 =	smul.u32 $0x2780, s2;
	s8 =	sshll.u32 s5, $0x4;
	_ =	strace $0x80000047  }
0xa: {  	s9 =	smul.u32 $0x27800, s5;
	s11 =	ssub.s32 $0x2, s5;
	s5 =	sadd.s32 $0xDA00, s6  }
0xb: {  	s8 =	sor.u32 s2, s8;
	s29 =	sshrl.u32 s11, $0x1;
	s30 =	sshrl.u32 s12, $0x2  }
0xc: {  	s12 =	simm.s32 $0x1400;
	s8 =	smul.u32 $0x500, s8;
	s9 =	sadd.s32 s9, s6  }
0xd: {  	s11 =	ssub.s32 s11, s29;
	s13 =	sadd.s32 s30, s3;
	s22 =	sadd.s32 $0x10200, s9  }
0xe: {  	s9 =	smax.u32 s11, $0x1;
	s11 =	simm.s32 $0x5;
	s10 =	sadd.s32 s8, s6  }
0xf: {  	s6 =	sor.u32 $0x1C05, s31;
	s7 =	sadd.s32 s7, s8;
	s22 =	sadd.s32 s23, s22  }
0x10: {  	s23 =	simm.s32 $0x0;
	s8 =	sadd.s32 $0x3A00, s10;
	s10 =	sshrl.u32 s13, $0x3  }
0x11: {  	s13 =	simm.s32 $0x80;
	s20 =	sadd.s32 $0x280, s7;
	s21 =	sadd.s32 $0x280, s8  }
.LBB2_1:
0x12: {  	[spmem:s10], [sflag:s6] =	dma.local [hbm:s5], $0x2780  }
0x13: {  	_ =	swait.ge [sflag:s11], $0x2780  }
0x14: {  	[sflag:s11] =	ssyncset.done $0x0  }
0x15: {  	[sflag:s11] =	ssyncadd.s32 $0xFFFFD880  }
0x16: {  	[bflag:$0x0] =	sbarrier.arrive $0xFFFF  }
0x17: {  	[tilespmem:s4], [sflag:$0x5] =	stream.linear.gather [hbm4b:s7+s4], $0x1400, $0x38;
	[tilespmem:$0x1E400] =	vst v63  }
0x18: {  	_ =	swait.ge [sflag:s11], $0x1400  }
0x19: {  	[sflag:s11] =	ssyncset.done $0x0  }
0x1a: {  	[sflag:s11] =	ssyncadd.s32 $0xFFFFEC00  }
0x1b: {  	[tilespmem:s12], [sflag:$0x5] =	stream.linear.gather [hbm4b:s8+s4], $0x1400, $0x38;
	[tilespmem:$0x1E400] =	vst v63  }
0x1c: {  	_ =	swait.ge [sflag:s11], $0x1400  }
0x1d: {  	[sflag:s11] =	ssyncset.done $0x0  }
0x1e: {  	s24 =	simm.s32 $0x0;
	[sflag:s11] =	ssyncadd.s32 $0xFFFFEC00  }
0x1f: {  	[tilespmem:s14], [sflag:$0x1] =	stream.indirect.gather [hbm4b:s0+s13], $0x80, s24, s13, $0xb8;
	[tilespmem:$0x1E400] =	vst v63  }
0x20: {  	s31 =	simm.s32 $0x80  }
0x21: {  	[tilespmem:s15], [sflag:$0x2] =	stream.indirect.gather [hbm4b:s0+s13], $0x80, s31, s13, $0xb8;
	[tilespmem:$0x1E400] =	vst v63  }
0x22: {  	_ =	swait.ge [sflag:s16], $0x4000  }
0x23: {  	[sflag:s16] =	ssyncset.done $0x0  }
0x24: {  	s25 =	simm.s32 $0x1400;
	[sflag:s16] =	ssyncadd.s32 $0xFFFFC000  }
0x25: {  	[spmem:s3] =	stream.indirect.scatter.add.f32 [tilespmem:s14], [sflag:$0x3], $0x80, s25, s13, $0xb8;
	[tilespmem:$0x1E400] =	vst v63  }
0x26: {  	_ =	swait.ge [sflag:s17], $0x4000  }
0x27: {  	[sflag:s17] =	ssyncset.done $0x0  }
0x28: {  	s26 =	simm.s32 $0x1480;
	[sflag:s17] =	ssyncadd.s32 $0xFFFFC000  }
0x29: {  	[spmem:s3] =	stream.indirect.scatter.add.f32 [tilespmem:s15], [sflag:$0x4], $0x80, s26, s13, $0xb8;
	[tilespmem:$0x1E400] =	vst v63  }
0x2a: {  	_ =	swait.ge [sflag:s18], $0x4000  }
0x2b: {  	[sflag:s18] =	ssyncset.done $0x0  }
0x2c: {  	s28 =	simm.s32 $0x100;
	[sflag:s18] =	ssyncadd.s32 $0xFFFFC000  }
0x2d: {  	[tilespmem:s14], [sflag:$0x1] =	stream.indirect.gather [hbm4b:s0+s13], $0x80, s28, s13, $0xb8;
	[tilespmem:$0x1E400] =	vst v63  }
0x2e: {  	_ =	swait.ge [sflag:s19], $0x4000  }
0x2f: {  	[sflag:s19] =	ssyncset.done $0x0  }
0x30: {  	s29 =	simm.s32 $0x180;
	[sflag:s19] =	ssyncadd.s32 $0xFFFFC000  }
0x31: {  	[tilespmem:s15], [sflag:$0x2] =	stream.indirect.gather [hbm4b:s0+s13], $0x80, s29, s13, $0xb8;
	[tilespmem:$0x1E400] =	vst v63  }
0x32: {  	_ =	swait.ge [sflag:s16], $0x4000  }
0x33: {  	[sflag:s16] =	ssyncset.done $0x0  }
0x34: {  	s30 =	simm.s32 $0x1500;
	[sflag:s16] =	ssyncadd.s32 $0xFFFFC000  }
0x35: {  	[spmem:s3] =	stream.indirect.scatter.add.f32 [tilespmem:s14], [sflag:$0x3], $0x80, s30, s13, $0xb8;
	[tilespmem:$0x1E400] =	vst v63  }
0x36: {  	_ =	swait.ge [sflag:s17], $0x4000  }
0x37: {  	[sflag:s17] =	ssyncset.done $0x0  }
0x38: {  	s31 =	simm.s32 $0x1580;
	[sflag:s17] =	ssyncadd.s32 $0xFFFFC000  }
0x39: {  	[spmem:s3] =	stream.indirect.scatter.add.f32 [tilespmem:s15], [sflag:$0x4], $0x80, s31, s13, $0xb8;
	[tilespmem:$0x1E400] =	vst v63  }
0x3a: {  	_ =	swait.ge [sflag:s18], $0x4000  }
0x3b: {  	[sflag:s18] =	ssyncset.done $0x0  }
0x3c: {  	[sflag:s18] =	ssyncadd.s32 $0xFFFFC000  }
0x3d: {  	_ =	swait.ge [sflag:s19], $0x4000  }
0x3e: {  	s24 =	simm.s32 $0x800;
	s26 =	simm.s32 $0x1000;
	[sflag:s19] =	ssyncset.done $0x0  }
.LBB2_2:
0x3f: {  	s28 =	sshra.s32 s24, $0x2  }
0x40: {  	[sflag:s19] =	ssyncadd.s32 $0xFFFFC000;
	s24 =	smov.u32 s26;
	s25 =	sadd.s32 $0x800, s26  }
0x41: {  	[tilespmem:s14], [sflag:$0x1] =	stream.indirect.gather [hbm4b:s0+s13], $0x80, s28, s13, $0xb8;
	[tilespmem:$0x1E400] =	vst v63  }
0x42: {  	p0 =	sne.s32 s26, $0x4800;
	s26 =	sadd.s32 $0x80, s28  }
0x43: {  	[tilespmem:s15], [sflag:$0x2] =	stream.indirect.gather [hbm4b:s0+s13], $0x80, s26, s13, $0xb8;
	[tilespmem:$0x1E400] =	vst v63  }
0x44: {  	_ =	swait.ge [sflag:s16], $0x4000  }
0x45: {  	[sflag:s16] =	ssyncset.done $0x0  }
0x46: {  	s26 =	sadd.s32 $0x1400, s28;
	[sflag:s16] =	ssyncadd.s32 $0xFFFFC000  }
0x47: {  	[spmem:s3] =	stream.indirect.scatter.add.f32 [tilespmem:s14], [sflag:$0x3], $0x80, s26, s13, $0xb8;
	[tilespmem:$0x1E400] =	vst v63  }
0x48: {  	_ =	swait.ge [sflag:s17], $0x4000  }
0x49: {  	[sflag:s17] =	ssyncset.done $0x0  }
0x4a: {  	s26 =	sadd.s32 $0x1480, s28;
	[sflag:s17] =	ssyncadd.s32 $0xFFFFC000  }
0x4b: {  	[spmem:s3] =	stream.indirect.scatter.add.f32 [tilespmem:s15], [sflag:$0x4], $0x80, s26, s13, $0xb8;
	[tilespmem:$0x1E400] =	vst v63  }
0x4c: {  	_ =	swait.ge [sflag:s18], $0x4000  }
0x4d: {  	[sflag:s18] =	ssyncset.done $0x0  }
0x4e: {  	s26 =	sadd.s32 $0x100, s28;
	[sflag:s18] =	ssyncadd.s32 $0xFFFFC000  }
0x4f: {  	[tilespmem:s14], [sflag:$0x1] =	stream.indirect.gather [hbm4b:s0+s13], $0x80, s26, s13, $0xb8;
	[tilespmem:$0x1E400] =	vst v63  }
0x50: {  	_ =	swait.ge [sflag:s19], $0x4000  }
0x51: {  	[sflag:s19] =	ssyncset.done $0x0  }
0x52: {  	s26 =	sadd.s32 $0x180, s28;
	[sflag:s19] =	ssyncadd.s32 $0xFFFFC000  }
0x53: {  	[tilespmem:s15], [sflag:$0x2] =	stream.indirect.gather [hbm4b:s0+s13], $0x80, s26, s13, $0xb8;
	[tilespmem:$0x1E400] =	vst v63  }
0x54: {  	_ =	swait.ge [sflag:s16], $0x4000  }
0x55: {  	[sflag:s16] =	ssyncset.done $0x0  }
0x56: {  	s26 =	sadd.s32 $0x1500, s28;
	[sflag:s16] =	ssyncadd.s32 $0xFFFFC000  }
0x57: {  	[spmem:s3] =	stream.indirect.scatter.add.f32 [tilespmem:s14], [sflag:$0x3], $0x80, s26, s13, $0xb8;
	[tilespmem:$0x1E400] =	vst v63  }
0x58: {  	_ =	swait.ge [sflag:s17], $0x4000  }
0x59: {  	[sflag:s17] =	ssyncset.done $0x0  }
0x5a: {  	s26 =	sadd.s32 $0x1580, s28;
	[sflag:s17] =	ssyncadd.s32 $0xFFFFC000  }
0x5b: {  	[spmem:s3] =	stream.indirect.scatter.add.f32 [tilespmem:s15], [sflag:$0x4], $0x80, s26, s13, $0xb8;
	[tilespmem:$0x1E400] =	vst v63  }
.Ltmp0:
0x5c: {  	_ =	swait.ge [sflag:s18], $0x4000;
	(pc) =	sbr.rel @p0 .LBB2_2-.Ltmp0, $4  }
0x5d: {  	[sflag:s18] =	ssyncset.done $0x0  }
0x5e: {  	[sflag:s18] =	ssyncadd.s32 $0xFFFFC000  }
0x5f: {  	_ =	swait.ge [sflag:s19], $0x4000  }
0x60: {  	s26 =	smov.u32 s25;
	[sflag:s19] =	ssyncset.done $0x0  }
0x61: {  	s24 =	sshra.s32 s24, $0x2;
	[sflag:s19] =	ssyncadd.s32 $0xFFFFC000  }
0x62: {  	[tilespmem:s14], [sflag:$0x1] =	stream.indirect.gather [hbm4b:s0+s13], $0x80, s24, s13, $0xb8;
	[tilespmem:$0x1E400] =	vst v63  }
0x63: {  	s25 =	sadd.s32 $0x80, s24  }
0x64: {  	[tilespmem:s15], [sflag:$0x2] =	stream.indirect.gather [hbm4b:s0+s13], $0x80, s25, s13, $0xb8;
	[tilespmem:$0x1E400] =	vst v63  }
0x65: {  	_ =	swait.ge [sflag:s16], $0x4000  }
0x66: {  	[sflag:s16] =	ssyncset.done $0x0  }
0x67: {  	s29 =	sadd.s32 $0x1400, s24;
	[sflag:s16] =	ssyncadd.s32 $0xFFFFC000  }
0x68: {  	[spmem:s3] =	stream.indirect.scatter.add.f32 [tilespmem:s14], [sflag:$0x3], $0x80, s29, s13, $0xb8;
	[tilespmem:$0x1E400] =	vst v63  }
0x69: {  	_ =	swait.ge [sflag:s17], $0x4000  }
0x6a: {  	[sflag:s17] =	ssyncset.done $0x0  }
0x6b: {  	s30 =	sadd.s32 $0x1480, s24;
	[sflag:s17] =	ssyncadd.s32 $0xFFFFC000  }
0x6c: {  	[spmem:s3] =	stream.indirect.scatter.add.f32 [tilespmem:s15], [sflag:$0x4], $0x80, s30, s13, $0xb8;
	[tilespmem:$0x1E400] =	vst v63  }
0x6d: {  	_ =	swait.ge [sflag:s18], $0x4000  }
0x6e: {  	[sflag:s18] =	ssyncset.done $0x0  }
0x6f: {  	s31 =	sadd.s32 $0x100, s24;
	[sflag:s18] =	ssyncadd.s32 $0xFFFFC000  }
0x70: {  	[tilespmem:s14], [sflag:$0x1] =	stream.indirect.gather [hbm4b:s0+s13], $0x80, s31, s13, $0xb8;
	[tilespmem:$0x1E400] =	vst v63  }
0x71: {  	_ =	swait.ge [sflag:s19], $0x4000  }
0x72: {  	[sflag:s19] =	ssyncset.done $0x0  }
0x73: {  	s26 =	sadd.s32 $0x180, s24;
	[sflag:s19] =	ssyncadd.s32 $0xFFFFC000  }
0x74: {  	[tilespmem:s15], [sflag:$0x2] =	stream.indirect.gather [hbm4b:s0+s13], $0x80, s26, s13, $0xb8;
	[tilespmem:$0x1E400] =	vst v63  }
0x75: {  	_ =	swait.ge [sflag:s16], $0x4000  }
0x76: {  	[sflag:s16] =	ssyncset.done $0x0  }
0x77: {  	s28 =	sadd.s32 $0x1500, s24;
	[sflag:s16] =	ssyncadd.s32 $0xFFFFC000  }
0x78: {  	[spmem:s3] =	stream.indirect.scatter.add.f32 [tilespmem:s14], [sflag:$0x3], $0x80, s28, s13, $0xb8;
	[tilespmem:$0x1E400] =	vst v63  }
0x79: {  	_ =	swait.ge [sflag:s17], $0x4000  }
0x7a: {  	[sflag:s17] =	ssyncset.done $0x0  }
0x7b: {  	s24 =	sadd.s32 $0x1580, s24;
	[sflag:s17] =	ssyncadd.s32 $0xFFFFC000  }
0x7c: {  	[spmem:s3] =	stream.indirect.scatter.add.f32 [tilespmem:s15], [sflag:$0x4], $0x80, s24, s13, $0xb8;
	[tilespmem:$0x1E400] =	vst v63  }
0x7d: {  	_ =	swait.ge [sflag:s18], $0x4000  }
0x7e: {  	[sflag:s18] =	ssyncset.done $0x0  }
0x7f: {  	[sflag:s18] =	ssyncadd.s32 $0xFFFFC000  }
0x80: {  	_ =	swait.ge [sflag:s19], $0x4000  }
0x81: {  	[sflag:s19] =	ssyncset.done $0x0  }
0x82: {  	s29 =	simm.s32 $0x0;
	[sflag:s19] =	ssyncadd.s32 $0xFFFFC000  }
0x83: {  	[tilespmem:s29], [sflag:$0x5] =	stream.linear.gather [hbm4b:s20+s29], $0x1400, $0x38;
	[tilespmem:$0x1E400] =	vst v63  }
0x84: {  	_ =	swait.ge [sflag:s11], $0x1400  }
0x85: {  	[sflag:s11] =	ssyncset.done $0x0  }
0x86: {  	[sflag:s11] =	ssyncadd.s32 $0xFFFFEC00  }
0x87: {  	[tilespmem:s12], [sflag:$0x5] =	stream.linear.gather [hbm4b:s21+s29], $0x1400, $0x38;
	[tilespmem:$0x1E400] =	vst v63  }
0x88: {  	_ =	swait.ge [sflag:s11], $0x1400  }
0x89: {  	[sflag:s11] =	ssyncset.done $0x0  }
0x8a: {  	s30 =	simm.s32 $0x0;
	[sflag:s11] =	ssyncadd.s32 $0xFFFFEC00  }
0x8b: {  	[tilespmem:s14], [sflag:$0x1] =	stream.indirect.gather [hbm4b:s0+s13], $0x80, s30, s13, $0xb8;
	[tilespmem:$0x1E400] =	vst v63  }
0x8c: {  	s31 =	simm.s32 $0x80  }
0x8d: {  	[tilespmem:s15], [sflag:$0x2] =	stream.indirect.gather [hbm4b:s0+s13], $0x80, s31, s13, $0xb8;
	[tilespmem:$0x1E400] =	vst v63  }
0x8e: {  	_ =	swait.ge [sflag:s16], $0x4000  }
0x8f: {  	[sflag:s16] =	ssyncset.done $0x0  }
0x90: {  	s25 =	simm.s32 $0x1400;
	[sflag:s16] =	ssyncadd.s32 $0xFFFFC000  }
0x91: {  	[spmem:s3] =	stream.indirect.scatter.add.f32 [tilespmem:s14], [sflag:$0x3], $0x80, s25, s13, $0xb8;
	[tilespmem:$0x1E400] =	vst v63  }
0x92: {  	_ =	swait.ge [sflag:s17], $0x4000  }
0x93: {  	[sflag:s17] =	ssyncset.done $0x0  }
0x94: {  	s26 =	simm.s32 $0x1480;
	[sflag:s17] =	ssyncadd.s32 $0xFFFFC000  }
0x95: {  	[spmem:s3] =	stream.indirect.scatter.add.f32 [tilespmem:s15], [sflag:$0x4], $0x80, s26, s13, $0xb8;
	[tilespmem:$0x1E400] =	vst v63  }
0x96: {  	_ =	swait.ge [sflag:s18], $0x4000  }
0x97: {  	[sflag:s18] =	ssyncset.done $0x0  }
0x98: {  	s28 =	simm.s32 $0x100;
	[sflag:s18] =	ssyncadd.s32 $0xFFFFC000  }
0x99: {  	[tilespmem:s14], [sflag:$0x1] =	stream.indirect.gather [hbm4b:s0+s13], $0x80, s28, s13, $0xb8;
	[tilespmem:$0x1E400] =	vst v63  }
0x9a: {  	_ =	swait.ge [sflag:s19], $0x4000  }
0x9b: {  	[sflag:s19] =	ssyncset.done $0x0  }
0x9c: {  	s29 =	simm.s32 $0x180;
	[sflag:s19] =	ssyncadd.s32 $0xFFFFC000  }
0x9d: {  	[tilespmem:s15], [sflag:$0x2] =	stream.indirect.gather [hbm4b:s0+s13], $0x80, s29, s13, $0xb8;
	[tilespmem:$0x1E400] =	vst v63  }
0x9e: {  	_ =	swait.ge [sflag:s16], $0x4000  }
0x9f: {  	[sflag:s16] =	ssyncset.done $0x0  }
0xa0: {  	s30 =	simm.s32 $0x1500;
	[sflag:s16] =	ssyncadd.s32 $0xFFFFC000  }
0xa1: {  	[spmem:s3] =	stream.indirect.scatter.add.f32 [tilespmem:s14], [sflag:$0x3], $0x80, s30, s13, $0xb8;
	[tilespmem:$0x1E400] =	vst v63  }
0xa2: {  	_ =	swait.ge [sflag:s17], $0x4000  }
0xa3: {  	[sflag:s17] =	ssyncset.done $0x0  }
0xa4: {  	s31 =	simm.s32 $0x1580;
	[sflag:s17] =	ssyncadd.s32 $0xFFFFC000  }
0xa5: {  	[spmem:s3] =	stream.indirect.scatter.add.f32 [tilespmem:s15], [sflag:$0x4], $0x80, s31, s13, $0xb8;
	[tilespmem:$0x1E400] =	vst v63  }
0xa6: {  	_ =	swait.ge [sflag:s18], $0x4000  }
0xa7: {  	[sflag:s18] =	ssyncset.done $0x0  }
0xa8: {  	[sflag:s18] =	ssyncadd.s32 $0xFFFFC000  }
0xa9: {  	_ =	swait.ge [sflag:s19], $0x4000  }
0xaa: {  	s24 =	simm.s32 $0x800;
	s26 =	simm.s32 $0x1000;
	[sflag:s19] =	ssyncset.done $0x0  }
.LBB2_4:
0xab: {  	s28 =	sshra.s32 s24, $0x2  }
0xac: {  	[sflag:s19] =	ssyncadd.s32 $0xFFFFC000;
	s24 =	smov.u32 s26;
	s25 =	sadd.s32 $0x800, s26  }
0xad: {  	[tilespmem:s14], [sflag:$0x1] =	stream.indirect.gather [hbm4b:s0+s13], $0x80, s28, s13, $0xb8;
	[tilespmem:$0x1E400] =	vst v63  }
0xae: {  	p0 =	sne.s32 s26, $0x4800;
	s26 =	sadd.s32 $0x80, s28  }
0xaf: {  	[tilespmem:s15], [sflag:$0x2] =	stream.indirect.gather [hbm4b:s0+s13], $0x80, s26, s13, $0xb8;
	[tilespmem:$0x1E400] =	vst v63  }
0xb0: {  	_ =	swait.ge [sflag:s16], $0x4000  }
0xb1: {  	[sflag:s16] =	ssyncset.done $0x0  }
0xb2: {  	s26 =	sadd.s32 $0x1400, s28;
	[sflag:s16] =	ssyncadd.s32 $0xFFFFC000  }
0xb3: {  	[spmem:s3] =	stream.indirect.scatter.add.f32 [tilespmem:s14], [sflag:$0x3], $0x80, s26, s13, $0xb8;
	[tilespmem:$0x1E400] =	vst v63  }
0xb4: {  	_ =	swait.ge [sflag:s17], $0x4000  }
0xb5: {  	[sflag:s17] =	ssyncset.done $0x0  }
0xb6: {  	s26 =	sadd.s32 $0x1480, s28;
	[sflag:s17] =	ssyncadd.s32 $0xFFFFC000  }
0xb7: {  	[spmem:s3] =	stream.indirect.scatter.add.f32 [tilespmem:s15], [sflag:$0x4], $0x80, s26, s13, $0xb8;
	[tilespmem:$0x1E400] =	vst v63  }
0xb8: {  	_ =	swait.ge [sflag:s18], $0x4000  }
0xb9: {  	[sflag:s18] =	ssyncset.done $0x0  }
0xba: {  	s26 =	sadd.s32 $0x100, s28;
	[sflag:s18] =	ssyncadd.s32 $0xFFFFC000  }
0xbb: {  	[tilespmem:s14], [sflag:$0x1] =	stream.indirect.gather [hbm4b:s0+s13], $0x80, s26, s13, $0xb8;
	[tilespmem:$0x1E400] =	vst v63  }
0xbc: {  	_ =	swait.ge [sflag:s19], $0x4000  }
0xbd: {  	[sflag:s19] =	ssyncset.done $0x0  }
0xbe: {  	s26 =	sadd.s32 $0x180, s28;
	[sflag:s19] =	ssyncadd.s32 $0xFFFFC000  }
0xbf: {  	[tilespmem:s15], [sflag:$0x2] =	stream.indirect.gather [hbm4b:s0+s13], $0x80, s26, s13, $0xb8;
	[tilespmem:$0x1E400] =	vst v63  }
0xc0: {  	_ =	swait.ge [sflag:s16], $0x4000  }
0xc1: {  	[sflag:s16] =	ssyncset.done $0x0  }
0xc2: {  	s26 =	sadd.s32 $0x1500, s28;
	[sflag:s16] =	ssyncadd.s32 $0xFFFFC000  }
0xc3: {  	[spmem:s3] =	stream.indirect.scatter.add.f32 [tilespmem:s14], [sflag:$0x3], $0x80, s26, s13, $0xb8;
	[tilespmem:$0x1E400] =	vst v63  }
0xc4: {  	_ =	swait.ge [sflag:s17], $0x4000  }
0xc5: {  	[sflag:s17] =	ssyncset.done $0x0  }
0xc6: {  	s26 =	sadd.s32 $0x1580, s28;
	[sflag:s17] =	ssyncadd.s32 $0xFFFFC000  }
0xc7: {  	[spmem:s3] =	stream.indirect.scatter.add.f32 [tilespmem:s15], [sflag:$0x4], $0x80, s26, s13, $0xb8;
	[tilespmem:$0x1E400] =	vst v63  }
.Ltmp1:
0xc8: {  	_ =	swait.ge [sflag:s18], $0x4000;
	(pc) =	sbr.rel @p0 .LBB2_4-.Ltmp1, $4  }
0xc9: {  	[sflag:s18] =	ssyncset.done $0x0  }
0xca: {  	[sflag:s18] =	ssyncadd.s32 $0xFFFFC000  }
0xcb: {  	_ =	swait.ge [sflag:s19], $0x4000  }
0xcc: {  	s26 =	smov.u32 s25;
	[sflag:s19] =	ssyncset.done $0x0  }
0xcd: {  	s24 =	sshra.s32 s24, $0x2;
	[sflag:s19] =	ssyncadd.s32 $0xFFFFC000  }
0xce: {  	[tilespmem:s14], [sflag:$0x1] =	stream.indirect.gather [hbm4b:s0+s13], $0x80, s24, s13, $0xb8;
	[tilespmem:$0x1E400] =	vst v63  }
0xcf: {  	s25 =	sadd.s32 $0x80, s24  }
0xd0: {  	[tilespmem:s15], [sflag:$0x2] =	stream.indirect.gather [hbm4b:s0+s13], $0x80, s25, s13, $0xb8;
	[tilespmem:$0x1E400] =	vst v63  }
0xd1: {  	_ =	swait.ge [sflag:s16], $0x4000  }
0xd2: {  	[sflag:s16] =	ssyncset.done $0x0  }
0xd3: {  	s26 =	sadd.s32 $0x1400, s24;
	[sflag:s16] =	ssyncadd.s32 $0xFFFFC000  }
0xd4: {  	[spmem:s3] =	stream.indirect.scatter.add.f32 [tilespmem:s14], [sflag:$0x3], $0x80, s26, s13, $0xb8;
	[tilespmem:$0x1E400] =	vst v63  }
0xd5: {  	_ =	swait.ge [sflag:s17], $0x4000  }
0xd6: {  	[sflag:s17] =	ssyncset.done $0x0  }
0xd7: {  	s28 =	sadd.s32 $0x1480, s24;
	[sflag:s17] =	ssyncadd.s32 $0xFFFFC000  }
0xd8: {  	[spmem:s3] =	stream.indirect.scatter.add.f32 [tilespmem:s15], [sflag:$0x4], $0x80, s28, s13, $0xb8;
	[tilespmem:$0x1E400] =	vst v63  }
0xd9: {  	_ =	swait.ge [sflag:s18], $0x4000  }
0xda: {  	[sflag:s18] =	ssyncset.done $0x0  }
0xdb: {  	s29 =	sadd.s32 $0x100, s24;
	[sflag:s18] =	ssyncadd.s32 $0xFFFFC000  }
0xdc: {  	[tilespmem:s14], [sflag:$0x1] =	stream.indirect.gather [hbm4b:s0+s13], $0x80, s29, s13, $0xb8;
	[tilespmem:$0x1E400] =	vst v63  }
0xdd: {  	_ =	swait.ge [sflag:s19], $0x4000  }
0xde: {  	[sflag:s19] =	ssyncset.done $0x0  }
0xdf: {  	s30 =	sadd.s32 $0x180, s24;
	[sflag:s19] =	ssyncadd.s32 $0xFFFFC000  }
0xe0: {  	[tilespmem:s15], [sflag:$0x2] =	stream.indirect.gather [hbm4b:s0+s13], $0x80, s30, s13, $0xb8;
	[tilespmem:$0x1E400] =	vst v63  }
0xe1: {  	_ =	swait.ge [sflag:s16], $0x4000  }
0xe2: {  	[sflag:s16] =	ssyncset.done $0x0  }
0xe3: {  	s31 =	sadd.s32 $0x1500, s24;
	[sflag:s16] =	ssyncadd.s32 $0xFFFFC000  }
0xe4: {  	[spmem:s3] =	stream.indirect.scatter.add.f32 [tilespmem:s14], [sflag:$0x3], $0x80, s31, s13, $0xb8;
	[tilespmem:$0x1E400] =	vst v63  }
0xe5: {  	_ =	swait.ge [sflag:s17], $0x4000  }
0xe6: {  	[sflag:s17] =	ssyncset.done $0x0  }
0xe7: {  	s24 =	sadd.s32 $0x1580, s24;
	[sflag:s17] =	ssyncadd.s32 $0xFFFFC000  }
0xe8: {  	[spmem:s3] =	stream.indirect.scatter.add.f32 [tilespmem:s15], [sflag:$0x4], $0x80, s24, s13, $0xb8;
	[tilespmem:$0x1E400] =	vst v63  }
0xe9: {  	_ =	swait.ge [sflag:s18], $0x4000  }
0xea: {  	[sflag:s18] =	ssyncset.done $0x0  }
0xeb: {  	[sflag:s18] =	ssyncadd.s32 $0xFFFFC000  }
0xec: {  	_ =	swait.ge [sflag:s19], $0x4000  }
0xed: {  	s23 =	sadd.s32 $0x1, s23;
	[sflag:s19] =	ssyncset.done $0x0  }
0xee: {  	p0 =	sne.s32 s23, s9;
	[sflag:s19] =	ssyncadd.s32 $0xFFFFC000  }
.Ltmp2:
0xef: {  	[bflag:$0x0] =	sbarrier.arrive $0xFFFF;
	(pc) =	sbr.rel @p0 .LBB2_1-.Ltmp2, $4  }
0xf0: {  	[hbm:s22], [sflag:s6] =	dma.local [spmem:s10], $0x2780  }
0xf1: {  	_ =	swait.ge [sflag:s11], $0x2780  }
0xf2: {  	[sflag:s11] =	ssyncset.done $0x0  }
0xf3: {  	[sflag:s11] =	ssyncadd.s32 $0xFFFFD880  }
0xf4: {  	_ =	sfence.sel $0x180000  }
0xf5: {  	[bflag:$0x0] =	sbarrier.arrive $0xFFFF  }
0xf6: {  	p0 =	sne.s32 s2, $0x0;
	_ =	strace $0x90000047  }
0xf7: {  	s0 =	sadd.s32 @!p0 $0x100000, s1;
	[bflag:$0x2] =	sbarrier.arrive $0xFFFF  }
0xf8: {  	[sflag:s0] =	ssyncadd.tile.s32 @!p0 $0x1;
	_ =	shalt  }
.Lfunc_end2:
_tile_overlayer_lowered:
.L_overlay_start_2:
0xf9: {  	(tag) =	ssettag $0x2  }
0xfa: {  	s0 =	rddreg [dreg:$0x0];
	s2 =	stileid.u32  }
0xfb: {  	s1 =	rddreg [dreg:$0x1];
	p0 =	sne.s32 s2, $0x0  }
0xfc: {  	s3 =	rddreg [dreg:$0x2];
	[bflag:$0x3] =	sbarrier.arrive $0xFFFF;
	s2 =	simm.s32 @!p0 $0x1C05  }
0xfd: {  	[timem:s3], [sflag:s2] =	dma.local @!p0 [hbm:s0], s1  }
0xfe: {  	s0 =	simm.s32 @!p0 $0x5  }
0xff: {  	_ =	swait.ge @!p0 [sflag:s0], s1  }
0x100: {  	s1 =	ssub.s32 @!p0 $0x0, s1;
	[sflag:s0] =	ssyncset.done @!p0 $0x0  }
0x101: {  	[sflag:s0] =	ssyncadd.s32 @!p0 s1  }
0x102: {  	[bflag:$0x3] =	sbarrier.arrive $0xFFFF  }
0x103: {  	_ =	shalt  }

</sc_bundles>
